<compile_context>
chip_gen: v7x
topology: tpu7x:2x2x1
jax: 0.10.2.dev20260603
libtpu: 0.0.44.dev20260713+nightly
codegen_flags: <defaults>
</compile_context>

<pallas_src>
import functools

import jax
import jax.numpy as jnp
from jax import lax
from jax.experimental import pallas as pl
from jax.experimental.pallas import tpu as pltpu
from jax.experimental.pallas import tpu_sc as plsc

_NUM_SLOTS = 8192
_NUM_UPD = 4096
_D = 128

_NC = 2
_NS = 16
_NW = _NC * _NS

_SLOTS_W = _NUM_SLOTS // _NW

_R = 7
_LOOK = 4
_LAG = _R - _LOOK
_L = 16
_ROWS_P = _R * ((_SLOTS_W + _LOOK + _R - 1) // _R)
_JW_SZ = _ROWS_P + _LOOK + _L


def _sload(ref, i):
    return ref[pl.ds(i, _L)][0]


def _sstore(ref, i, val, lane0):
    plsc.store_scatter(
        ref,
        [jnp.full((_L,), i, jnp.int32)],
        jnp.full((_L,), val, ref.dtype),
        mask=lane0,
    )


_sc_mesh = plsc.VectorSubcoreMesh(
    core_axis_name="c", subcore_axis_name="s", num_cores=_NC, num_subcores=_NS
)


@functools.partial(
    pl.kernel,
    out_type=jax.ShapeDtypeStruct((_NUM_SLOTS, _D, _D), jnp.float32),
    mesh=_sc_mesh,
    compiler_params=pltpu.CompilerParams(needs_layout_passes=False),
    scratch_types=[
        pltpu.VMEM((_NUM_UPD + _L,), jnp.int32),
        pltpu.VMEM((_JW_SZ,), jnp.int32),
        pltpu.VMEM((_R, _D, _D), jnp.float32),
        pltpu.SemaphoreType.DMA((_R,)),
        pltpu.SemaphoreType.DMA((_R,)),
    ],
)
def _sc_update(idx_hbm, arg0_hbm, arg3_hbm, out_hbm,
               idx_v, jwin, bufs, in_sems, out_sems):
    wid = lax.axis_index("s") * _NC + lax.axis_index("c")
    ii0 = lax.iota(jnp.int32, _L)
    lane0 = ii0 == 0

    pltpu.sync_copy(idx_hbm, idx_v.at[pl.ds(0, _NUM_UPD)])

    for b in range(_JW_SZ // _L):
        jwin[pl.ds(b * _L, _L)] = jnp.full((_L,), -1, jnp.int32)

    def sel_body(t, _):
        v = idx_v[pl.ds(t * _L, _L)]
        mine = (v & (_NW - 1)) == wid

        @pl.when(jnp.any(mine))
        def _():
            slots = lax.shift_right_logical(v, 5)
            jv = (t * _L) + ii0
            plsc.store_scatter(jwin, [slots], jv, mask=mine)
            g0 = plsc.load_gather(jwin, [slots], mask=mine)

            def fix_cond(g):
                return jnp.any(mine & (jv > g))

            def fix_body(g):
                plsc.store_scatter(jwin, [slots], jv, mask=mine & (jv > g))
                return plsc.load_gather(jwin, [slots], mask=mine)

            lax.while_loop(fix_cond, fix_body, g0)

        return 0

    lax.fori_loop(0, _NUM_UPD // _L, sel_body, 0)

    jlast = _sload(jwin, _SLOTS_W - 1)

    def pad_body(p, _):
        _sstore(jwin, p, jlast, lane0)
        return 0

    lax.fori_loop(_SLOTS_W, _ROWS_P, pad_body, 0)

    zero16 = jnp.zeros((_L,), jnp.float32)

    def slot_of(p):
        return jnp.minimum(p, _SLOTS_W - 1) * _NW + wid

    def fire_in(p, b):
        j = _sload(jwin, p)

        @pl.when(j >= 0)
        def _():
            pltpu.async_copy(arg3_hbm.at[j], bufs.at[b], in_sems.at[b])

        @pl.when(j < 0)
        def _():
            pltpu.async_copy(
                arg0_hbm.at[slot_of(p)], bufs.at[b], in_sems.at[b]
            )

    def drain_in(b):
        pltpu.make_async_copy(
            arg0_hbm.at[0], bufs.at[b], in_sems.at[b]
        ).wait()

    def fire_out(p, b):
        pltpu.async_copy(bufs.at[b], out_hbm.at[slot_of(p)], out_sems.at[b])

    def drain_out(b):
        pltpu.make_async_copy(
            bufs.at[b], out_hbm.at[0], out_sems.at[b]
        ).wait()

    def zero_diag(b):
        for k in range(_D // _L):
            ii = ii0 + (_L * k)
            plsc.store_scatter(bufs.at[b], [ii, ii], zero16)

    for b in range(_LOOK):
        fire_in(b, b)

    def ring_body(i, _):
        r0 = _R * i
        for t in range(_R):
            r = r0 + t
            drain_in(t)
            zero_diag(t)
            fire_out(r, t)
            to = (t + _LOOK) % _R
            if t >= _LAG:
                drain_out(to)
            else:

                @pl.when(r >= _LAG)
                def _():
                    drain_out(to)

            fire_in(r + _LOOK, to)
        return 0

    lax.fori_loop(0, _ROWS_P // _R, ring_body, 0)

    for t in range(_LAG):
        drain_out((_ROWS_P - _LAG + t) % _R)
    for t in range(_LOOK):
        drain_in((_ROWS_P + t) % _R)




@jax.jit
def kernel(arg0_1, arg1_1, arg2_1, arg3_1):
    del arg2_1
    idx = arg1_1.astype(jnp.int32)
    return _sc_update(idx, arg0_1, arg3_1)

# --- scband reference (transcript-rebuilt; emitter-appended) ---
"""Pipeline reference for scband-repro-15075335209189 (READ-ONLY COPY).

The authoritative reference and input builder live on the scoring server;
editing this copy changes nothing except your own understanding.
"""

import jax, jax.numpy as jnp
import numpy as np


def setup_inputs(seed: int = 0) -> dict:
    key = jax.random.key(seed)
    k0, k1, k2, k3 = jax.random.split(key, 4)
    arg0_1 = jax.random.normal(k0, (8192, 128, 128), dtype=jnp.float32)
    arg1_1 = jax.random.randint(k1, (4096,), 0, 8192, dtype=jnp.int64)
    arg2_1 = jax.random.normal(k2, (1,), dtype=jnp.float32)
    arg3_1 = jax.random.normal(k3, (4096, 128, 128), dtype=jnp.float32)
    return {"arg0_1": arg0_1, "arg1_1": arg1_1, "arg2_1": arg2_1, "arg3_1": arg3_1}


def reference(arg0_1, arg1_1, arg2_1, arg3_1):
    # index_put: overwrite rows of the memory bank at indices arg1_1 with arg3_1
    out = arg0_1.at[arg1_1].set(arg3_1)
    # zero the diagonal of every [128, 128] matrix slot
    iota = jnp.arange(128, dtype=jnp.int64)
    out = out.at[:, iota, iota].set(0.0)
    # copy_ back into arg0_1 (functional: just return the updated bank)
    return out

if __name__ == "__main__":
    import jax
    _d = setup_inputs()
    print(jax.jit(kernel)(*tuple(_d.values())))

</pallas_src>

<mosaic_0001>
#map = affine_map<(d0, d1) -> (0)>
#map1 = affine_map<(d0, d1) -> (0, 0, 0)>
module attributes {stable_mosaic.version = 14 : i64} {
  func.func @_sc_update(%arg0: i32, %arg1: i32, %arg2: memref<4096xi32, #tpu.memory_space<hbm>>, %arg3: memref<8192x128x128xf32, #tpu.memory_space<hbm>>, %arg4: memref<4096x128x128xf32, #tpu.memory_space<hbm>>, %arg5: memref<8192x128x128xf32, #tpu.memory_space<hbm>>, %arg6: memref<4112xi32, #tpu.memory_space<vmem>>, %arg7: memref<286xi32, #tpu.memory_space<vmem>>, %arg8: memref<7x128x128xf32, #tpu.memory_space<vmem>>, %arg9: memref<7x!tpu.dma_semaphore, #tpu.memory_space<semaphore_mem>>, %arg10: memref<7x!tpu.dma_semaphore, #tpu.memory_space<semaphore_mem>>) attributes {dimension_semantics = [#tpu.dimension_semantics<core_parallel>, #tpu.dimension_semantics<subcore_parallel>], iteration_bounds = array<i64: 2, 16>, scalar_prefetch = 0 : i64, scratch_operands = 5 : i64, tpu.core_type = #tpu.core_type<sc_vector_subcore>, window_params = [{transform_indices = #map}, {transform_indices = #map1}, {transform_indices = #map1}, {transform_indices = #map1}]} {
    %mul3A = arith.constant 2 : i32
    %mul3A_0 = arith.muli %arg1, %mul3A : i32
    %add3A = arith.addi %mul3A_0, %arg0 : i32
    %iota3A = tpu.iota {dimensions = array<i32: 0>} : vector<16xi32>
    %eq3A = arith.constant 0 : i32
    %eq3A_1 = vector.broadcast %eq3A : i32 to vector<16xi32>
    %eq3A_2 = arith.cmpi eq, %iota3A, %eq3A_1 : vector<16xi32>
    "tpu.region"() ({
      %run_scoped3A = tpu.sem_alloc : memref<!tpu.dma_semaphore, #tpu.memory_space<semaphore_mem>>
      %dma_start3A = arith.constant 0 : i32
      %dma_start3A_290 = tpu.memref_slice %arg6[%dma_start3A] : memref<4112xi32, #tpu.memory_space<vmem>> -> memref<4096xi32, #tpu.memory_space<vmem>>
      %dma_start3A_291 = arith.constant 0 : i32
      %dma_start3A_292 = tpu.memref_slice %arg6[%dma_start3A_291] : memref<4112xi32, #tpu.memory_space<vmem>> -> memref<4096xi32, #tpu.memory_space<vmem>>
      tpu.enqueue_dma source(%arg2 : memref<4096xi32, #tpu.memory_space<hbm>>) target(%dma_start3A_292 : memref<4096xi32, #tpu.memory_space<vmem>>) target_semaphore(%run_scoped3A : memref<!tpu.dma_semaphore, #tpu.memory_space<semaphore_mem>>)
      %dma_wait3A_293 = arith.constant 0 : i32
      %dma_wait3A_294 = tpu.memref_slice %arg6[%dma_wait3A_293] : memref<4112xi32, #tpu.memory_space<vmem>> -> memref<4096xi32, #tpu.memory_space<vmem>>
      %dma_wait3A_295 = arith.constant 0 : i32
      %dma_wait3A_296 = tpu.memref_slice %arg6[%dma_wait3A_295] : memref<4112xi32, #tpu.memory_space<vmem>> -> memref<4096xi32, #tpu.memory_space<vmem>>
      tpu.wait_dma2 semaphore(%run_scoped3A : memref<!tpu.dma_semaphore, #tpu.memory_space<semaphore_mem>>) src(%arg2 : memref<4096xi32, #tpu.memory_space<hbm>>) dst(%dma_wait3A_296 : memref<4096xi32, #tpu.memory_space<vmem>>)
      tpu.yield
    }) : () -> ()
    %broadcast_in_dim3A = arith.constant -1 : i32
    %broadcast_in_dim3A_3 = vector.broadcast %broadcast_in_dim3A : i32 to vector<16xi32>
    %swap3A = arith.constant 0 : index
    %swap3A_4 = tpu.vector_load %arg7[%swap3A] {strides = array<i32>} : memref<286xi32, #tpu.memory_space<vmem>>, vector<16xi32>,
    tpu.vector_store %arg7[%swap3A], %broadcast_in_dim3A_3 {strides = array<i32>} : memref<286xi32, #tpu.memory_space<vmem>>, vector<16xi32>,
    %broadcast_in_dim3A_5 = arith.constant -1 : i32
    %broadcast_in_dim3A_6 = vector.broadcast %broadcast_in_dim3A_5 : i32 to vector<16xi32>
    %swap3A_7 = arith.constant 16 : index
    %swap3A_8 = tpu.vector_load %arg7[%swap3A_7] {strides = array<i32>} : memref<286xi32, #tpu.memory_space<vmem>>, vector<16xi32>,
    tpu.vector_store %arg7[%swap3A_7], %broadcast_in_dim3A_6 {strides = array<i32>} : memref<286xi32, #tpu.memory_space<vmem>>, vector<16xi32>,
    %broadcast_in_dim3A_9 = arith.constant -1 : i32
    %broadcast_in_dim3A_10 = vector.broadcast %broadcast_in_dim3A_9 : i32 to vector<16xi32>
    %swap3A_11 = arith.constant 32 : index
    %swap3A_12 = tpu.vector_load %arg7[%swap3A_11] {strides = array<i32>} : memref<286xi32, #tpu.memory_space<vmem>>, vector<16xi32>,
    tpu.vector_store %arg7[%swap3A_11], %broadcast_in_dim3A_10 {strides = array<i32>} : memref<286xi32, #tpu.memory_space<vmem>>, vector<16xi32>,
    %broadcast_in_dim3A_13 = arith.constant -1 : i32
    %broadcast_in_dim3A_14 = vector.broadcast %broadcast_in_dim3A_13 : i32 to vector<16xi32>
    %swap3A_15 = arith.constant 48 : index
    %swap3A_16 = tpu.vector_load %arg7[%swap3A_15] {strides = array<i32>} : memref<286xi32, #tpu.memory_space<vmem>>, vector<16xi32>,
    tpu.vector_store %arg7[%swap3A_15], %broadcast_in_dim3A_14 {strides = array<i32>} : memref<286xi32, #tpu.memory_space<vmem>>, vector<16xi32>,
    %broadcast_in_dim3A_17 = arith.constant -1 : i32
    %broadcast_in_dim3A_18 = vector.broadcast %broadcast_in_dim3A_17 : i32 to vector<16xi32>
    %swap3A_19 = arith.constant 64 : index
    %swap3A_20 = tpu.vector_load %arg7[%swap3A_19] {strides = array<i32>} : memref<286xi32, #tpu.memory_space<vmem>>, vector<16xi32>,
    tpu.vector_store %arg7[%swap3A_19], %broadcast_in_dim3A_18 {strides = array<i32>} : memref<286xi32, #tpu.memory_space<vmem>>, vector<16xi32>,
    %broadcast_in_dim3A_21 = arith.constant -1 : i32
    %broadcast_in_dim3A_22 = vector.broadcast %broadcast_in_dim3A_21 : i32 to vector<16xi32>
    %swap3A_23 = arith.constant 80 : index
    %swap3A_24 = tpu.vector_load %arg7[%swap3A_23] {strides = array<i32>} : memref<286xi32, #tpu.memory_space<vmem>>, vector<16xi32>,
    tpu.vector_store %arg7[%swap3A_23], %broadcast_in_dim3A_22 {strides = array<i32>} : memref<286xi32, #tpu.memory_space<vmem>>, vector<16xi32>,
    %broadcast_in_dim3A_25 = arith.constant -1 : i32
    %broadcast_in_dim3A_26 = vector.broadcast %broadcast_in_dim3A_25 : i32 to vector<16xi32>
    %swap3A_27 = arith.constant 96 : index
    %swap3A_28 = tpu.vector_load %arg7[%swap3A_27] {strides = array<i32>} : memref<286xi32, #tpu.memory_space<vmem>>, vector<16xi32>,
    tpu.vector_store %arg7[%swap3A_27], %broadcast_in_dim3A_26 {strides = array<i32>} : memref<286xi32, #tpu.memory_space<vmem>>, vector<16xi32>,
    %broadcast_in_dim3A_29 = arith.constant -1 : i32
    %broadcast_in_dim3A_30 = vector.broadcast %broadcast_in_dim3A_29 : i32 to vector<16xi32>
    %swap3A_31 = arith.constant 112 : index
    %swap3A_32 = tpu.vector_load %arg7[%swap3A_31] {strides = array<i32>} : memref<286xi32, #tpu.memory_space<vmem>>, vector<16xi32>,
    tpu.vector_store %arg7[%swap3A_31], %broadcast_in_dim3A_30 {strides = array<i32>} : memref<286xi32, #tpu.memory_space<vmem>>, vector<16xi32>,
    %broadcast_in_dim3A_33 = arith.constant -1 : i32
    %broadcast_in_dim3A_34 = vector.broadcast %broadcast_in_dim3A_33 : i32 to vector<16xi32>
    %swap3A_35 = arith.constant 128 : index
    %swap3A_36 = tpu.vector_load %arg7[%swap3A_35] {strides = array<i32>} : memref<286xi32, #tpu.memory_space<vmem>>, vector<16xi32>,
    tpu.vector_store %arg7[%swap3A_35], %broadcast_in_dim3A_34 {strides = array<i32>} : memref<286xi32, #tpu.memory_space<vmem>>, vector<16xi32>,
    %broadcast_in_dim3A_37 = arith.constant -1 : i32
    %broadcast_in_dim3A_38 = vector.broadcast %broadcast_in_dim3A_37 : i32 to vector<16xi32>
    %swap3A_39 = arith.constant 144 : index
    %swap3A_40 = tpu.vector_load %arg7[%swap3A_39] {strides = array<i32>} : memref<286xi32, #tpu.memory_space<vmem>>, vector<16xi32>,
    tpu.vector_store %arg7[%swap3A_39], %broadcast_in_dim3A_38 {strides = array<i32>} : memref<286xi32, #tpu.memory_space<vmem>>, vector<16xi32>,
    %broadcast_in_dim3A_41 = arith.constant -1 : i32
    %broadcast_in_dim3A_42 = vector.broadcast %broadcast_in_dim3A_41 : i32 to vector<16xi32>
    %swap3A_43 = arith.constant 160 : index
    %swap3A_44 = tpu.vector_load %arg7[%swap3A_43] {strides = array<i32>} : memref<286xi32, #tpu.memory_space<vmem>>, vector<16xi32>,
    tpu.vector_store %arg7[%swap3A_43], %broadcast_in_dim3A_42 {strides = array<i32>} : memref<286xi32, #tpu.memory_space<vmem>>, vector<16xi32>,
    %broadcast_in_dim3A_45 = arith.constant -1 : i32
    %broadcast_in_dim3A_46 = vector.broadcast %broadcast_in_dim3A_45 : i32 to vector<16xi32>
    %swap3A_47 = arith.constant 176 : index
    %swap3A_48 = tpu.vector_load %arg7[%swap3A_47] {strides = array<i32>} : memref<286xi32, #tpu.memory_space<vmem>>, vector<16xi32>,
    tpu.vector_store %arg7[%swap3A_47], %broadcast_in_dim3A_46 {strides = array<i32>} : memref<286xi32, #tpu.memory_space<vmem>>, vector<16xi32>,
    %broadcast_in_dim3A_49 = arith.constant -1 : i32
    %broadcast_in_dim3A_50 = vector.broadcast %broadcast_in_dim3A_49 : i32 to vector<16xi32>
    %swap3A_51 = arith.constant 192 : index
    %swap3A_52 = tpu.vector_load %arg7[%swap3A_51] {strides = array<i32>} : memref<286xi32, #tpu.memory_space<vmem>>, vector<16xi32>,
    tpu.vector_store %arg7[%swap3A_51], %broadcast_in_dim3A_50 {strides = array<i32>} : memref<286xi32, #tpu.memory_space<vmem>>, vector<16xi32>,
    %broadcast_in_dim3A_53 = arith.constant -1 : i32
    %broadcast_in_dim3A_54 = vector.broadcast %broadcast_in_dim3A_53 : i32 to vector<16xi32>
    %swap3A_55 = arith.constant 208 : index
    %swap3A_56 = tpu.vector_load %arg7[%swap3A_55] {strides = array<i32>} : memref<286xi32, #tpu.memory_space<vmem>>, vector<16xi32>,
    tpu.vector_store %arg7[%swap3A_55], %broadcast_in_dim3A_54 {strides = array<i32>} : memref<286xi32, #tpu.memory_space<vmem>>, vector<16xi32>,
    %broadcast_in_dim3A_57 = arith.constant -1 : i32
    %broadcast_in_dim3A_58 = vector.broadcast %broadcast_in_dim3A_57 : i32 to vector<16xi32>
    %swap3A_59 = arith.constant 224 : index
    %swap3A_60 = tpu.vector_load %arg7[%swap3A_59] {strides = array<i32>} : memref<286xi32, #tpu.memory_space<vmem>>, vector<16xi32>,
    tpu.vector_store %arg7[%swap3A_59], %broadcast_in_dim3A_58 {strides = array<i32>} : memref<286xi32, #tpu.memory_space<vmem>>, vector<16xi32>,
    %broadcast_in_dim3A_61 = arith.constant -1 : i32
    %broadcast_in_dim3A_62 = vector.broadcast %broadcast_in_dim3A_61 : i32 to vector<16xi32>
    %swap3A_63 = arith.constant 240 : index
    %swap3A_64 = tpu.vector_load %arg7[%swap3A_63] {strides = array<i32>} : memref<286xi32, #tpu.memory_space<vmem>>, vector<16xi32>,
    tpu.vector_store %arg7[%swap3A_63], %broadcast_in_dim3A_62 {strides = array<i32>} : memref<286xi32, #tpu.memory_space<vmem>>, vector<16xi32>,
    %broadcast_in_dim3A_65 = arith.constant -1 : i32
    %broadcast_in_dim3A_66 = vector.broadcast %broadcast_in_dim3A_65 : i32 to vector<16xi32>
    %swap3A_67 = arith.constant 256 : index
    %swap3A_68 = tpu.vector_load %arg7[%swap3A_67] {strides = array<i32>} : memref<286xi32, #tpu.memory_space<vmem>>, vector<16xi32>,
    tpu.vector_store %arg7[%swap3A_67], %broadcast_in_dim3A_66 {strides = array<i32>} : memref<286xi32, #tpu.memory_space<vmem>>, vector<16xi32>,
    %scan3A = arith.constant 0 : i32
    %scan3A_69 = arith.constant 0 : i32
    %scan3A_70 = arith.constant 256 : i32
    %scan3A_71 = arith.addi %scan3A_69, %scan3A_70 : i32
    %scan3A_72 = arith.constant 1 : i32
    %scan3A_73 = scf.for %scan3A_290 = %scan3A_69 to %scan3A_71 step %scan3A_72 iter_args(%scan3A_291 = %scan3A) -> (i32)  : i32 {
      %mul3A_292 = arith.constant 16 : i32
      %mul3A_293 = arith.muli %scan3A_290, %mul3A_292 : i32
      %get3A_294 = arith.index_cast %mul3A_293 : i32 to index
      %get3A_295 = tpu.vector_load %arg6[%get3A_294] {strides = array<i32>} : memref<4112xi32, #tpu.memory_space<vmem>>, vector<16xi32>,
      %and3A = arith.constant 31 : i32
      %and3A_296 = vector.broadcast %and3A : i32 to vector<16xi32>
      %and3A_297 = arith.andi %get3A_295, %and3A_296 : vector<16xi32>
      %eq3A_298 = vector.broadcast %add3A : i32 to vector<16xi32>
      %eq3A_299 = arith.cmpi eq, %and3A_297, %eq3A_298 : vector<16xi32>
      %reduce_or3A = arith.constant 1.000000e+00 : f32
      %reduce_or3A_300 = arith.constant 0.000000e+00 : f32
      %reduce_or3A_301 = vector.broadcast %reduce_or3A : f32 to vector<16xf32>
      %reduce_or3A_302 = vector.broadcast %reduce_or3A_300 : f32 to vector<16xf32>
      %reduce_or3A_303 = arith.select %eq3A_299, %reduce_or3A_301, %reduce_or3A_302 : vector<16xi1>, vector<16xf32>
      %reduce_or3A_304 = arith.constant true
      %reduce_or3A_305 = vector.broadcast %reduce_or3A_304 : i1 to vector<16xi1>
      %reduce_or3A_306 = tpu.scan <max>, %reduce_or3A_303 masked %reduce_or3A_305 : vector<16xf32>, vector<16xi1> -> vector<16xf32>
      %reduce_or3A_307 = vector.extract %reduce_or3A_306[15] : f32 from vector<16xf32>
      %reduce_or3A_308 = arith.constant 0.000000e+00 : f32
      %reduce_or3A_309 = arith.cmpf ogt, %reduce_or3A_307, %reduce_or3A_308 : f32
      %convert_element_type3A_310 = arith.extui %reduce_or3A_309 : i1 to i32
      %cond3A_311 = arith.constant 0 : i32
      %cond3A_312 = arith.cmpi ne, %convert_element_type3A_310, %cond3A_311 : i32
      scf.if %cond3A_312 {
        %shift_right_logical3A = arith.constant 5 : i32
        %shift_right_logical3A_314 = vector.broadcast %shift_right_logical3A : i32 to vector<16xi32>
        %shift_right_logical3A_315 = arith.shrui %get3A_295, %shift_right_logical3A_314 : vector<16xi32>
        %mul3A_316 = arith.constant 16 : i32
        %mul3A_317 = arith.muli %scan3A_290, %mul3A_316 : i32
        %add3A_318 = vector.broadcast %mul3A_317 : i32 to vector<16xi32>
        %add3A_319 = arith.addi %add3A_318, %iota3A : vector<16xi32>
        tpu.vector_store_idx %arg7[%shift_right_logical3A_315], %add3A_319 masked %eq3A_299 : memref<286xi32, #tpu.memory_space<vmem>>[vector<16xi32>], vector<16xi32>, vector<16xi1>
        %gather3A = tpu.vector_load_idx %arg7[%shift_right_logical3A_315] masked %eq3A_299 : memref<286xi32, #tpu.memory_space<vmem>>[vector<16xi32>], vector<16xi32>, vector<16xi1>
        %while3A = scf.while (%while3A_320 = %gather3A) : (vector<16xi32>) -> vector<16xi32> {
          %gt3A = arith.cmpi sgt, %add3A_319, %while3A_320 : vector<16xi32>
          %and3A_321 = arith.andi %eq3A_299, %gt3A : vector<16xi1>
          %reduce_or3A_322 = arith.constant 1.000000e+00 : f32
          %reduce_or3A_323 = arith.constant 0.000000e+00 : f32
          %reduce_or3A_324 = vector.broadcast %reduce_or3A_322 : f32 to vector<16xf32>
          %reduce_or3A_325 = vector.broadcast %reduce_or3A_323 : f32 to vector<16xf32>
          %reduce_or3A_326 = arith.select %and3A_321, %reduce_or3A_324, %reduce_or3A_325 : vector<16xi1>, vector<16xf32>
          %reduce_or3A_327 = arith.constant true
          %reduce_or3A_328 = vector.broadcast %reduce_or3A_327 : i1 to vector<16xi1>
          %reduce_or3A_329 = tpu.scan <max>, %reduce_or3A_326 masked %reduce_or3A_328 : vector<16xf32>, vector<16xi1> -> vector<16xf32>
          %reduce_or3A_330 = vector.extract %reduce_or3A_329[15] : f32 from vector<16xf32>
          %reduce_or3A_331 = arith.constant 0.000000e+00 : f32
          %reduce_or3A_332 = arith.cmpf ogt, %reduce_or3A_330, %reduce_or3A_331 : f32
          scf.condition(%reduce_or3A_332) %while3A_320 : vector<16xi32>
        } do {
        ^bb0(%while3A_320: vector<16xi32>):
          %gt3A = arith.cmpi sgt, %add3A_319, %while3A_320 : vector<16xi32>
          %and3A_321 = arith.andi %eq3A_299, %gt3A : vector<16xi1>
          tpu.vector_store_idx %arg7[%shift_right_logical3A_315], %add3A_319 masked %and3A_321 : memref<286xi32, #tpu.memory_space<vmem>>[vector<16xi32>], vector<16xi32>, vector<16xi1>
          %gather3A_322 = tpu.vector_load_idx %arg7[%shift_right_logical3A_315] masked %eq3A_299 : memref<286xi32, #tpu.memory_space<vmem>>[vector<16xi32>], vector<16xi32>, vector<16xi1>
          scf.yield %gather3A_322 : vector<16xi32>
        }
      } else {
      }
      %scan3A_313 = arith.constant 0 : i32
      scf.yield %scan3A_313 : i32
    }
    %scan3A_74 = arith.constant 256 : i32
    %get3A = arith.constant 255 : index
    %get3A_75 = tpu.vector_load %arg7[%get3A] {strides = array<i32>} : memref<286xi32, #tpu.memory_space<vmem>>, vector<16xi32>,
    %slice3A = vector.extract_strided_slice %get3A_75 {offsets = [0], sizes = [1], strides = [1]} : vector<16xi32> to vector<1xi32>
    %squeeze3A = vector.extract %slice3A[0] : i32 from vector<1xi32>
    %scan3A_76 = arith.constant 0 : i32
    %scan3A_77 = arith.constant 256 : i32
    %scan3A_78 = arith.constant 10 : i32
    %scan3A_79 = arith.addi %scan3A_77, %scan3A_78 : i32
    %scan3A_80 = arith.constant 1 : i32
    %scan3A_81 = scf.for %scan3A_290 = %scan3A_77 to %scan3A_79 step %scan3A_80 iter_args(%scan3A_291 = %scan3A_76) -> (i32)  : i32 {
      %broadcast_in_dim3A_292 = vector.broadcast %scan3A_290 : i32 to vector<16xi32>
      %broadcast_in_dim3A_293 = vector.broadcast %squeeze3A : i32 to vector<16xi32>
      tpu.vector_store_idx %arg7[%broadcast_in_dim3A_292], %broadcast_in_dim3A_293 masked %eq3A_2 : memref<286xi32, #tpu.memory_space<vmem>>[vector<16xi32>], vector<16xi32>, vector<16xi1>
      %scan3A_294 = arith.constant 0 : i32
      scf.yield %scan3A_294 : i32
    }
    %scan3A_82 = arith.constant 10 : i32
    %broadcast_in_dim3A_83 = arith.constant 0.000000e+00 : f32
    %broadcast_in_dim3A_84 = vector.broadcast %broadcast_in_dim3A_83 : f32 to vector<16xf32>
    %get3A_85 = arith.constant 0 : index
    %get3A_86 = tpu.vector_load %arg7[%get3A_85] {strides = array<i32>} : memref<286xi32, #tpu.memory_space<vmem>>, vector<16xi32>,
    %slice3A_87 = vector.extract_strided_slice %get3A_86 {offsets = [0], sizes = [1], strides = [1]} : vector<16xi32> to vector<1xi32>
    %squeeze3A_88 = vector.extract %slice3A_87[0] : i32 from vector<1xi32>
    %ge3A = arith.constant 0 : i32
    %ge3A_89 = arith.cmpi sge, %squeeze3A_88, %ge3A : i32
    %convert_element_type3A = arith.extui %ge3A_89 : i1 to i32
    %cond3A = arith.constant 0 : i32
    %cond3A_90 = arith.cmpi ne, %convert_element_type3A, %cond3A : i32
    scf.if %cond3A_90 {
      %dma_start3A = arith.constant 0 : i32
      %dma_start3A_290 = arith.constant 0 : i32
      %dma_start3A_291 = arith.constant 0 : i32
      %dma_start3A_292 = arith.constant 0 : i32
      %dma_start3A_293 = tpu.memref_slice %arg8[%dma_start3A, %dma_start3A_291, %dma_start3A_292] : memref<7x128x128xf32, #tpu.memory_space<vmem>> -> memref<1x128x128xf32, #tpu.memory_space<vmem>>
      %dma_start3A_294 = tpu.memref_squeeze %dma_start3A_293 : memref<1x128x128xf32, #tpu.memory_space<vmem>> -> memref<128x128xf32, #tpu.memory_space<vmem>>
      %dma_start3A_295 = arith.constant 0 : i32
      %dma_start3A_296 = arith.constant 0 : i32
      %dma_start3A_297 = tpu.memref_slice %arg4[%squeeze3A_88, %dma_start3A_295, %dma_start3A_296] : memref<4096x128x128xf32, #tpu.memory_space<hbm>> -> memref<1x128x128xf32, #tpu.memory_space<hbm>>
      %dma_start3A_298 = tpu.memref_squeeze %dma_start3A_297 : memref<1x128x128xf32, #tpu.memory_space<hbm>> -> memref<128x128xf32, #tpu.memory_space<hbm>>
      %dma_start3A_299 = tpu.memref_slice %arg9[%dma_start3A_290] : memref<7x!tpu.dma_semaphore, #tpu.memory_space<semaphore_mem>> -> memref<1x!tpu.dma_semaphore, #tpu.memory_space<semaphore_mem>>
      %dma_start3A_300 = tpu.memref_squeeze %dma_start3A_299 : memref<1x!tpu.dma_semaphore, #tpu.memory_space<semaphore_mem>> -> memref<!tpu.dma_semaphore, #tpu.memory_space<semaphore_mem>>
      %dma_start3A_301 = arith.constant 0 : i32
      %dma_start3A_302 = arith.constant 0 : i32
      %dma_start3A_303 = tpu.memref_slice %arg8[%dma_start3A, %dma_start3A_301, %dma_start3A_302] : memref<7x128x128xf32, #tpu.memory_space<vmem>> -> memref<1x128x128xf32, #tpu.memory_space<vmem>>
      %dma_start3A_304 = tpu.memref_squeeze %dma_start3A_303 : memref<1x128x128xf32, #tpu.memory_space<vmem>> -> memref<128x128xf32, #tpu.memory_space<vmem>>
      %dma_start3A_305 = arith.constant 0 : i32
      %dma_start3A_306 = arith.constant 0 : i32
      %dma_start3A_307 = tpu.memref_slice %arg4[%squeeze3A_88, %dma_start3A_305, %dma_start3A_306] : memref<4096x128x128xf32, #tpu.memory_space<hbm>> -> memref<1x128x128xf32, #tpu.memory_space<hbm>>
      %dma_start3A_308 = tpu.memref_squeeze %dma_start3A_307 : memref<1x128x128xf32, #tpu.memory_space<hbm>> -> memref<128x128xf32, #tpu.memory_space<hbm>>
      tpu.enqueue_dma source(%dma_start3A_308 : memref<128x128xf32, #tpu.memory_space<hbm>>) target(%dma_start3A_304 : memref<128x128xf32, #tpu.memory_space<vmem>>) target_semaphore(%dma_start3A_300 : memref<!tpu.dma_semaphore, #tpu.memory_space<semaphore_mem>>)
    } else {
    }
    %lt3A = arith.constant 0 : i32
    %lt3A_91 = arith.cmpi slt, %squeeze3A_88, %lt3A : i32
    %convert_element_type3A_92 = arith.extui %lt3A_91 : i1 to i32
    %cond3A_93 = arith.constant 0 : i32
    %cond3A_94 = arith.cmpi ne, %convert_element_type3A_92, %cond3A_93 : i32
    scf.if %cond3A_94 {
      %min3A = arith.constant 0 : i32
      %min3A_290 = arith.constant 255 : i32
      %min3A_291 = arith.minsi %min3A, %min3A_290 : i32
      %mul3A_292 = arith.constant 32 : i32
      %mul3A_293 = arith.muli %min3A_291, %mul3A_292 : i32
      %add3A_294 = arith.addi %mul3A_293, %add3A : i32
      %dma_start3A = arith.constant 0 : i32
      %dma_start3A_295 = arith.constant 0 : i32
      %dma_start3A_296 = arith.constant 0 : i32
      %dma_start3A_297 = arith.constant 0 : i32
      %dma_start3A_298 = tpu.memref_slice %arg8[%dma_start3A, %dma_start3A_296, %dma_start3A_297] : memref<7x128x128xf32, #tpu.memory_space<vmem>> -> memref<1x128x128xf32, #tpu.memory_space<vmem>>
      %dma_start3A_299 = tpu.memref_squeeze %dma_start3A_298 : memref<1x128x128xf32, #tpu.memory_space<vmem>> -> memref<128x128xf32, #tpu.memory_space<vmem>>
      %dma_start3A_300 = arith.constant 0 : i32
      %dma_start3A_301 = arith.constant 0 : i32
      %dma_start3A_302 = tpu.memref_slice %arg3[%add3A_294, %dma_start3A_300, %dma_start3A_301] : memref<8192x128x128xf32, #tpu.memory_space<hbm>> -> memref<1x128x128xf32, #tpu.memory_space<hbm>>
      %dma_start3A_303 = tpu.memref_squeeze %dma_start3A_302 : memref<1x128x128xf32, #tpu.memory_space<hbm>> -> memref<128x128xf32, #tpu.memory_space<hbm>>
      %dma_start3A_304 = tpu.memref_slice %arg9[%dma_start3A_295] : memref<7x!tpu.dma_semaphore, #tpu.memory_space<semaphore_mem>> -> memref<1x!tpu.dma_semaphore, #tpu.memory_space<semaphore_mem>>
      %dma_start3A_305 = tpu.memref_squeeze %dma_start3A_304 : memref<1x!tpu.dma_semaphore, #tpu.memory_space<semaphore_mem>> -> memref<!tpu.dma_semaphore, #tpu.memory_space<semaphore_mem>>
      %dma_start3A_306 = arith.constant 0 : i32
      %dma_start3A_307 = arith.constant 0 : i32
      %dma_start3A_308 = tpu.memref_slice %arg8[%dma_start3A, %dma_start3A_306, %dma_start3A_307] : memref<7x128x128xf32, #tpu.memory_space<vmem>> -> memref<1x128x128xf32, #tpu.memory_space<vmem>>
      %dma_start3A_309 = tpu.memref_squeeze %dma_start3A_308 : memref<1x128x128xf32, #tpu.memory_space<vmem>> -> memref<128x128xf32, #tpu.memory_space<vmem>>
      %dma_start3A_310 = arith.constant 0 : i32
      %dma_start3A_311 = arith.constant 0 : i32
      %dma_start3A_312 = tpu.memref_slice %arg3[%add3A_294, %dma_start3A_310, %dma_start3A_311] : memref<8192x128x128xf32, #tpu.memory_space<hbm>> -> memref<1x128x128xf32, #tpu.memory_space<hbm>>
      %dma_start3A_313 = tpu.memref_squeeze %dma_start3A_312 : memref<1x128x128xf32, #tpu.memory_space<hbm>> -> memref<128x128xf32, #tpu.memory_space<hbm>>
      tpu.enqueue_dma source(%dma_start3A_313 : memref<128x128xf32, #tpu.memory_space<hbm>>) target(%dma_start3A_309 : memref<128x128xf32, #tpu.memory_space<vmem>>) target_semaphore(%dma_start3A_305 : memref<!tpu.dma_semaphore, #tpu.memory_space<semaphore_mem>>)
    } else {
    }
    %get3A_95 = arith.constant 1 : index
    %get3A_96 = tpu.vector_load %arg7[%get3A_95] {strides = array<i32>} : memref<286xi32, #tpu.memory_space<vmem>>, vector<16xi32>,
    %slice3A_97 = vector.extract_strided_slice %get3A_96 {offsets = [0], sizes = [1], strides = [1]} : vector<16xi32> to vector<1xi32>
    %squeeze3A_98 = vector.extract %slice3A_97[0] : i32 from vector<1xi32>
    %ge3A_99 = arith.constant 0 : i32
    %ge3A_100 = arith.cmpi sge, %squeeze3A_98, %ge3A_99 : i32
    %convert_element_type3A_101 = arith.extui %ge3A_100 : i1 to i32
    %cond3A_102 = arith.constant 0 : i32
    %cond3A_103 = arith.cmpi ne, %convert_element_type3A_101, %cond3A_102 : i32
    scf.if %cond3A_103 {
      %dma_start3A = arith.constant 1 : i32
      %dma_start3A_290 = arith.constant 1 : i32
      %dma_start3A_291 = arith.constant 0 : i32
      %dma_start3A_292 = arith.constant 0 : i32
      %dma_start3A_293 = tpu.memref_slice %arg8[%dma_start3A, %dma_start3A_291, %dma_start3A_292] : memref<7x128x128xf32, #tpu.memory_space<vmem>> -> memref<1x128x128xf32, #tpu.memory_space<vmem>>
      %dma_start3A_294 = tpu.memref_squeeze %dma_start3A_293 : memref<1x128x128xf32, #tpu.memory_space<vmem>> -> memref<128x128xf32, #tpu.memory_space<vmem>>
      %dma_start3A_295 = arith.constant 0 : i32
      %dma_start3A_296 = arith.constant 0 : i32
      %dma_start3A_297 = tpu.memref_slice %arg4[%squeeze3A_98, %dma_start3A_295, %dma_start3A_296] : memref<4096x128x128xf32, #tpu.memory_space<hbm>> -> memref<1x128x128xf32, #tpu.memory_space<hbm>>
      %dma_start3A_298 = tpu.memref_squeeze %dma_start3A_297 : memref<1x128x128xf32, #tpu.memory_space<hbm>> -> memref<128x128xf32, #tpu.memory_space<hbm>>
      %dma_start3A_299 = tpu.memref_slice %arg9[%dma_start3A_290] : memref<7x!tpu.dma_semaphore, #tpu.memory_space<semaphore_mem>> -> memref<1x!tpu.dma_semaphore, #tpu.memory_space<semaphore_mem>>
      %dma_start3A_300 = tpu.memref_squeeze %dma_start3A_299 : memref<1x!tpu.dma_semaphore, #tpu.memory_space<semaphore_mem>> -> memref<!tpu.dma_semaphore, #tpu.memory_space<semaphore_mem>>
      %dma_start3A_301 = arith.constant 0 : i32
      %dma_start3A_302 = arith.constant 0 : i32
      %dma_start3A_303 = tpu.memref_slice %arg8[%dma_start3A, %dma_start3A_301, %dma_start3A_302] : memref<7x128x128xf32, #tpu.memory_space<vmem>> -> memref<1x128x128xf32, #tpu.memory_space<vmem>>
      %dma_start3A_304 = tpu.memref_squeeze %dma_start3A_303 : memref<1x128x128xf32, #tpu.memory_space<vmem>> -> memref<128x128xf32, #tpu.memory_space<vmem>>
      %dma_start3A_305 = arith.constant 0 : i32
      %dma_start3A_306 = arith.constant 0 : i32
      %dma_start3A_307 = tpu.memref_slice %arg4[%squeeze3A_98, %dma_start3A_305, %dma_start3A_306] : memref<4096x128x128xf32, #tpu.memory_space<hbm>> -> memref<1x128x128xf32, #tpu.memory_space<hbm>>
      %dma_start3A_308 = tpu.memref_squeeze %dma_start3A_307 : memref<1x128x128xf32, #tpu.memory_space<hbm>> -> memref<128x128xf32, #tpu.memory_space<hbm>>
      tpu.enqueue_dma source(%dma_start3A_308 : memref<128x128xf32, #tpu.memory_space<hbm>>) target(%dma_start3A_304 : memref<128x128xf32, #tpu.memory_space<vmem>>) target_semaphore(%dma_start3A_300 : memref<!tpu.dma_semaphore, #tpu.memory_space<semaphore_mem>>)
    } else {
    }
    %lt3A_104 = arith.constant 0 : i32
    %lt3A_105 = arith.cmpi slt, %squeeze3A_98, %lt3A_104 : i32
    %convert_element_type3A_106 = arith.extui %lt3A_105 : i1 to i32
    %cond3A_107 = arith.constant 0 : i32
    %cond3A_108 = arith.cmpi ne, %convert_element_type3A_106, %cond3A_107 : i32
    scf.if %cond3A_108 {
      %min3A = arith.constant 1 : i32
      %min3A_290 = arith.constant 255 : i32
      %min3A_291 = arith.minsi %min3A, %min3A_290 : i32
      %mul3A_292 = arith.constant 32 : i32
      %mul3A_293 = arith.muli %min3A_291, %mul3A_292 : i32
      %add3A_294 = arith.addi %mul3A_293, %add3A : i32
      %dma_start3A = arith.constant 1 : i32
      %dma_start3A_295 = arith.constant 1 : i32
      %dma_start3A_296 = arith.constant 0 : i32
      %dma_start3A_297 = arith.constant 0 : i32
      %dma_start3A_298 = tpu.memref_slice %arg8[%dma_start3A, %dma_start3A_296, %dma_start3A_297] : memref<7x128x128xf32, #tpu.memory_space<vmem>> -> memref<1x128x128xf32, #tpu.memory_space<vmem>>
      %dma_start3A_299 = tpu.memref_squeeze %dma_start3A_298 : memref<1x128x128xf32, #tpu.memory_space<vmem>> -> memref<128x128xf32, #tpu.memory_space<vmem>>
      %dma_start3A_300 = arith.constant 0 : i32
      %dma_start3A_301 = arith.constant 0 : i32
      %dma_start3A_302 = tpu.memref_slice %arg3[%add3A_294, %dma_start3A_300, %dma_start3A_301] : memref<8192x128x128xf32, #tpu.memory_space<hbm>> -> memref<1x128x128xf32, #tpu.memory_space<hbm>>
      %dma_start3A_303 = tpu.memref_squeeze %dma_start3A_302 : memref<1x128x128xf32, #tpu.memory_space<hbm>> -> memref<128x128xf32, #tpu.memory_space<hbm>>
      %dma_start3A_304 = tpu.memref_slice %arg9[%dma_start3A_295] : memref<7x!tpu.dma_semaphore, #tpu.memory_space<semaphore_mem>> -> memref<1x!tpu.dma_semaphore, #tpu.memory_space<semaphore_mem>>
      %dma_start3A_305 = tpu.memref_squeeze %dma_start3A_304 : memref<1x!tpu.dma_semaphore, #tpu.memory_space<semaphore_mem>> -> memref<!tpu.dma_semaphore, #tpu.memory_space<semaphore_mem>>
      %dma_start3A_306 = arith.constant 0 : i32
      %dma_start3A_307 = arith.constant 0 : i32
      %dma_start3A_308 = tpu.memref_slice %arg8[%dma_start3A, %dma_start3A_306, %dma_start3A_307] : memref<7x128x128xf32, #tpu.memory_space<vmem>> -> memref<1x128x128xf32, #tpu.memory_space<vmem>>
      %dma_start3A_309 = tpu.memref_squeeze %dma_start3A_308 : memref<1x128x128xf32, #tpu.memory_space<vmem>> -> memref<128x128xf32, #tpu.memory_space<vmem>>
      %dma_start3A_310 = arith.constant 0 : i32
      %dma_start3A_311 = arith.constant 0 : i32
      %dma_start3A_312 = tpu.memref_slice %arg3[%add3A_294, %dma_start3A_310, %dma_start3A_311] : memref<8192x128x128xf32, #tpu.memory_space<hbm>> -> memref<1x128x128xf32, #tpu.memory_space<hbm>>
      %dma_start3A_313 = tpu.memref_squeeze %dma_start3A_312 : memref<1x128x128xf32, #tpu.memory_space<hbm>> -> memref<128x128xf32, #tpu.memory_space<hbm>>
      tpu.enqueue_dma source(%dma_start3A_313 : memref<128x128xf32, #tpu.memory_space<hbm>>) target(%dma_start3A_309 : memref<128x128xf32, #tpu.memory_space<vmem>>) target_semaphore(%dma_start3A_305 : memref<!tpu.dma_semaphore, #tpu.memory_space<semaphore_mem>>)
    } else {
    }
    %get3A_109 = arith.constant 2 : index
    %get3A_110 = tpu.vector_load %arg7[%get3A_109] {strides = array<i32>} : memref<286xi32, #tpu.memory_space<vmem>>, vector<16xi32>,
    %slice3A_111 = vector.extract_strided_slice %get3A_110 {offsets = [0], sizes = [1], strides = [1]} : vector<16xi32> to vector<1xi32>
    %squeeze3A_112 = vector.extract %slice3A_111[0] : i32 from vector<1xi32>
    %ge3A_113 = arith.constant 0 : i32
    %ge3A_114 = arith.cmpi sge, %squeeze3A_112, %ge3A_113 : i32
    %convert_element_type3A_115 = arith.extui %ge3A_114 : i1 to i32
    %cond3A_116 = arith.constant 0 : i32
    %cond3A_117 = arith.cmpi ne, %convert_element_type3A_115, %cond3A_116 : i32
    scf.if %cond3A_117 {
      %dma_start3A = arith.constant 2 : i32
      %dma_start3A_290 = arith.constant 2 : i32
      %dma_start3A_291 = arith.constant 0 : i32
      %dma_start3A_292 = arith.constant 0 : i32
      %dma_start3A_293 = tpu.memref_slice %arg8[%dma_start3A, %dma_start3A_291, %dma_start3A_292] : memref<7x128x128xf32, #tpu.memory_space<vmem>> -> memref<1x128x128xf32, #tpu.memory_space<vmem>>
      %dma_start3A_294 = tpu.memref_squeeze %dma_start3A_293 : memref<1x128x128xf32, #tpu.memory_space<vmem>> -> memref<128x128xf32, #tpu.memory_space<vmem>>
      %dma_start3A_295 = arith.constant 0 : i32
      %dma_start3A_296 = arith.constant 0 : i32
      %dma_start3A_297 = tpu.memref_slice %arg4[%squeeze3A_112, %dma_start3A_295, %dma_start3A_296] : memref<4096x128x128xf32, #tpu.memory_space<hbm>> -> memref<1x128x128xf32, #tpu.memory_space<hbm>>
      %dma_start3A_298 = tpu.memref_squeeze %dma_start3A_297 : memref<1x128x128xf32, #tpu.memory_space<hbm>> -> memref<128x128xf32, #tpu.memory_space<hbm>>
      %dma_start3A_299 = tpu.memref_slice %arg9[%dma_start3A_290] : memref<7x!tpu.dma_semaphore, #tpu.memory_space<semaphore_mem>> -> memref<1x!tpu.dma_semaphore, #tpu.memory_space<semaphore_mem>>
      %dma_start3A_300 = tpu.memref_squeeze %dma_start3A_299 : memref<1x!tpu.dma_semaphore, #tpu.memory_space<semaphore_mem>> -> memref<!tpu.dma_semaphore, #tpu.memory_space<semaphore_mem>>
      %dma_start3A_301 = arith.constant 0 : i32
      %dma_start3A_302 = arith.constant 0 : i32
      %dma_start3A_303 = tpu.memref_slice %arg8[%dma_start3A, %dma_start3A_301, %dma_start3A_302] : memref<7x128x128xf32, #tpu.memory_space<vmem>> -> memref<1x128x128xf32, #tpu.memory_space<vmem>>
      %dma_start3A_304 = tpu.memref_squeeze %dma_start3A_303 : memref<1x128x128xf32, #tpu.memory_space<vmem>> -> memref<128x128xf32, #tpu.memory_space<vmem>>
      %dma_start3A_305 = arith.constant 0 : i32
      %dma_start3A_306 = arith.constant 0 : i32
      %dma_start3A_307 = tpu.memref_slice %arg4[%squeeze3A_112, %dma_start3A_305, %dma_start3A_306] : memref<4096x128x128xf32, #tpu.memory_space<hbm>> -> memref<1x128x128xf32, #tpu.memory_space<hbm>>
      %dma_start3A_308 = tpu.memref_squeeze %dma_start3A_307 : memref<1x128x128xf32, #tpu.memory_space<hbm>> -> memref<128x128xf32, #tpu.memory_space<hbm>>
      tpu.enqueue_dma source(%dma_start3A_308 : memref<128x128xf32, #tpu.memory_space<hbm>>) target(%dma_start3A_304 : memref<128x128xf32, #tpu.memory_space<vmem>>) target_semaphore(%dma_start3A_300 : memref<!tpu.dma_semaphore, #tpu.memory_space<semaphore_mem>>)
    } else {
    }
    %lt3A_118 = arith.constant 0 : i32
    %lt3A_119 = arith.cmpi slt, %squeeze3A_112, %lt3A_118 : i32
    %convert_element_type3A_120 = arith.extui %lt3A_119 : i1 to i32
    %cond3A_121 = arith.constant 0 : i32
    %cond3A_122 = arith.cmpi ne, %convert_element_type3A_120, %cond3A_121 : i32
    scf.if %cond3A_122 {
      %min3A = arith.constant 2 : i32
      %min3A_290 = arith.constant 255 : i32
      %min3A_291 = arith.minsi %min3A, %min3A_290 : i32
      %mul3A_292 = arith.constant 32 : i32
      %mul3A_293 = arith.muli %min3A_291, %mul3A_292 : i32
      %add3A_294 = arith.addi %mul3A_293, %add3A : i32
      %dma_start3A = arith.constant 2 : i32
      %dma_start3A_295 = arith.constant 2 : i32
      %dma_start3A_296 = arith.constant 0 : i32
      %dma_start3A_297 = arith.constant 0 : i32
      %dma_start3A_298 = tpu.memref_slice %arg8[%dma_start3A, %dma_start3A_296, %dma_start3A_297] : memref<7x128x128xf32, #tpu.memory_space<vmem>> -> memref<1x128x128xf32, #tpu.memory_space<vmem>>
      %dma_start3A_299 = tpu.memref_squeeze %dma_start3A_298 : memref<1x128x128xf32, #tpu.memory_space<vmem>> -> memref<128x128xf32, #tpu.memory_space<vmem>>
      %dma_start3A_300 = arith.constant 0 : i32
      %dma_start3A_301 = arith.constant 0 : i32
      %dma_start3A_302 = tpu.memref_slice %arg3[%add3A_294, %dma_start3A_300, %dma_start3A_301] : memref<8192x128x128xf32, #tpu.memory_space<hbm>> -> memref<1x128x128xf32, #tpu.memory_space<hbm>>
      %dma_start3A_303 = tpu.memref_squeeze %dma_start3A_302 : memref<1x128x128xf32, #tpu.memory_space<hbm>> -> memref<128x128xf32, #tpu.memory_space<hbm>>
      %dma_start3A_304 = tpu.memref_slice %arg9[%dma_start3A_295] : memref<7x!tpu.dma_semaphore, #tpu.memory_space<semaphore_mem>> -> memref<1x!tpu.dma_semaphore, #tpu.memory_space<semaphore_mem>>
      %dma_start3A_305 = tpu.memref_squeeze %dma_start3A_304 : memref<1x!tpu.dma_semaphore, #tpu.memory_space<semaphore_mem>> -> memref<!tpu.dma_semaphore, #tpu.memory_space<semaphore_mem>>
      %dma_start3A_306 = arith.constant 0 : i32
      %dma_start3A_307 = arith.constant 0 : i32
      %dma_start3A_308 = tpu.memref_slice %arg8[%dma_start3A, %dma_start3A_306, %dma_start3A_307] : memref<7x128x128xf32, #tpu.memory_space<vmem>> -> memref<1x128x128xf32, #tpu.memory_space<vmem>>
      %dma_start3A_309 = tpu.memref_squeeze %dma_start3A_308 : memref<1x128x128xf32, #tpu.memory_space<vmem>> -> memref<128x128xf32, #tpu.memory_space<vmem>>
      %dma_start3A_310 = arith.constant 0 : i32
      %dma_start3A_311 = arith.constant 0 : i32
      %dma_start3A_312 = tpu.memref_slice %arg3[%add3A_294, %dma_start3A_310, %dma_start3A_311] : memref<8192x128x128xf32, #tpu.memory_space<hbm>> -> memref<1x128x128xf32, #tpu.memory_space<hbm>>
      %dma_start3A_313 = tpu.memref_squeeze %dma_start3A_312 : memref<1x128x128xf32, #tpu.memory_space<hbm>> -> memref<128x128xf32, #tpu.memory_space<hbm>>
      tpu.enqueue_dma source(%dma_start3A_313 : memref<128x128xf32, #tpu.memory_space<hbm>>) target(%dma_start3A_309 : memref<128x128xf32, #tpu.memory_space<vmem>>) target_semaphore(%dma_start3A_305 : memref<!tpu.dma_semaphore, #tpu.memory_space<semaphore_mem>>)
    } else {
    }
    %get3A_123 = arith.constant 3 : index
    %get3A_124 = tpu.vector_load %arg7[%get3A_123] {strides = array<i32>} : memref<286xi32, #tpu.memory_space<vmem>>, vector<16xi32>,
    %slice3A_125 = vector.extract_strided_slice %get3A_124 {offsets = [0], sizes = [1], strides = [1]} : vector<16xi32> to vector<1xi32>
    %squeeze3A_126 = vector.extract %slice3A_125[0] : i32 from vector<1xi32>
    %ge3A_127 = arith.constant 0 : i32
    %ge3A_128 = arith.cmpi sge, %squeeze3A_126, %ge3A_127 : i32
    %convert_element_type3A_129 = arith.extui %ge3A_128 : i1 to i32
    %cond3A_130 = arith.constant 0 : i32
    %cond3A_131 = arith.cmpi ne, %convert_element_type3A_129, %cond3A_130 : i32
    scf.if %cond3A_131 {
      %dma_start3A = arith.constant 3 : i32
      %dma_start3A_290 = arith.constant 3 : i32
      %dma_start3A_291 = arith.constant 0 : i32
      %dma_start3A_292 = arith.constant 0 : i32
      %dma_start3A_293 = tpu.memref_slice %arg8[%dma_start3A, %dma_start3A_291, %dma_start3A_292] : memref<7x128x128xf32, #tpu.memory_space<vmem>> -> memref<1x128x128xf32, #tpu.memory_space<vmem>>
      %dma_start3A_294 = tpu.memref_squeeze %dma_start3A_293 : memref<1x128x128xf32, #tpu.memory_space<vmem>> -> memref<128x128xf32, #tpu.memory_space<vmem>>
      %dma_start3A_295 = arith.constant 0 : i32
      %dma_start3A_296 = arith.constant 0 : i32
      %dma_start3A_297 = tpu.memref_slice %arg4[%squeeze3A_126, %dma_start3A_295, %dma_start3A_296] : memref<4096x128x128xf32, #tpu.memory_space<hbm>> -> memref<1x128x128xf32, #tpu.memory_space<hbm>>
      %dma_start3A_298 = tpu.memref_squeeze %dma_start3A_297 : memref<1x128x128xf32, #tpu.memory_space<hbm>> -> memref<128x128xf32, #tpu.memory_space<hbm>>
      %dma_start3A_299 = tpu.memref_slice %arg9[%dma_start3A_290] : memref<7x!tpu.dma_semaphore, #tpu.memory_space<semaphore_mem>> -> memref<1x!tpu.dma_semaphore, #tpu.memory_space<semaphore_mem>>
      %dma_start3A_300 = tpu.memref_squeeze %dma_start3A_299 : memref<1x!tpu.dma_semaphore, #tpu.memory_space<semaphore_mem>> -> memref<!tpu.dma_semaphore, #tpu.memory_space<semaphore_mem>>
      %dma_start3A_301 = arith.constant 0 : i32
      %dma_start3A_302 = arith.constant 0 : i32
      %dma_start3A_303 = tpu.memref_slice %arg8[%dma_start3A, %dma_start3A_301, %dma_start3A_302] : memref<7x128x128xf32, #tpu.memory_space<vmem>> -> memref<1x128x128xf32, #tpu.memory_space<vmem>>
      %dma_start3A_304 = tpu.memref_squeeze %dma_start3A_303 : memref<1x128x128xf32, #tpu.memory_space<vmem>> -> memref<128x128xf32, #tpu.memory_space<vmem>>
      %dma_start3A_305 = arith.constant 0 : i32
      %dma_start3A_306 = arith.constant 0 : i32
      %dma_start3A_307 = tpu.memref_slice %arg4[%squeeze3A_126, %dma_start3A_305, %dma_start3A_306] : memref<4096x128x128xf32, #tpu.memory_space<hbm>> -> memref<1x128x128xf32, #tpu.memory_space<hbm>>
      %dma_start3A_308 = tpu.memref_squeeze %dma_start3A_307 : memref<1x128x128xf32, #tpu.memory_space<hbm>> -> memref<128x128xf32, #tpu.memory_space<hbm>>
      tpu.enqueue_dma source(%dma_start3A_308 : memref<128x128xf32, #tpu.memory_space<hbm>>) target(%dma_start3A_304 : memref<128x128xf32, #tpu.memory_space<vmem>>) target_semaphore(%dma_start3A_300 : memref<!tpu.dma_semaphore, #tpu.memory_space<semaphore_mem>>)
    } else {
    }
    %lt3A_132 = arith.constant 0 : i32
    %lt3A_133 = arith.cmpi slt, %squeeze3A_126, %lt3A_132 : i32
    %convert_element_type3A_134 = arith.extui %lt3A_133 : i1 to i32
    %cond3A_135 = arith.constant 0 : i32
    %cond3A_136 = arith.cmpi ne, %convert_element_type3A_134, %cond3A_135 : i32
    scf.if %cond3A_136 {
      %min3A = arith.constant 3 : i32
      %min3A_290 = arith.constant 255 : i32
      %min3A_291 = arith.minsi %min3A, %min3A_290 : i32
      %mul3A_292 = arith.constant 32 : i32
      %mul3A_293 = arith.muli %min3A_291, %mul3A_292 : i32
      %add3A_294 = arith.addi %mul3A_293, %add3A : i32
      %dma_start3A = arith.constant 3 : i32
      %dma_start3A_295 = arith.constant 3 : i32
      %dma_start3A_296 = arith.constant 0 : i32
      %dma_start3A_297 = arith.constant 0 : i32
      %dma_start3A_298 = tpu.memref_slice %arg8[%dma_start3A, %dma_start3A_296, %dma_start3A_297] : memref<7x128x128xf32, #tpu.memory_space<vmem>> -> memref<1x128x128xf32, #tpu.memory_space<vmem>>
      %dma_start3A_299 = tpu.memref_squeeze %dma_start3A_298 : memref<1x128x128xf32, #tpu.memory_space<vmem>> -> memref<128x128xf32, #tpu.memory_space<vmem>>
      %dma_start3A_300 = arith.constant 0 : i32
      %dma_start3A_301 = arith.constant 0 : i32
      %dma_start3A_302 = tpu.memref_slice %arg3[%add3A_294, %dma_start3A_300, %dma_start3A_301] : memref<8192x128x128xf32, #tpu.memory_space<hbm>> -> memref<1x128x128xf32, #tpu.memory_space<hbm>>
      %dma_start3A_303 = tpu.memref_squeeze %dma_start3A_302 : memref<1x128x128xf32, #tpu.memory_space<hbm>> -> memref<128x128xf32, #tpu.memory_space<hbm>>
      %dma_start3A_304 = tpu.memref_slice %arg9[%dma_start3A_295] : memref<7x!tpu.dma_semaphore, #tpu.memory_space<semaphore_mem>> -> memref<1x!tpu.dma_semaphore, #tpu.memory_space<semaphore_mem>>
      %dma_start3A_305 = tpu.memref_squeeze %dma_start3A_304 : memref<1x!tpu.dma_semaphore, #tpu.memory_space<semaphore_mem>> -> memref<!tpu.dma_semaphore, #tpu.memory_space<semaphore_mem>>
      %dma_start3A_306 = arith.constant 0 : i32
      %dma_start3A_307 = arith.constant 0 : i32
      %dma_start3A_308 = tpu.memref_slice %arg8[%dma_start3A, %dma_start3A_306, %dma_start3A_307] : memref<7x128x128xf32, #tpu.memory_space<vmem>> -> memref<1x128x128xf32, #tpu.memory_space<vmem>>
      %dma_start3A_309 = tpu.memref_squeeze %dma_start3A_308 : memref<1x128x128xf32, #tpu.memory_space<vmem>> -> memref<128x128xf32, #tpu.memory_space<vmem>>
      %dma_start3A_310 = arith.constant 0 : i32
      %dma_start3A_311 = arith.constant 0 : i32
      %dma_start3A_312 = tpu.memref_slice %arg3[%add3A_294, %dma_start3A_310, %dma_start3A_311] : memref<8192x128x128xf32, #tpu.memory_space<hbm>> -> memref<1x128x128xf32, #tpu.memory_space<hbm>>
      %dma_start3A_313 = tpu.memref_squeeze %dma_start3A_312 : memref<1x128x128xf32, #tpu.memory_space<hbm>> -> memref<128x128xf32, #tpu.memory_space<hbm>>
      tpu.enqueue_dma source(%dma_start3A_313 : memref<128x128xf32, #tpu.memory_space<hbm>>) target(%dma_start3A_309 : memref<128x128xf32, #tpu.memory_space<vmem>>) target_semaphore(%dma_start3A_305 : memref<!tpu.dma_semaphore, #tpu.memory_space<semaphore_mem>>)
    } else {
    }
    %scan3A_137 = arith.constant 0 : i32
    %scan3A_138 = arith.constant 0 : i32
    %scan3A_139 = arith.constant 38 : i32
    %scan3A_140 = arith.addi %scan3A_138, %scan3A_139 : i32
    %scan3A_141 = arith.constant 1 : i32
    %scan3A_142 = scf.for %scan3A_290 = %scan3A_138 to %scan3A_140 step %scan3A_141 iter_args(%scan3A_291 = %scan3A_137) -> (i32)  : i32 {
      %mul3A_292 = arith.constant 7 : i32
      %mul3A_293 = arith.muli %mul3A_292, %scan3A_290 : i32
      %add3A_294 = arith.constant 0 : i32
      %add3A_295 = arith.addi %mul3A_293, %add3A_294 : i32
      %dma_wait3A_296 = arith.constant 0 : i32
      %dma_wait3A_297 = arith.constant 0 : i32
      %dma_wait3A_298 = arith.constant 0 : i32
      %dma_wait3A_299 = arith.constant 0 : i32
      %dma_wait3A_300 = arith.constant 0 : i32
      %dma_wait3A_301 = tpu.memref_slice %arg8[%dma_wait3A_297, %dma_wait3A_299, %dma_wait3A_300] : memref<7x128x128xf32, #tpu.memory_space<vmem>> -> memref<1x128x128xf32, #tpu.memory_space<vmem>>
      %dma_wait3A_302 = tpu.memref_squeeze %dma_wait3A_301 : memref<1x128x128xf32, #tpu.memory_space<vmem>> -> memref<128x128xf32, #tpu.memory_space<vmem>>
      %dma_wait3A_303 = arith.constant 0 : i32
      %dma_wait3A_304 = arith.constant 0 : i32
      %dma_wait3A_305 = tpu.memref_slice %arg3[%dma_wait3A_296, %dma_wait3A_303, %dma_wait3A_304] : memref<8192x128x128xf32, #tpu.memory_space<hbm>> -> memref<1x128x128xf32, #tpu.memory_space<hbm>>
      %dma_wait3A_306 = tpu.memref_squeeze %dma_wait3A_305 : memref<1x128x128xf32, #tpu.memory_space<hbm>> -> memref<128x128xf32, #tpu.memory_space<hbm>>
      %dma_wait3A_307 = tpu.memref_slice %arg9[%dma_wait3A_298] : memref<7x!tpu.dma_semaphore, #tpu.memory_space<semaphore_mem>> -> memref<1x!tpu.dma_semaphore, #tpu.memory_space<semaphore_mem>>
      %dma_wait3A_308 = tpu.memref_squeeze %dma_wait3A_307 : memref<1x!tpu.dma_semaphore, #tpu.memory_space<semaphore_mem>> -> memref<!tpu.dma_semaphore, #tpu.memory_space<semaphore_mem>>
      %dma_wait3A_309 = arith.constant 0 : i32
      %dma_wait3A_310 = arith.constant 0 : i32
      %dma_wait3A_311 = tpu.memref_slice %arg8[%dma_wait3A_297, %dma_wait3A_309, %dma_wait3A_310] : memref<7x128x128xf32, #tpu.memory_space<vmem>> -> memref<1x128x128xf32, #tpu.memory_space<vmem>>
      %dma_wait3A_312 = tpu.memref_squeeze %dma_wait3A_311 : memref<1x128x128xf32, #tpu.memory_space<vmem>> -> memref<128x128xf32, #tpu.memory_space<vmem>>
      %dma_wait3A_313 = arith.constant 0 : i32
      %dma_wait3A_314 = arith.constant 0 : i32
      %dma_wait3A_315 = tpu.memref_slice %arg3[%dma_wait3A_296, %dma_wait3A_313, %dma_wait3A_314] : memref<8192x128x128xf32, #tpu.memory_space<hbm>> -> memref<1x128x128xf32, #tpu.memory_space<hbm>>
      %dma_wait3A_316 = tpu.memref_squeeze %dma_wait3A_315 : memref<1x128x128xf32, #tpu.memory_space<hbm>> -> memref<128x128xf32, #tpu.memory_space<hbm>>
      tpu.wait_dma2 semaphore(%dma_wait3A_308 : memref<!tpu.dma_semaphore, #tpu.memory_space<semaphore_mem>>) src(%dma_wait3A_316 : memref<128x128xf32, #tpu.memory_space<hbm>>) dst(%dma_wait3A_312 : memref<128x128xf32, #tpu.memory_space<vmem>>)
      %add3A_317 = arith.constant 0 : i32
      %add3A_318 = vector.broadcast %add3A_317 : i32 to vector<16xi32>
      %add3A_319 = arith.addi %iota3A, %add3A_318 : vector<16xi32>
      %scatter3A = arith.constant 0 : i32
      %scatter3A_320 = arith.constant 0 : i32
      %scatter3A_321 = arith.constant 0 : i32
      %scatter3A_322 = tpu.memref_slice %arg8[%scatter3A, %scatter3A_320, %scatter3A_321] : memref<7x128x128xf32, #tpu.memory_space<vmem>> -> memref<1x128x128xf32, #tpu.memory_space<vmem>>
      %scatter3A_323 = tpu.memref_squeeze %scatter3A_322 : memref<1x128x128xf32, #tpu.memory_space<vmem>> -> memref<128x128xf32, #tpu.memory_space<vmem>>
      tpu.vector_store_idx %scatter3A_323[%add3A_319, %add3A_319], %broadcast_in_dim3A_84 : memref<128x128xf32, #tpu.memory_space<vmem>>[vector<16xi32>, vector<16xi32>], vector<16xf32>,
      %add3A_324 = arith.constant 16 : i32
      %add3A_325 = vector.broadcast %add3A_324 : i32 to vector<16xi32>
      %add3A_326 = arith.addi %iota3A, %add3A_325 : vector<16xi32>
      %scatter3A_327 = arith.constant 0 : i32
      %scatter3A_328 = arith.constant 0 : i32
      %scatter3A_329 = arith.constant 0 : i32
      %scatter3A_330 = tpu.memref_slice %arg8[%scatter3A_327, %scatter3A_328, %scatter3A_329] : memref<7x128x128xf32, #tpu.memory_space<vmem>> -> memref<1x128x128xf32, #tpu.memory_space<vmem>>
      %scatter3A_331 = tpu.memref_squeeze %scatter3A_330 : memref<1x128x128xf32, #tpu.memory_space<vmem>> -> memref<128x128xf32, #tpu.memory_space<vmem>>
      tpu.vector_store_idx %scatter3A_331[%add3A_326, %add3A_326], %broadcast_in_dim3A_84 : memref<128x128xf32, #tpu.memory_space<vmem>>[vector<16xi32>, vector<16xi32>], vector<16xf32>,
      %add3A_332 = arith.constant 32 : i32
      %add3A_333 = vector.broadcast %add3A_332 : i32 to vector<16xi32>
      %add3A_334 = arith.addi %iota3A, %add3A_333 : vector<16xi32>
      %scatter3A_335 = arith.constant 0 : i32
      %scatter3A_336 = arith.constant 0 : i32
      %scatter3A_337 = arith.constant 0 : i32
      %scatter3A_338 = tpu.memref_slice %arg8[%scatter3A_335, %scatter3A_336, %scatter3A_337] : memref<7x128x128xf32, #tpu.memory_space<vmem>> -> memref<1x128x128xf32, #tpu.memory_space<vmem>>
      %scatter3A_339 = tpu.memref_squeeze %scatter3A_338 : memref<1x128x128xf32, #tpu.memory_space<vmem>> -> memref<128x128xf32, #tpu.memory_space<vmem>>
      tpu.vector_store_idx %scatter3A_339[%add3A_334, %add3A_334], %broadcast_in_dim3A_84 : memref<128x128xf32, #tpu.memory_space<vmem>>[vector<16xi32>, vector<16xi32>], vector<16xf32>,
      %add3A_340 = arith.constant 48 : i32
      %add3A_341 = vector.broadcast %add3A_340 : i32 to vector<16xi32>
      %add3A_342 = arith.addi %iota3A, %add3A_341 : vector<16xi32>
      %scatter3A_343 = arith.constant 0 : i32
      %scatter3A_344 = arith.constant 0 : i32
      %scatter3A_345 = arith.constant 0 : i32
      %scatter3A_346 = tpu.memref_slice %arg8[%scatter3A_343, %scatter3A_344, %scatter3A_345] : memref<7x128x128xf32, #tpu.memory_space<vmem>> -> memref<1x128x128xf32, #tpu.memory_space<vmem>>
      %scatter3A_347 = tpu.memref_squeeze %scatter3A_346 : memref<1x128x128xf32, #tpu.memory_space<vmem>> -> memref<128x128xf32, #tpu.memory_space<vmem>>
      tpu.vector_store_idx %scatter3A_347[%add3A_342, %add3A_342], %broadcast_in_dim3A_84 : memref<128x128xf32, #tpu.memory_space<vmem>>[vector<16xi32>, vector<16xi32>], vector<16xf32>,
      %add3A_348 = arith.constant 64 : i32
      %add3A_349 = vector.broadcast %add3A_348 : i32 to vector<16xi32>
      %add3A_350 = arith.addi %iota3A, %add3A_349 : vector<16xi32>
      %scatter3A_351 = arith.constant 0 : i32
      %scatter3A_352 = arith.constant 0 : i32
      %scatter3A_353 = arith.constant 0 : i32
      %scatter3A_354 = tpu.memref_slice %arg8[%scatter3A_351, %scatter3A_352, %scatter3A_353] : memref<7x128x128xf32, #tpu.memory_space<vmem>> -> memref<1x128x128xf32, #tpu.memory_space<vmem>>
      %scatter3A_355 = tpu.memref_squeeze %scatter3A_354 : memref<1x128x128xf32, #tpu.memory_space<vmem>> -> memref<128x128xf32, #tpu.memory_space<vmem>>
      tpu.vector_store_idx %scatter3A_355[%add3A_350, %add3A_350], %broadcast_in_dim3A_84 : memref<128x128xf32, #tpu.memory_space<vmem>>[vector<16xi32>, vector<16xi32>], vector<16xf32>,
      %add3A_356 = arith.constant 80 : i32
      %add3A_357 = vector.broadcast %add3A_356 : i32 to vector<16xi32>
      %add3A_358 = arith.addi %iota3A, %add3A_357 : vector<16xi32>
      %scatter3A_359 = arith.constant 0 : i32
      %scatter3A_360 = arith.constant 0 : i32
      %scatter3A_361 = arith.constant 0 : i32
      %scatter3A_362 = tpu.memref_slice %arg8[%scatter3A_359, %scatter3A_360, %scatter3A_361] : memref<7x128x128xf32, #tpu.memory_space<vmem>> -> memref<1x128x128xf32, #tpu.memory_space<vmem>>
      %scatter3A_363 = tpu.memref_squeeze %scatter3A_362 : memref<1x128x128xf32, #tpu.memory_space<vmem>> -> memref<128x128xf32, #tpu.memory_space<vmem>>
      tpu.vector_store_idx %scatter3A_363[%add3A_358, %add3A_358], %broadcast_in_dim3A_84 : memref<128x128xf32, #tpu.memory_space<vmem>>[vector<16xi32>, vector<16xi32>], vector<16xf32>,
      %add3A_364 = arith.constant 96 : i32
      %add3A_365 = vector.broadcast %add3A_364 : i32 to vector<16xi32>
      %add3A_366 = arith.addi %iota3A, %add3A_365 : vector<16xi32>
      %scatter3A_367 = arith.constant 0 : i32
      %scatter3A_368 = arith.constant 0 : i32
      %scatter3A_369 = arith.constant 0 : i32
      %scatter3A_370 = tpu.memref_slice %arg8[%scatter3A_367, %scatter3A_368, %scatter3A_369] : memref<7x128x128xf32, #tpu.memory_space<vmem>> -> memref<1x128x128xf32, #tpu.memory_space<vmem>>
      %scatter3A_371 = tpu.memref_squeeze %scatter3A_370 : memref<1x128x128xf32, #tpu.memory_space<vmem>> -> memref<128x128xf32, #tpu.memory_space<vmem>>
      tpu.vector_store_idx %scatter3A_371[%add3A_366, %add3A_366], %broadcast_in_dim3A_84 : memref<128x128xf32, #tpu.memory_space<vmem>>[vector<16xi32>, vector<16xi32>], vector<16xf32>,
      %add3A_372 = arith.constant 112 : i32
      %add3A_373 = vector.broadcast %add3A_372 : i32 to vector<16xi32>
      %add3A_374 = arith.addi %iota3A, %add3A_373 : vector<16xi32>
      %scatter3A_375 = arith.constant 0 : i32
      %scatter3A_376 = arith.constant 0 : i32
      %scatter3A_377 = arith.constant 0 : i32
      %scatter3A_378 = tpu.memref_slice %arg8[%scatter3A_375, %scatter3A_376, %scatter3A_377] : memref<7x128x128xf32, #tpu.memory_space<vmem>> -> memref<1x128x128xf32, #tpu.memory_space<vmem>>
      %scatter3A_379 = tpu.memref_squeeze %scatter3A_378 : memref<1x128x128xf32, #tpu.memory_space<vmem>> -> memref<128x128xf32, #tpu.memory_space<vmem>>
      tpu.vector_store_idx %scatter3A_379[%add3A_374, %add3A_374], %broadcast_in_dim3A_84 : memref<128x128xf32, #tpu.memory_space<vmem>>[vector<16xi32>, vector<16xi32>], vector<16xf32>,
      %min3A = arith.constant 255 : i32
      %min3A_380 = arith.minsi %add3A_295, %min3A : i32
      %mul3A_381 = arith.constant 32 : i32
      %mul3A_382 = arith.muli %min3A_380, %mul3A_381 : i32
      %add3A_383 = arith.addi %mul3A_382, %add3A : i32
      %dma_start3A = arith.constant 0 : i32
      %dma_start3A_384 = arith.constant 0 : i32
      %dma_start3A_385 = arith.constant 0 : i32
      %dma_start3A_386 = arith.constant 0 : i32
      %dma_start3A_387 = tpu.memref_slice %arg8[%dma_start3A, %dma_start3A_385, %dma_start3A_386] : memref<7x128x128xf32, #tpu.memory_space<vmem>> -> memref<1x128x128xf32, #tpu.memory_space<vmem>>
      %dma_start3A_388 = tpu.memref_squeeze %dma_start3A_387 : memref<1x128x128xf32, #tpu.memory_space<vmem>> -> memref<128x128xf32, #tpu.memory_space<vmem>>
      %dma_start3A_389 = arith.constant 0 : i32
      %dma_start3A_390 = arith.constant 0 : i32
      %dma_start3A_391 = tpu.memref_slice %arg5[%add3A_383, %dma_start3A_389, %dma_start3A_390] : memref<8192x128x128xf32, #tpu.memory_space<hbm>> -> memref<1x128x128xf32, #tpu.memory_space<hbm>>
      %dma_start3A_392 = tpu.memref_squeeze %dma_start3A_391 : memref<1x128x128xf32, #tpu.memory_space<hbm>> -> memref<128x128xf32, #tpu.memory_space<hbm>>
      %dma_start3A_393 = tpu.memref_slice %arg10[%dma_start3A_384] : memref<7x!tpu.dma_semaphore, #tpu.memory_space<semaphore_mem>> -> memref<1x!tpu.dma_semaphore, #tpu.memory_space<semaphore_mem>>
      %dma_start3A_394 = tpu.memref_squeeze %dma_start3A_393 : memref<1x!tpu.dma_semaphore, #tpu.memory_space<semaphore_mem>> -> memref<!tpu.dma_semaphore, #tpu.memory_space<semaphore_mem>>
      %dma_start3A_395 = arith.constant 0 : i32
      %dma_start3A_396 = arith.constant 0 : i32
      %dma_start3A_397 = tpu.memref_slice %arg5[%add3A_383, %dma_start3A_395, %dma_start3A_396] : memref<8192x128x128xf32, #tpu.memory_space<hbm>> -> memref<1x128x128xf32, #tpu.memory_space<hbm>>
      %dma_start3A_398 = tpu.memref_squeeze %dma_start3A_397 : memref<1x128x128xf32, #tpu.memory_space<hbm>> -> memref<128x128xf32, #tpu.memory_space<hbm>>
      %dma_start3A_399 = arith.constant 0 : i32
      %dma_start3A_400 = arith.constant 0 : i32
      %dma_start3A_401 = tpu.memref_slice %arg8[%dma_start3A, %dma_start3A_399, %dma_start3A_400] : memref<7x128x128xf32, #tpu.memory_space<vmem>> -> memref<1x128x128xf32, #tpu.memory_space<vmem>>
      %dma_start3A_402 = tpu.memref_squeeze %dma_start3A_401 : memref<1x128x128xf32, #tpu.memory_space<vmem>> -> memref<128x128xf32, #tpu.memory_space<vmem>>
      tpu.enqueue_dma source(%dma_start3A_402 : memref<128x128xf32, #tpu.memory_space<vmem>>) target(%dma_start3A_398 : memref<128x128xf32, #tpu.memory_space<hbm>>) target_semaphore(%dma_start3A_394 : memref<!tpu.dma_semaphore, #tpu.memory_space<semaphore_mem>>)
      %ge3A_403 = arith.constant 3 : i32
      %ge3A_404 = arith.cmpi sge, %add3A_295, %ge3A_403 : i32
      %convert_element_type3A_405 = arith.extui %ge3A_404 : i1 to i32
      %cond3A_406 = arith.constant 0 : i32
      %cond3A_407 = arith.cmpi ne, %convert_element_type3A_405, %cond3A_406 : i32
      scf.if %cond3A_407 {
        %dma_wait3A_1287 = arith.constant 4 : i32
        %dma_wait3A_1288 = arith.constant 0 : i32
        %dma_wait3A_1289 = arith.constant 4 : i32
        %dma_wait3A_1290 = arith.constant 0 : i32
        %dma_wait3A_1291 = arith.constant 0 : i32
        %dma_wait3A_1292 = tpu.memref_slice %arg8[%dma_wait3A_1287, %dma_wait3A_1290, %dma_wait3A_1291] : memref<7x128x128xf32, #tpu.memory_space<vmem>> -> memref<1x128x128xf32, #tpu.memory_space<vmem>>
        %dma_wait3A_1293 = tpu.memref_squeeze %dma_wait3A_1292 : memref<1x128x128xf32, #tpu.memory_space<vmem>> -> memref<128x128xf32, #tpu.memory_space<vmem>>
        %dma_wait3A_1294 = arith.constant 0 : i32
        %dma_wait3A_1295 = arith.constant 0 : i32
        %dma_wait3A_1296 = tpu.memref_slice %arg5[%dma_wait3A_1288, %dma_wait3A_1294, %dma_wait3A_1295] : memref<8192x128x128xf32, #tpu.memory_space<hbm>> -> memref<1x128x128xf32, #tpu.memory_space<hbm>>
        %dma_wait3A_1297 = tpu.memref_squeeze %dma_wait3A_1296 : memref<1x128x128xf32, #tpu.memory_space<hbm>> -> memref<128x128xf32, #tpu.memory_space<hbm>>
        %dma_wait3A_1298 = tpu.memref_slice %arg10[%dma_wait3A_1289] : memref<7x!tpu.dma_semaphore, #tpu.memory_space<semaphore_mem>> -> memref<1x!tpu.dma_semaphore, #tpu.memory_space<semaphore_mem>>
        %dma_wait3A_1299 = tpu.memref_squeeze %dma_wait3A_1298 : memref<1x!tpu.dma_semaphore, #tpu.memory_space<semaphore_mem>> -> memref<!tpu.dma_semaphore, #tpu.memory_space<semaphore_mem>>
        %dma_wait3A_1300 = arith.constant 0 : i32
        %dma_wait3A_1301 = arith.constant 0 : i32
        %dma_wait3A_1302 = tpu.memref_slice %arg5[%dma_wait3A_1288, %dma_wait3A_1300, %dma_wait3A_1301] : memref<8192x128x128xf32, #tpu.memory_space<hbm>> -> memref<1x128x128xf32, #tpu.memory_space<hbm>>
        %dma_wait3A_1303 = tpu.memref_squeeze %dma_wait3A_1302 : memref<1x128x128xf32, #tpu.memory_space<hbm>> -> memref<128x128xf32, #tpu.memory_space<hbm>>
        %dma_wait3A_1304 = arith.constant 0 : i32
        %dma_wait3A_1305 = arith.constant 0 : i32
        %dma_wait3A_1306 = tpu.memref_slice %arg8[%dma_wait3A_1287, %dma_wait3A_1304, %dma_wait3A_1305] : memref<7x128x128xf32, #tpu.memory_space<vmem>> -> memref<1x128x128xf32, #tpu.memory_space<vmem>>
        %dma_wait3A_1307 = tpu.memref_squeeze %dma_wait3A_1306 : memref<1x128x128xf32, #tpu.memory_space<vmem>> -> memref<128x128xf32, #tpu.memory_space<vmem>>
        tpu.wait_dma2 semaphore(%dma_wait3A_1299 : memref<!tpu.dma_semaphore, #tpu.memory_space<semaphore_mem>>) src(%dma_wait3A_1307 : memref<128x128xf32, #tpu.memory_space<vmem>>) dst(%dma_wait3A_1303 : memref<128x128xf32, #tpu.memory_space<hbm>>)
      } else {
      }
      %add3A_408 = arith.constant 4 : i32
      %add3A_409 = arith.addi %add3A_295, %add3A_408 : i32
      %get3A_410 = arith.index_cast %add3A_409 : i32 to index
      %get3A_411 = tpu.vector_load %arg7[%get3A_410] {strides = array<i32>} : memref<286xi32, #tpu.memory_space<vmem>>, vector<16xi32>,
      %slice3A_412 = vector.extract_strided_slice %get3A_411 {offsets = [0], sizes = [1], strides = [1]} : vector<16xi32> to vector<1xi32>
      %squeeze3A_413 = vector.extract %slice3A_412[0] : i32 from vector<1xi32>
      %ge3A_414 = arith.constant 0 : i32
      %ge3A_415 = arith.cmpi sge, %squeeze3A_413, %ge3A_414 : i32
      %convert_element_type3A_416 = arith.extui %ge3A_415 : i1 to i32
      %cond3A_417 = arith.constant 0 : i32
      %cond3A_418 = arith.cmpi ne, %convert_element_type3A_416, %cond3A_417 : i32
      scf.if %cond3A_418 {
        %dma_start3A_1287 = arith.constant 4 : i32
        %dma_start3A_1288 = arith.constant 4 : i32
        %dma_start3A_1289 = arith.constant 0 : i32
        %dma_start3A_1290 = arith.constant 0 : i32
        %dma_start3A_1291 = tpu.memref_slice %arg8[%dma_start3A_1287, %dma_start3A_1289, %dma_start3A_1290] : memref<7x128x128xf32, #tpu.memory_space<vmem>> -> memref<1x128x128xf32, #tpu.memory_space<vmem>>
        %dma_start3A_1292 = tpu.memref_squeeze %dma_start3A_1291 : memref<1x128x128xf32, #tpu.memory_space<vmem>> -> memref<128x128xf32, #tpu.memory_space<vmem>>
        %dma_start3A_1293 = arith.constant 0 : i32
        %dma_start3A_1294 = arith.constant 0 : i32
        %dma_start3A_1295 = tpu.memref_slice %arg4[%squeeze3A_413, %dma_start3A_1293, %dma_start3A_1294] : memref<4096x128x128xf32, #tpu.memory_space<hbm>> -> memref<1x128x128xf32, #tpu.memory_space<hbm>>
        %dma_start3A_1296 = tpu.memref_squeeze %dma_start3A_1295 : memref<1x128x128xf32, #tpu.memory_space<hbm>> -> memref<128x128xf32, #tpu.memory_space<hbm>>
        %dma_start3A_1297 = tpu.memref_slice %arg9[%dma_start3A_1288] : memref<7x!tpu.dma_semaphore, #tpu.memory_space<semaphore_mem>> -> memref<1x!tpu.dma_semaphore, #tpu.memory_space<semaphore_mem>>
        %dma_start3A_1298 = tpu.memref_squeeze %dma_start3A_1297 : memref<1x!tpu.dma_semaphore, #tpu.memory_space<semaphore_mem>> -> memref<!tpu.dma_semaphore, #tpu.memory_space<semaphore_mem>>
        %dma_start3A_1299 = arith.constant 0 : i32
        %dma_start3A_1300 = arith.constant 0 : i32
        %dma_start3A_1301 = tpu.memref_slice %arg8[%dma_start3A_1287, %dma_start3A_1299, %dma_start3A_1300] : memref<7x128x128xf32, #tpu.memory_space<vmem>> -> memref<1x128x128xf32, #tpu.memory_space<vmem>>
        %dma_start3A_1302 = tpu.memref_squeeze %dma_start3A_1301 : memref<1x128x128xf32, #tpu.memory_space<vmem>> -> memref<128x128xf32, #tpu.memory_space<vmem>>
        %dma_start3A_1303 = arith.constant 0 : i32
        %dma_start3A_1304 = arith.constant 0 : i32
        %dma_start3A_1305 = tpu.memref_slice %arg4[%squeeze3A_413, %dma_start3A_1303, %dma_start3A_1304] : memref<4096x128x128xf32, #tpu.memory_space<hbm>> -> memref<1x128x128xf32, #tpu.memory_space<hbm>>
        %dma_start3A_1306 = tpu.memref_squeeze %dma_start3A_1305 : memref<1x128x128xf32, #tpu.memory_space<hbm>> -> memref<128x128xf32, #tpu.memory_space<hbm>>
        tpu.enqueue_dma source(%dma_start3A_1306 : memref<128x128xf32, #tpu.memory_space<hbm>>) target(%dma_start3A_1302 : memref<128x128xf32, #tpu.memory_space<vmem>>) target_semaphore(%dma_start3A_1298 : memref<!tpu.dma_semaphore, #tpu.memory_space<semaphore_mem>>)
      } else {
      }
      %lt3A_419 = arith.constant 0 : i32
      %lt3A_420 = arith.cmpi slt, %squeeze3A_413, %lt3A_419 : i32
      %convert_element_type3A_421 = arith.extui %lt3A_420 : i1 to i32
      %cond3A_422 = arith.constant 0 : i32
      %cond3A_423 = arith.cmpi ne, %convert_element_type3A_421, %cond3A_422 : i32
      scf.if %cond3A_423 {
        %min3A_1287 = arith.constant 255 : i32
        %min3A_1288 = arith.minsi %add3A_409, %min3A_1287 : i32
        %mul3A_1289 = arith.constant 32 : i32
        %mul3A_1290 = arith.muli %min3A_1288, %mul3A_1289 : i32
        %add3A_1291 = arith.addi %mul3A_1290, %add3A : i32
        %dma_start3A_1292 = arith.constant 4 : i32
        %dma_start3A_1293 = arith.constant 4 : i32
        %dma_start3A_1294 = arith.constant 0 : i32
        %dma_start3A_1295 = arith.constant 0 : i32
        %dma_start3A_1296 = tpu.memref_slice %arg8[%dma_start3A_1292, %dma_start3A_1294, %dma_start3A_1295] : memref<7x128x128xf32, #tpu.memory_space<vmem>> -> memref<1x128x128xf32, #tpu.memory_space<vmem>>
        %dma_start3A_1297 = tpu.memref_squeeze %dma_start3A_1296 : memref<1x128x128xf32, #tpu.memory_space<vmem>> -> memref<128x128xf32, #tpu.memory_space<vmem>>
        %dma_start3A_1298 = arith.constant 0 : i32
        %dma_start3A_1299 = arith.constant 0 : i32
        %dma_start3A_1300 = tpu.memref_slice %arg3[%add3A_1291, %dma_start3A_1298, %dma_start3A_1299] : memref<8192x128x128xf32, #tpu.memory_space<hbm>> -> memref<1x128x128xf32, #tpu.memory_space<hbm>>
        %dma_start3A_1301 = tpu.memref_squeeze %dma_start3A_1300 : memref<1x128x128xf32, #tpu.memory_space<hbm>> -> memref<128x128xf32, #tpu.memory_space<hbm>>
        %dma_start3A_1302 = tpu.memref_slice %arg9[%dma_start3A_1293] : memref<7x!tpu.dma_semaphore, #tpu.memory_space<semaphore_mem>> -> memref<1x!tpu.dma_semaphore, #tpu.memory_space<semaphore_mem>>
        %dma_start3A_1303 = tpu.memref_squeeze %dma_start3A_1302 : memref<1x!tpu.dma_semaphore, #tpu.memory_space<semaphore_mem>> -> memref<!tpu.dma_semaphore, #tpu.memory_space<semaphore_mem>>
        %dma_start3A_1304 = arith.constant 0 : i32
        %dma_start3A_1305 = arith.constant 0 : i32
        %dma_start3A_1306 = tpu.memref_slice %arg8[%dma_start3A_1292, %dma_start3A_1304, %dma_start3A_1305] : memref<7x128x128xf32, #tpu.memory_space<vmem>> -> memref<1x128x128xf32, #tpu.memory_space<vmem>>
        %dma_start3A_1307 = tpu.memref_squeeze %dma_start3A_1306 : memref<1x128x128xf32, #tpu.memory_space<vmem>> -> memref<128x128xf32, #tpu.memory_space<vmem>>
        %dma_start3A_1308 = arith.constant 0 : i32
        %dma_start3A_1309 = arith.constant 0 : i32
        %dma_start3A_1310 = tpu.memref_slice %arg3[%add3A_1291, %dma_start3A_1308, %dma_start3A_1309] : memref<8192x128x128xf32, #tpu.memory_space<hbm>> -> memref<1x128x128xf32, #tpu.memory_space<hbm>>
        %dma_start3A_1311 = tpu.memref_squeeze %dma_start3A_1310 : memref<1x128x128xf32, #tpu.memory_space<hbm>> -> memref<128x128xf32, #tpu.memory_space<hbm>>
        tpu.enqueue_dma source(%dma_start3A_1311 : memref<128x128xf32, #tpu.memory_space<hbm>>) target(%dma_start3A_1307 : memref<128x128xf32, #tpu.memory_space<vmem>>) target_semaphore(%dma_start3A_1303 : memref<!tpu.dma_semaphore, #tpu.memory_space<semaphore_mem>>)
      } else {
      }
      %add3A_424 = arith.constant 1 : i32
      %add3A_425 = arith.addi %mul3A_293, %add3A_424 : i32
      %dma_wait3A_426 = arith.constant 0 : i32
      %dma_wait3A_427 = arith.constant 1 : i32
      %dma_wait3A_428 = arith.constant 1 : i32
      %dma_wait3A_429 = arith.constant 0 : i32
      %dma_wait3A_430 = arith.constant 0 : i32
      %dma_wait3A_431 = tpu.memref_slice %arg8[%dma_wait3A_427, %dma_wait3A_429, %dma_wait3A_430] : memref<7x128x128xf32, #tpu.memory_space<vmem>> -> memref<1x128x128xf32, #tpu.memory_space<vmem>>
      %dma_wait3A_432 = tpu.memref_squeeze %dma_wait3A_431 : memref<1x128x128xf32, #tpu.memory_space<vmem>> -> memref<128x128xf32, #tpu.memory_space<vmem>>
      %dma_wait3A_433 = arith.constant 0 : i32
      %dma_wait3A_434 = arith.constant 0 : i32
      %dma_wait3A_435 = tpu.memref_slice %arg3[%dma_wait3A_426, %dma_wait3A_433, %dma_wait3A_434] : memref<8192x128x128xf32, #tpu.memory_space<hbm>> -> memref<1x128x128xf32, #tpu.memory_space<hbm>>
      %dma_wait3A_436 = tpu.memref_squeeze %dma_wait3A_435 : memref<1x128x128xf32, #tpu.memory_space<hbm>> -> memref<128x128xf32, #tpu.memory_space<hbm>>
      %dma_wait3A_437 = tpu.memref_slice %arg9[%dma_wait3A_428] : memref<7x!tpu.dma_semaphore, #tpu.memory_space<semaphore_mem>> -> memref<1x!tpu.dma_semaphore, #tpu.memory_space<semaphore_mem>>
      %dma_wait3A_438 = tpu.memref_squeeze %dma_wait3A_437 : memref<1x!tpu.dma_semaphore, #tpu.memory_space<semaphore_mem>> -> memref<!tpu.dma_semaphore, #tpu.memory_space<semaphore_mem>>
      %dma_wait3A_439 = arith.constant 0 : i32
      %dma_wait3A_440 = arith.constant 0 : i32
      %dma_wait3A_441 = tpu.memref_slice %arg8[%dma_wait3A_427, %dma_wait3A_439, %dma_wait3A_440] : memref<7x128x128xf32, #tpu.memory_space<vmem>> -> memref<1x128x128xf32, #tpu.memory_space<vmem>>
      %dma_wait3A_442 = tpu.memref_squeeze %dma_wait3A_441 : memref<1x128x128xf32, #tpu.memory_space<vmem>> -> memref<128x128xf32, #tpu.memory_space<vmem>>
      %dma_wait3A_443 = arith.constant 0 : i32
      %dma_wait3A_444 = arith.constant 0 : i32
      %dma_wait3A_445 = tpu.memref_slice %arg3[%dma_wait3A_426, %dma_wait3A_443, %dma_wait3A_444] : memref<8192x128x128xf32, #tpu.memory_space<hbm>> -> memref<1x128x128xf32, #tpu.memory_space<hbm>>
      %dma_wait3A_446 = tpu.memref_squeeze %dma_wait3A_445 : memref<1x128x128xf32, #tpu.memory_space<hbm>> -> memref<128x128xf32, #tpu.memory_space<hbm>>
      tpu.wait_dma2 semaphore(%dma_wait3A_438 : memref<!tpu.dma_semaphore, #tpu.memory_space<semaphore_mem>>) src(%dma_wait3A_446 : memref<128x128xf32, #tpu.memory_space<hbm>>) dst(%dma_wait3A_442 : memref<128x128xf32, #tpu.memory_space<vmem>>)
      %add3A_447 = arith.constant 0 : i32
      %add3A_448 = vector.broadcast %add3A_447 : i32 to vector<16xi32>
      %add3A_449 = arith.addi %iota3A, %add3A_448 : vector<16xi32>
      %scatter3A_450 = arith.constant 1 : i32
      %scatter3A_451 = arith.constant 0 : i32
      %scatter3A_452 = arith.constant 0 : i32
      %scatter3A_453 = tpu.memref_slice %arg8[%scatter3A_450, %scatter3A_451, %scatter3A_452] : memref<7x128x128xf32, #tpu.memory_space<vmem>> -> memref<1x128x128xf32, #tpu.memory_space<vmem>>
      %scatter3A_454 = tpu.memref_squeeze %scatter3A_453 : memref<1x128x128xf32, #tpu.memory_space<vmem>> -> memref<128x128xf32, #tpu.memory_space<vmem>>
      tpu.vector_store_idx %scatter3A_454[%add3A_449, %add3A_449], %broadcast_in_dim3A_84 : memref<128x128xf32, #tpu.memory_space<vmem>>[vector<16xi32>, vector<16xi32>], vector<16xf32>,
      %add3A_455 = arith.constant 16 : i32
      %add3A_456 = vector.broadcast %add3A_455 : i32 to vector<16xi32>
      %add3A_457 = arith.addi %iota3A, %add3A_456 : vector<16xi32>
      %scatter3A_458 = arith.constant 1 : i32
      %scatter3A_459 = arith.constant 0 : i32
      %scatter3A_460 = arith.constant 0 : i32
      %scatter3A_461 = tpu.memref_slice %arg8[%scatter3A_458, %scatter3A_459, %scatter3A_460] : memref<7x128x128xf32, #tpu.memory_space<vmem>> -> memref<1x128x128xf32, #tpu.memory_space<vmem>>
      %scatter3A_462 = tpu.memref_squeeze %scatter3A_461 : memref<1x128x128xf32, #tpu.memory_space<vmem>> -> memref<128x128xf32, #tpu.memory_space<vmem>>
      tpu.vector_store_idx %scatter3A_462[%add3A_457, %add3A_457], %broadcast_in_dim3A_84 : memref<128x128xf32, #tpu.memory_space<vmem>>[vector<16xi32>, vector<16xi32>], vector<16xf32>,
      %add3A_463 = arith.constant 32 : i32
      %add3A_464 = vector.broadcast %add3A_463 : i32 to vector<16xi32>
      %add3A_465 = arith.addi %iota3A, %add3A_464 : vector<16xi32>
      %scatter3A_466 = arith.constant 1 : i32
      %scatter3A_467 = arith.constant 0 : i32
      %scatter3A_468 = arith.constant 0 : i32
      %scatter3A_469 = tpu.memref_slice %arg8[%scatter3A_466, %scatter3A_467, %scatter3A_468] : memref<7x128x128xf32, #tpu.memory_space<vmem>> -> memref<1x128x128xf32, #tpu.memory_space<vmem>>
      %scatter3A_470 = tpu.memref_squeeze %scatter3A_469 : memref<1x128x128xf32, #tpu.memory_space<vmem>> -> memref<128x128xf32, #tpu.memory_space<vmem>>
      tpu.vector_store_idx %scatter3A_470[%add3A_465, %add3A_465], %broadcast_in_dim3A_84 : memref<128x128xf32, #tpu.memory_space<vmem>>[vector<16xi32>, vector<16xi32>], vector<16xf32>,
      %add3A_471 = arith.constant 48 : i32
      %add3A_472 = vector.broadcast %add3A_471 : i32 to vector<16xi32>
      %add3A_473 = arith.addi %iota3A, %add3A_472 : vector<16xi32>
      %scatter3A_474 = arith.constant 1 : i32
      %scatter3A_475 = arith.constant 0 : i32
      %scatter3A_476 = arith.constant 0 : i32
      %scatter3A_477 = tpu.memref_slice %arg8[%scatter3A_474, %scatter3A_475, %scatter3A_476] : memref<7x128x128xf32, #tpu.memory_space<vmem>> -> memref<1x128x128xf32, #tpu.memory_space<vmem>>
      %scatter3A_478 = tpu.memref_squeeze %scatter3A_477 : memref<1x128x128xf32, #tpu.memory_space<vmem>> -> memref<128x128xf32, #tpu.memory_space<vmem>>
      tpu.vector_store_idx %scatter3A_478[%add3A_473, %add3A_473], %broadcast_in_dim3A_84 : memref<128x128xf32, #tpu.memory_space<vmem>>[vector<16xi32>, vector<16xi32>], vector<16xf32>,
      %add3A_479 = arith.constant 64 : i32
      %add3A_480 = vector.broadcast %add3A_479 : i32 to vector<16xi32>
      %add3A_481 = arith.addi %iota3A, %add3A_480 : vector<16xi32>
      %scatter3A_482 = arith.constant 1 : i32
      %scatter3A_483 = arith.constant 0 : i32
      %scatter3A_484 = arith.constant 0 : i32
      %scatter3A_485 = tpu.memref_slice %arg8[%scatter3A_482, %scatter3A_483, %scatter3A_484] : memref<7x128x128xf32, #tpu.memory_space<vmem>> -> memref<1x128x128xf32, #tpu.memory_space<vmem>>
      %scatter3A_486 = tpu.memref_squeeze %scatter3A_485 : memref<1x128x128xf32, #tpu.memory_space<vmem>> -> memref<128x128xf32, #tpu.memory_space<vmem>>
      tpu.vector_store_idx %scatter3A_486[%add3A_481, %add3A_481], %broadcast_in_dim3A_84 : memref<128x128xf32, #tpu.memory_space<vmem>>[vector<16xi32>, vector<16xi32>], vector<16xf32>,
      %add3A_487 = arith.constant 80 : i32
      %add3A_488 = vector.broadcast %add3A_487 : i32 to vector<16xi32>
      %add3A_489 = arith.addi %iota3A, %add3A_488 : vector<16xi32>
      %scatter3A_490 = arith.constant 1 : i32
      %scatter3A_491 = arith.constant 0 : i32
      %scatter3A_492 = arith.constant 0 : i32
      %scatter3A_493 = tpu.memref_slice %arg8[%scatter3A_490, %scatter3A_491, %scatter3A_492] : memref<7x128x128xf32, #tpu.memory_space<vmem>> -> memref<1x128x128xf32, #tpu.memory_space<vmem>>
      %scatter3A_494 = tpu.memref_squeeze %scatter3A_493 : memref<1x128x128xf32, #tpu.memory_space<vmem>> -> memref<128x128xf32, #tpu.memory_space<vmem>>
      tpu.vector_store_idx %scatter3A_494[%add3A_489, %add3A_489], %broadcast_in_dim3A_84 : memref<128x128xf32, #tpu.memory_space<vmem>>[vector<16xi32>, vector<16xi32>], vector<16xf32>,
      %add3A_495 = arith.constant 96 : i32
      %add3A_496 = vector.broadcast %add3A_495 : i32 to vector<16xi32>
      %add3A_497 = arith.addi %iota3A, %add3A_496 : vector<16xi32>
      %scatter3A_498 = arith.constant 1 : i32
      %scatter3A_499 = arith.constant 0 : i32
      %scatter3A_500 = arith.constant 0 : i32
      %scatter3A_501 = tpu.memref_slice %arg8[%scatter3A_498, %scatter3A_499, %scatter3A_500] : memref<7x128x128xf32, #tpu.memory_space<vmem>> -> memref<1x128x128xf32, #tpu.memory_space<vmem>>
      %scatter3A_502 = tpu.memref_squeeze %scatter3A_501 : memref<1x128x128xf32, #tpu.memory_space<vmem>> -> memref<128x128xf32, #tpu.memory_space<vmem>>
      tpu.vector_store_idx %scatter3A_502[%add3A_497, %add3A_497], %broadcast_in_dim3A_84 : memref<128x128xf32, #tpu.memory_space<vmem>>[vector<16xi32>, vector<16xi32>], vector<16xf32>,
      %add3A_503 = arith.constant 112 : i32
      %add3A_504 = vector.broadcast %add3A_503 : i32 to vector<16xi32>
      %add3A_505 = arith.addi %iota3A, %add3A_504 : vector<16xi32>
      %scatter3A_506 = arith.constant 1 : i32
      %scatter3A_507 = arith.constant 0 : i32
      %scatter3A_508 = arith.constant 0 : i32
      %scatter3A_509 = tpu.memref_slice %arg8[%scatter3A_506, %scatter3A_507, %scatter3A_508] : memref<7x128x128xf32, #tpu.memory_space<vmem>> -> memref<1x128x128xf32, #tpu.memory_space<vmem>>
      %scatter3A_510 = tpu.memref_squeeze %scatter3A_509 : memref<1x128x128xf32, #tpu.memory_space<vmem>> -> memref<128x128xf32, #tpu.memory_space<vmem>>
      tpu.vector_store_idx %scatter3A_510[%add3A_505, %add3A_505], %broadcast_in_dim3A_84 : memref<128x128xf32, #tpu.memory_space<vmem>>[vector<16xi32>, vector<16xi32>], vector<16xf32>,
      %min3A_511 = arith.constant 255 : i32
      %min3A_512 = arith.minsi %add3A_425, %min3A_511 : i32
      %mul3A_513 = arith.constant 32 : i32
      %mul3A_514 = arith.muli %min3A_512, %mul3A_513 : i32
      %add3A_515 = arith.addi %mul3A_514, %add3A : i32
      %dma_start3A_516 = arith.constant 1 : i32
      %dma_start3A_517 = arith.constant 1 : i32
      %dma_start3A_518 = arith.constant 0 : i32
      %dma_start3A_519 = arith.constant 0 : i32
      %dma_start3A_520 = tpu.memref_slice %arg8[%dma_start3A_516, %dma_start3A_518, %dma_start3A_519] : memref<7x128x128xf32, #tpu.memory_space<vmem>> -> memref<1x128x128xf32, #tpu.memory_space<vmem>>
      %dma_start3A_521 = tpu.memref_squeeze %dma_start3A_520 : memref<1x128x128xf32, #tpu.memory_space<vmem>> -> memref<128x128xf32, #tpu.memory_space<vmem>>
      %dma_start3A_522 = arith.constant 0 : i32
      %dma_start3A_523 = arith.constant 0 : i32
      %dma_start3A_524 = tpu.memref_slice %arg5[%add3A_515, %dma_start3A_522, %dma_start3A_523] : memref<8192x128x128xf32, #tpu.memory_space<hbm>> -> memref<1x128x128xf32, #tpu.memory_space<hbm>>
      %dma_start3A_525 = tpu.memref_squeeze %dma_start3A_524 : memref<1x128x128xf32, #tpu.memory_space<hbm>> -> memref<128x128xf32, #tpu.memory_space<hbm>>
      %dma_start3A_526 = tpu.memref_slice %arg10[%dma_start3A_517] : memref<7x!tpu.dma_semaphore, #tpu.memory_space<semaphore_mem>> -> memref<1x!tpu.dma_semaphore, #tpu.memory_space<semaphore_mem>>
      %dma_start3A_527 = tpu.memref_squeeze %dma_start3A_526 : memref<1x!tpu.dma_semaphore, #tpu.memory_space<semaphore_mem>> -> memref<!tpu.dma_semaphore, #tpu.memory_space<semaphore_mem>>
      %dma_start3A_528 = arith.constant 0 : i32
      %dma_start3A_529 = arith.constant 0 : i32
      %dma_start3A_530 = tpu.memref_slice %arg5[%add3A_515, %dma_start3A_528, %dma_start3A_529] : memref<8192x128x128xf32, #tpu.memory_space<hbm>> -> memref<1x128x128xf32, #tpu.memory_space<hbm>>
      %dma_start3A_531 = tpu.memref_squeeze %dma_start3A_530 : memref<1x128x128xf32, #tpu.memory_space<hbm>> -> memref<128x128xf32, #tpu.memory_space<hbm>>
      %dma_start3A_532 = arith.constant 0 : i32
      %dma_start3A_533 = arith.constant 0 : i32
      %dma_start3A_534 = tpu.memref_slice %arg8[%dma_start3A_516, %dma_start3A_532, %dma_start3A_533] : memref<7x128x128xf32, #tpu.memory_space<vmem>> -> memref<1x128x128xf32, #tpu.memory_space<vmem>>
      %dma_start3A_535 = tpu.memref_squeeze %dma_start3A_534 : memref<1x128x128xf32, #tpu.memory_space<vmem>> -> memref<128x128xf32, #tpu.memory_space<vmem>>
      tpu.enqueue_dma source(%dma_start3A_535 : memref<128x128xf32, #tpu.memory_space<vmem>>) target(%dma_start3A_531 : memref<128x128xf32, #tpu.memory_space<hbm>>) target_semaphore(%dma_start3A_527 : memref<!tpu.dma_semaphore, #tpu.memory_space<semaphore_mem>>)
      %ge3A_536 = arith.constant 3 : i32
      %ge3A_537 = arith.cmpi sge, %add3A_425, %ge3A_536 : i32
      %convert_element_type3A_538 = arith.extui %ge3A_537 : i1 to i32
      %cond3A_539 = arith.constant 0 : i32
      %cond3A_540 = arith.cmpi ne, %convert_element_type3A_538, %cond3A_539 : i32
      scf.if %cond3A_540 {
        %dma_wait3A_1287 = arith.constant 5 : i32
        %dma_wait3A_1288 = arith.constant 0 : i32
        %dma_wait3A_1289 = arith.constant 5 : i32
        %dma_wait3A_1290 = arith.constant 0 : i32
        %dma_wait3A_1291 = arith.constant 0 : i32
        %dma_wait3A_1292 = tpu.memref_slice %arg8[%dma_wait3A_1287, %dma_wait3A_1290, %dma_wait3A_1291] : memref<7x128x128xf32, #tpu.memory_space<vmem>> -> memref<1x128x128xf32, #tpu.memory_space<vmem>>
        %dma_wait3A_1293 = tpu.memref_squeeze %dma_wait3A_1292 : memref<1x128x128xf32, #tpu.memory_space<vmem>> -> memref<128x128xf32, #tpu.memory_space<vmem>>
        %dma_wait3A_1294 = arith.constant 0 : i32
        %dma_wait3A_1295 = arith.constant 0 : i32
        %dma_wait3A_1296 = tpu.memref_slice %arg5[%dma_wait3A_1288, %dma_wait3A_1294, %dma_wait3A_1295] : memref<8192x128x128xf32, #tpu.memory_space<hbm>> -> memref<1x128x128xf32, #tpu.memory_space<hbm>>
        %dma_wait3A_1297 = tpu.memref_squeeze %dma_wait3A_1296 : memref<1x128x128xf32, #tpu.memory_space<hbm>> -> memref<128x128xf32, #tpu.memory_space<hbm>>
        %dma_wait3A_1298 = tpu.memref_slice %arg10[%dma_wait3A_1289] : memref<7x!tpu.dma_semaphore, #tpu.memory_space<semaphore_mem>> -> memref<1x!tpu.dma_semaphore, #tpu.memory_space<semaphore_mem>>
        %dma_wait3A_1299 = tpu.memref_squeeze %dma_wait3A_1298 : memref<1x!tpu.dma_semaphore, #tpu.memory_space<semaphore_mem>> -> memref<!tpu.dma_semaphore, #tpu.memory_space<semaphore_mem>>
        %dma_wait3A_1300 = arith.constant 0 : i32
        %dma_wait3A_1301 = arith.constant 0 : i32
        %dma_wait3A_1302 = tpu.memref_slice %arg5[%dma_wait3A_1288, %dma_wait3A_1300, %dma_wait3A_1301] : memref<8192x128x128xf32, #tpu.memory_space<hbm>> -> memref<1x128x128xf32, #tpu.memory_space<hbm>>
        %dma_wait3A_1303 = tpu.memref_squeeze %dma_wait3A_1302 : memref<1x128x128xf32, #tpu.memory_space<hbm>> -> memref<128x128xf32, #tpu.memory_space<hbm>>
        %dma_wait3A_1304 = arith.constant 0 : i32
        %dma_wait3A_1305 = arith.constant 0 : i32
        %dma_wait3A_1306 = tpu.memref_slice %arg8[%dma_wait3A_1287, %dma_wait3A_1304, %dma_wait3A_1305] : memref<7x128x128xf32, #tpu.memory_space<vmem>> -> memref<1x128x128xf32, #tpu.memory_space<vmem>>
        %dma_wait3A_1307 = tpu.memref_squeeze %dma_wait3A_1306 : memref<1x128x128xf32, #tpu.memory_space<vmem>> -> memref<128x128xf32, #tpu.memory_space<vmem>>
        tpu.wait_dma2 semaphore(%dma_wait3A_1299 : memref<!tpu.dma_semaphore, #tpu.memory_space<semaphore_mem>>) src(%dma_wait3A_1307 : memref<128x128xf32, #tpu.memory_space<vmem>>) dst(%dma_wait3A_1303 : memref<128x128xf32, #tpu.memory_space<hbm>>)
      } else {
      }
      %add3A_541 = arith.constant 4 : i32
      %add3A_542 = arith.addi %add3A_425, %add3A_541 : i32
      %get3A_543 = arith.index_cast %add3A_542 : i32 to index
      %get3A_544 = tpu.vector_load %arg7[%get3A_543] {strides = array<i32>} : memref<286xi32, #tpu.memory_space<vmem>>, vector<16xi32>,
      %slice3A_545 = vector.extract_strided_slice %get3A_544 {offsets = [0], sizes = [1], strides = [1]} : vector<16xi32> to vector<1xi32>
      %squeeze3A_546 = vector.extract %slice3A_545[0] : i32 from vector<1xi32>
      %ge3A_547 = arith.constant 0 : i32
      %ge3A_548 = arith.cmpi sge, %squeeze3A_546, %ge3A_547 : i32
      %convert_element_type3A_549 = arith.extui %ge3A_548 : i1 to i32
      %cond3A_550 = arith.constant 0 : i32
      %cond3A_551 = arith.cmpi ne, %convert_element_type3A_549, %cond3A_550 : i32
      scf.if %cond3A_551 {
        %dma_start3A_1287 = arith.constant 5 : i32
        %dma_start3A_1288 = arith.constant 5 : i32
        %dma_start3A_1289 = arith.constant 0 : i32
        %dma_start3A_1290 = arith.constant 0 : i32
        %dma_start3A_1291 = tpu.memref_slice %arg8[%dma_start3A_1287, %dma_start3A_1289, %dma_start3A_1290] : memref<7x128x128xf32, #tpu.memory_space<vmem>> -> memref<1x128x128xf32, #tpu.memory_space<vmem>>
        %dma_start3A_1292 = tpu.memref_squeeze %dma_start3A_1291 : memref<1x128x128xf32, #tpu.memory_space<vmem>> -> memref<128x128xf32, #tpu.memory_space<vmem>>
        %dma_start3A_1293 = arith.constant 0 : i32
        %dma_start3A_1294 = arith.constant 0 : i32
        %dma_start3A_1295 = tpu.memref_slice %arg4[%squeeze3A_546, %dma_start3A_1293, %dma_start3A_1294] : memref<4096x128x128xf32, #tpu.memory_space<hbm>> -> memref<1x128x128xf32, #tpu.memory_space<hbm>>
        %dma_start3A_1296 = tpu.memref_squeeze %dma_start3A_1295 : memref<1x128x128xf32, #tpu.memory_space<hbm>> -> memref<128x128xf32, #tpu.memory_space<hbm>>
        %dma_start3A_1297 = tpu.memref_slice %arg9[%dma_start3A_1288] : memref<7x!tpu.dma_semaphore, #tpu.memory_space<semaphore_mem>> -> memref<1x!tpu.dma_semaphore, #tpu.memory_space<semaphore_mem>>
        %dma_start3A_1298 = tpu.memref_squeeze %dma_start3A_1297 : memref<1x!tpu.dma_semaphore, #tpu.memory_space<semaphore_mem>> -> memref<!tpu.dma_semaphore, #tpu.memory_space<semaphore_mem>>
        %dma_start3A_1299 = arith.constant 0 : i32
        %dma_start3A_1300 = arith.constant 0 : i32
        %dma_start3A_1301 = tpu.memref_slice %arg8[%dma_start3A_1287, %dma_start3A_1299, %dma_start3A_1300] : memref<7x128x128xf32, #tpu.memory_space<vmem>> -> memref<1x128x128xf32, #tpu.memory_space<vmem>>
        %dma_start3A_1302 = tpu.memref_squeeze %dma_start3A_1301 : memref<1x128x128xf32, #tpu.memory_space<vmem>> -> memref<128x128xf32, #tpu.memory_space<vmem>>
        %dma_start3A_1303 = arith.constant 0 : i32
        %dma_start3A_1304 = arith.constant 0 : i32
        %dma_start3A_1305 = tpu.memref_slice %arg4[%squeeze3A_546, %dma_start3A_1303, %dma_start3A_1304] : memref<4096x128x128xf32, #tpu.memory_space<hbm>> -> memref<1x128x128xf32, #tpu.memory_space<hbm>>
        %dma_start3A_1306 = tpu.memref_squeeze %dma_start3A_1305 : memref<1x128x128xf32, #tpu.memory_space<hbm>> -> memref<128x128xf32, #tpu.memory_space<hbm>>
        tpu.enqueue_dma source(%dma_start3A_1306 : memref<128x128xf32, #tpu.memory_space<hbm>>) target(%dma_start3A_1302 : memref<128x128xf32, #tpu.memory_space<vmem>>) target_semaphore(%dma_start3A_1298 : memref<!tpu.dma_semaphore, #tpu.memory_space<semaphore_mem>>)
      } else {
      }
      %lt3A_552 = arith.constant 0 : i32
      %lt3A_553 = arith.cmpi slt, %squeeze3A_546, %lt3A_552 : i32
      %convert_element_type3A_554 = arith.extui %lt3A_553 : i1 to i32
      %cond3A_555 = arith.constant 0 : i32
      %cond3A_556 = arith.cmpi ne, %convert_element_type3A_554, %cond3A_555 : i32
      scf.if %cond3A_556 {
        %min3A_1287 = arith.constant 255 : i32
        %min3A_1288 = arith.minsi %add3A_542, %min3A_1287 : i32
        %mul3A_1289 = arith.constant 32 : i32
        %mul3A_1290 = arith.muli %min3A_1288, %mul3A_1289 : i32
        %add3A_1291 = arith.addi %mul3A_1290, %add3A : i32
        %dma_start3A_1292 = arith.constant 5 : i32
        %dma_start3A_1293 = arith.constant 5 : i32
        %dma_start3A_1294 = arith.constant 0 : i32
        %dma_start3A_1295 = arith.constant 0 : i32
        %dma_start3A_1296 = tpu.memref_slice %arg8[%dma_start3A_1292, %dma_start3A_1294, %dma_start3A_1295] : memref<7x128x128xf32, #tpu.memory_space<vmem>> -> memref<1x128x128xf32, #tpu.memory_space<vmem>>
        %dma_start3A_1297 = tpu.memref_squeeze %dma_start3A_1296 : memref<1x128x128xf32, #tpu.memory_space<vmem>> -> memref<128x128xf32, #tpu.memory_space<vmem>>
        %dma_start3A_1298 = arith.constant 0 : i32
        %dma_start3A_1299 = arith.constant 0 : i32
        %dma_start3A_1300 = tpu.memref_slice %arg3[%add3A_1291, %dma_start3A_1298, %dma_start3A_1299] : memref<8192x128x128xf32, #tpu.memory_space<hbm>> -> memref<1x128x128xf32, #tpu.memory_space<hbm>>
        %dma_start3A_1301 = tpu.memref_squeeze %dma_start3A_1300 : memref<1x128x128xf32, #tpu.memory_space<hbm>> -> memref<128x128xf32, #tpu.memory_space<hbm>>
        %dma_start3A_1302 = tpu.memref_slice %arg9[%dma_start3A_1293] : memref<7x!tpu.dma_semaphore, #tpu.memory_space<semaphore_mem>> -> memref<1x!tpu.dma_semaphore, #tpu.memory_space<semaphore_mem>>
        %dma_start3A_1303 = tpu.memref_squeeze %dma_start3A_1302 : memref<1x!tpu.dma_semaphore, #tpu.memory_space<semaphore_mem>> -> memref<!tpu.dma_semaphore, #tpu.memory_space<semaphore_mem>>
        %dma_start3A_1304 = arith.constant 0 : i32
        %dma_start3A_1305 = arith.constant 0 : i32
        %dma_start3A_1306 = tpu.memref_slice %arg8[%dma_start3A_1292, %dma_start3A_1304, %dma_start3A_1305] : memref<7x128x128xf32, #tpu.memory_space<vmem>> -> memref<1x128x128xf32, #tpu.memory_space<vmem>>
        %dma_start3A_1307 = tpu.memref_squeeze %dma_start3A_1306 : memref<1x128x128xf32, #tpu.memory_space<vmem>> -> memref<128x128xf32, #tpu.memory_space<vmem>>
        %dma_start3A_1308 = arith.constant 0 : i32
        %dma_start3A_1309 = arith.constant 0 : i32
        %dma_start3A_1310 = tpu.memref_slice %arg3[%add3A_1291, %dma_start3A_1308, %dma_start3A_1309] : memref<8192x128x128xf32, #tpu.memory_space<hbm>> -> memref<1x128x128xf32, #tpu.memory_space<hbm>>
        %dma_start3A_1311 = tpu.memref_squeeze %dma_start3A_1310 : memref<1x128x128xf32, #tpu.memory_space<hbm>> -> memref<128x128xf32, #tpu.memory_space<hbm>>
        tpu.enqueue_dma source(%dma_start3A_1311 : memref<128x128xf32, #tpu.memory_space<hbm>>) target(%dma_start3A_1307 : memref<128x128xf32, #tpu.memory_space<vmem>>) target_semaphore(%dma_start3A_1303 : memref<!tpu.dma_semaphore, #tpu.memory_space<semaphore_mem>>)
      } else {
      }
      %add3A_557 = arith.constant 2 : i32
      %add3A_558 = arith.addi %mul3A_293, %add3A_557 : i32
      %dma_wait3A_559 = arith.constant 0 : i32
      %dma_wait3A_560 = arith.constant 2 : i32
      %dma_wait3A_561 = arith.constant 2 : i32
      %dma_wait3A_562 = arith.constant 0 : i32
      %dma_wait3A_563 = arith.constant 0 : i32
      %dma_wait3A_564 = tpu.memref_slice %arg8[%dma_wait3A_560, %dma_wait3A_562, %dma_wait3A_563] : memref<7x128x128xf32, #tpu.memory_space<vmem>> -> memref<1x128x128xf32, #tpu.memory_space<vmem>>
      %dma_wait3A_565 = tpu.memref_squeeze %dma_wait3A_564 : memref<1x128x128xf32, #tpu.memory_space<vmem>> -> memref<128x128xf32, #tpu.memory_space<vmem>>
      %dma_wait3A_566 = arith.constant 0 : i32
      %dma_wait3A_567 = arith.constant 0 : i32
      %dma_wait3A_568 = tpu.memref_slice %arg3[%dma_wait3A_559, %dma_wait3A_566, %dma_wait3A_567] : memref<8192x128x128xf32, #tpu.memory_space<hbm>> -> memref<1x128x128xf32, #tpu.memory_space<hbm>>
      %dma_wait3A_569 = tpu.memref_squeeze %dma_wait3A_568 : memref<1x128x128xf32, #tpu.memory_space<hbm>> -> memref<128x128xf32, #tpu.memory_space<hbm>>
      %dma_wait3A_570 = tpu.memref_slice %arg9[%dma_wait3A_561] : memref<7x!tpu.dma_semaphore, #tpu.memory_space<semaphore_mem>> -> memref<1x!tpu.dma_semaphore, #tpu.memory_space<semaphore_mem>>
      %dma_wait3A_571 = tpu.memref_squeeze %dma_wait3A_570 : memref<1x!tpu.dma_semaphore, #tpu.memory_space<semaphore_mem>> -> memref<!tpu.dma_semaphore, #tpu.memory_space<semaphore_mem>>
      %dma_wait3A_572 = arith.constant 0 : i32
      %dma_wait3A_573 = arith.constant 0 : i32
      %dma_wait3A_574 = tpu.memref_slice %arg8[%dma_wait3A_560, %dma_wait3A_572, %dma_wait3A_573] : memref<7x128x128xf32, #tpu.memory_space<vmem>> -> memref<1x128x128xf32, #tpu.memory_space<vmem>>
      %dma_wait3A_575 = tpu.memref_squeeze %dma_wait3A_574 : memref<1x128x128xf32, #tpu.memory_space<vmem>> -> memref<128x128xf32, #tpu.memory_space<vmem>>
      %dma_wait3A_576 = arith.constant 0 : i32
      %dma_wait3A_577 = arith.constant 0 : i32
      %dma_wait3A_578 = tpu.memref_slice %arg3[%dma_wait3A_559, %dma_wait3A_576, %dma_wait3A_577] : memref<8192x128x128xf32, #tpu.memory_space<hbm>> -> memref<1x128x128xf32, #tpu.memory_space<hbm>>
      %dma_wait3A_579 = tpu.memref_squeeze %dma_wait3A_578 : memref<1x128x128xf32, #tpu.memory_space<hbm>> -> memref<128x128xf32, #tpu.memory_space<hbm>>
      tpu.wait_dma2 semaphore(%dma_wait3A_571 : memref<!tpu.dma_semaphore, #tpu.memory_space<semaphore_mem>>) src(%dma_wait3A_579 : memref<128x128xf32, #tpu.memory_space<hbm>>) dst(%dma_wait3A_575 : memref<128x128xf32, #tpu.memory_space<vmem>>)
      %add3A_580 = arith.constant 0 : i32
      %add3A_581 = vector.broadcast %add3A_580 : i32 to vector<16xi32>
      %add3A_582 = arith.addi %iota3A, %add3A_581 : vector<16xi32>
      %scatter3A_583 = arith.constant 2 : i32
      %scatter3A_584 = arith.constant 0 : i32
      %scatter3A_585 = arith.constant 0 : i32
      %scatter3A_586 = tpu.memref_slice %arg8[%scatter3A_583, %scatter3A_584, %scatter3A_585] : memref<7x128x128xf32, #tpu.memory_space<vmem>> -> memref<1x128x128xf32, #tpu.memory_space<vmem>>
      %scatter3A_587 = tpu.memref_squeeze %scatter3A_586 : memref<1x128x128xf32, #tpu.memory_space<vmem>> -> memref<128x128xf32, #tpu.memory_space<vmem>>
      tpu.vector_store_idx %scatter3A_587[%add3A_582, %add3A_582], %broadcast_in_dim3A_84 : memref<128x128xf32, #tpu.memory_space<vmem>>[vector<16xi32>, vector<16xi32>], vector<16xf32>,
      %add3A_588 = arith.constant 16 : i32
      %add3A_589 = vector.broadcast %add3A_588 : i32 to vector<16xi32>
      %add3A_590 = arith.addi %iota3A, %add3A_589 : vector<16xi32>
      %scatter3A_591 = arith.constant 2 : i32
      %scatter3A_592 = arith.constant 0 : i32
      %scatter3A_593 = arith.constant 0 : i32
      %scatter3A_594 = tpu.memref_slice %arg8[%scatter3A_591, %scatter3A_592, %scatter3A_593] : memref<7x128x128xf32, #tpu.memory_space<vmem>> -> memref<1x128x128xf32, #tpu.memory_space<vmem>>
      %scatter3A_595 = tpu.memref_squeeze %scatter3A_594 : memref<1x128x128xf32, #tpu.memory_space<vmem>> -> memref<128x128xf32, #tpu.memory_space<vmem>>
      tpu.vector_store_idx %scatter3A_595[%add3A_590, %add3A_590], %broadcast_in_dim3A_84 : memref<128x128xf32, #tpu.memory_space<vmem>>[vector<16xi32>, vector<16xi32>], vector<16xf32>,
      %add3A_596 = arith.constant 32 : i32
      %add3A_597 = vector.broadcast %add3A_596 : i32 to vector<16xi32>
      %add3A_598 = arith.addi %iota3A, %add3A_597 : vector<16xi32>
      %scatter3A_599 = arith.constant 2 : i32
      %scatter3A_600 = arith.constant 0 : i32
      %scatter3A_601 = arith.constant 0 : i32
      %scatter3A_602 = tpu.memref_slice %arg8[%scatter3A_599, %scatter3A_600, %scatter3A_601] : memref<7x128x128xf32, #tpu.memory_space<vmem>> -> memref<1x128x128xf32, #tpu.memory_space<vmem>>
      %scatter3A_603 = tpu.memref_squeeze %scatter3A_602 : memref<1x128x128xf32, #tpu.memory_space<vmem>> -> memref<128x128xf32, #tpu.memory_space<vmem>>
      tpu.vector_store_idx %scatter3A_603[%add3A_598, %add3A_598], %broadcast_in_dim3A_84 : memref<128x128xf32, #tpu.memory_space<vmem>>[vector<16xi32>, vector<16xi32>], vector<16xf32>,
      %add3A_604 = arith.constant 48 : i32
      %add3A_605 = vector.broadcast %add3A_604 : i32 to vector<16xi32>
      %add3A_606 = arith.addi %iota3A, %add3A_605 : vector<16xi32>
      %scatter3A_607 = arith.constant 2 : i32
      %scatter3A_608 = arith.constant 0 : i32
      %scatter3A_609 = arith.constant 0 : i32
      %scatter3A_610 = tpu.memref_slice %arg8[%scatter3A_607, %scatter3A_608, %scatter3A_609] : memref<7x128x128xf32, #tpu.memory_space<vmem>> -> memref<1x128x128xf32, #tpu.memory_space<vmem>>
      %scatter3A_611 = tpu.memref_squeeze %scatter3A_610 : memref<1x128x128xf32, #tpu.memory_space<vmem>> -> memref<128x128xf32, #tpu.memory_space<vmem>>
      tpu.vector_store_idx %scatter3A_611[%add3A_606, %add3A_606], %broadcast_in_dim3A_84 : memref<128x128xf32, #tpu.memory_space<vmem>>[vector<16xi32>, vector<16xi32>], vector<16xf32>,
      %add3A_612 = arith.constant 64 : i32
      %add3A_613 = vector.broadcast %add3A_612 : i32 to vector<16xi32>
      %add3A_614 = arith.addi %iota3A, %add3A_613 : vector<16xi32>
      %scatter3A_615 = arith.constant 2 : i32
      %scatter3A_616 = arith.constant 0 : i32
      %scatter3A_617 = arith.constant 0 : i32
      %scatter3A_618 = tpu.memref_slice %arg8[%scatter3A_615, %scatter3A_616, %scatter3A_617] : memref<7x128x128xf32, #tpu.memory_space<vmem>> -> memref<1x128x128xf32, #tpu.memory_space<vmem>>
      %scatter3A_619 = tpu.memref_squeeze %scatter3A_618 : memref<1x128x128xf32, #tpu.memory_space<vmem>> -> memref<128x128xf32, #tpu.memory_space<vmem>>
      tpu.vector_store_idx %scatter3A_619[%add3A_614, %add3A_614], %broadcast_in_dim3A_84 : memref<128x128xf32, #tpu.memory_space<vmem>>[vector<16xi32>, vector<16xi32>], vector<16xf32>,
      %add3A_620 = arith.constant 80 : i32
      %add3A_621 = vector.broadcast %add3A_620 : i32 to vector<16xi32>
      %add3A_622 = arith.addi %iota3A, %add3A_621 : vector<16xi32>
      %scatter3A_623 = arith.constant 2 : i32
      %scatter3A_624 = arith.constant 0 : i32
      %scatter3A_625 = arith.constant 0 : i32
      %scatter3A_626 = tpu.memref_slice %arg8[%scatter3A_623, %scatter3A_624, %scatter3A_625] : memref<7x128x128xf32, #tpu.memory_space<vmem>> -> memref<1x128x128xf32, #tpu.memory_space<vmem>>
      %scatter3A_627 = tpu.memref_squeeze %scatter3A_626 : memref<1x128x128xf32, #tpu.memory_space<vmem>> -> memref<128x128xf32, #tpu.memory_space<vmem>>
      tpu.vector_store_idx %scatter3A_627[%add3A_622, %add3A_622], %broadcast_in_dim3A_84 : memref<128x128xf32, #tpu.memory_space<vmem>>[vector<16xi32>, vector<16xi32>], vector<16xf32>,
      %add3A_628 = arith.constant 96 : i32
      %add3A_629 = vector.broadcast %add3A_628 : i32 to vector<16xi32>
      %add3A_630 = arith.addi %iota3A, %add3A_629 : vector<16xi32>
      %scatter3A_631 = arith.constant 2 : i32
      %scatter3A_632 = arith.constant 0 : i32
      %scatter3A_633 = arith.constant 0 : i32
      %scatter3A_634 = tpu.memref_slice %arg8[%scatter3A_631, %scatter3A_632, %scatter3A_633] : memref<7x128x128xf32, #tpu.memory_space<vmem>> -> memref<1x128x128xf32, #tpu.memory_space<vmem>>
      %scatter3A_635 = tpu.memref_squeeze %scatter3A_634 : memref<1x128x128xf32, #tpu.memory_space<vmem>> -> memref<128x128xf32, #tpu.memory_space<vmem>>
      tpu.vector_store_idx %scatter3A_635[%add3A_630, %add3A_630], %broadcast_in_dim3A_84 : memref<128x128xf32, #tpu.memory_space<vmem>>[vector<16xi32>, vector<16xi32>], vector<16xf32>,
      %add3A_636 = arith.constant 112 : i32
      %add3A_637 = vector.broadcast %add3A_636 : i32 to vector<16xi32>
      %add3A_638 = arith.addi %iota3A, %add3A_637 : vector<16xi32>
      %scatter3A_639 = arith.constant 2 : i32
      %scatter3A_640 = arith.constant 0 : i32
      %scatter3A_641 = arith.constant 0 : i32
      %scatter3A_642 = tpu.memref_slice %arg8[%scatter3A_639, %scatter3A_640, %scatter3A_641] : memref<7x128x128xf32, #tpu.memory_space<vmem>> -> memref<1x128x128xf32, #tpu.memory_space<vmem>>
      %scatter3A_643 = tpu.memref_squeeze %scatter3A_642 : memref<1x128x128xf32, #tpu.memory_space<vmem>> -> memref<128x128xf32, #tpu.memory_space<vmem>>
      tpu.vector_store_idx %scatter3A_643[%add3A_638, %add3A_638], %broadcast_in_dim3A_84 : memref<128x128xf32, #tpu.memory_space<vmem>>[vector<16xi32>, vector<16xi32>], vector<16xf32>,
      %min3A_644 = arith.constant 255 : i32
      %min3A_645 = arith.minsi %add3A_558, %min3A_644 : i32
      %mul3A_646 = arith.constant 32 : i32
      %mul3A_647 = arith.muli %min3A_645, %mul3A_646 : i32
      %add3A_648 = arith.addi %mul3A_647, %add3A : i32
      %dma_start3A_649 = arith.constant 2 : i32
      %dma_start3A_650 = arith.constant 2 : i32
      %dma_start3A_651 = arith.constant 0 : i32
      %dma_start3A_652 = arith.constant 0 : i32
      %dma_start3A_653 = tpu.memref_slice %arg8[%dma_start3A_649, %dma_start3A_651, %dma_start3A_652] : memref<7x128x128xf32, #tpu.memory_space<vmem>> -> memref<1x128x128xf32, #tpu.memory_space<vmem>>
      %dma_start3A_654 = tpu.memref_squeeze %dma_start3A_653 : memref<1x128x128xf32, #tpu.memory_space<vmem>> -> memref<128x128xf32, #tpu.memory_space<vmem>>
      %dma_start3A_655 = arith.constant 0 : i32
      %dma_start3A_656 = arith.constant 0 : i32
      %dma_start3A_657 = tpu.memref_slice %arg5[%add3A_648, %dma_start3A_655, %dma_start3A_656] : memref<8192x128x128xf32, #tpu.memory_space<hbm>> -> memref<1x128x128xf32, #tpu.memory_space<hbm>>
      %dma_start3A_658 = tpu.memref_squeeze %dma_start3A_657 : memref<1x128x128xf32, #tpu.memory_space<hbm>> -> memref<128x128xf32, #tpu.memory_space<hbm>>
      %dma_start3A_659 = tpu.memref_slice %arg10[%dma_start3A_650] : memref<7x!tpu.dma_semaphore, #tpu.memory_space<semaphore_mem>> -> memref<1x!tpu.dma_semaphore, #tpu.memory_space<semaphore_mem>>
      %dma_start3A_660 = tpu.memref_squeeze %dma_start3A_659 : memref<1x!tpu.dma_semaphore, #tpu.memory_space<semaphore_mem>> -> memref<!tpu.dma_semaphore, #tpu.memory_space<semaphore_mem>>
      %dma_start3A_661 = arith.constant 0 : i32
      %dma_start3A_662 = arith.constant 0 : i32
      %dma_start3A_663 = tpu.memref_slice %arg5[%add3A_648, %dma_start3A_661, %dma_start3A_662] : memref<8192x128x128xf32, #tpu.memory_space<hbm>> -> memref<1x128x128xf32, #tpu.memory_space<hbm>>
      %dma_start3A_664 = tpu.memref_squeeze %dma_start3A_663 : memref<1x128x128xf32, #tpu.memory_space<hbm>> -> memref<128x128xf32, #tpu.memory_space<hbm>>
      %dma_start3A_665 = arith.constant 0 : i32
      %dma_start3A_666 = arith.constant 0 : i32
      %dma_start3A_667 = tpu.memref_slice %arg8[%dma_start3A_649, %dma_start3A_665, %dma_start3A_666] : memref<7x128x128xf32, #tpu.memory_space<vmem>> -> memref<1x128x128xf32, #tpu.memory_space<vmem>>
      %dma_start3A_668 = tpu.memref_squeeze %dma_start3A_667 : memref<1x128x128xf32, #tpu.memory_space<vmem>> -> memref<128x128xf32, #tpu.memory_space<vmem>>
      tpu.enqueue_dma source(%dma_start3A_668 : memref<128x128xf32, #tpu.memory_space<vmem>>) target(%dma_start3A_664 : memref<128x128xf32, #tpu.memory_space<hbm>>) target_semaphore(%dma_start3A_660 : memref<!tpu.dma_semaphore, #tpu.memory_space<semaphore_mem>>)
      %ge3A_669 = arith.constant 3 : i32
      %ge3A_670 = arith.cmpi sge, %add3A_558, %ge3A_669 : i32
      %convert_element_type3A_671 = arith.extui %ge3A_670 : i1 to i32
      %cond3A_672 = arith.constant 0 : i32
      %cond3A_673 = arith.cmpi ne, %convert_element_type3A_671, %cond3A_672 : i32
      scf.if %cond3A_673 {
        %dma_wait3A_1287 = arith.constant 6 : i32
        %dma_wait3A_1288 = arith.constant 0 : i32
        %dma_wait3A_1289 = arith.constant 6 : i32
        %dma_wait3A_1290 = arith.constant 0 : i32
        %dma_wait3A_1291 = arith.constant 0 : i32
        %dma_wait3A_1292 = tpu.memref_slice %arg8[%dma_wait3A_1287, %dma_wait3A_1290, %dma_wait3A_1291] : memref<7x128x128xf32, #tpu.memory_space<vmem>> -> memref<1x128x128xf32, #tpu.memory_space<vmem>>
        %dma_wait3A_1293 = tpu.memref_squeeze %dma_wait3A_1292 : memref<1x128x128xf32, #tpu.memory_space<vmem>> -> memref<128x128xf32, #tpu.memory_space<vmem>>
        %dma_wait3A_1294 = arith.constant 0 : i32
        %dma_wait3A_1295 = arith.constant 0 : i32
        %dma_wait3A_1296 = tpu.memref_slice %arg5[%dma_wait3A_1288, %dma_wait3A_1294, %dma_wait3A_1295] : memref<8192x128x128xf32, #tpu.memory_space<hbm>> -> memref<1x128x128xf32, #tpu.memory_space<hbm>>
        %dma_wait3A_1297 = tpu.memref_squeeze %dma_wait3A_1296 : memref<1x128x128xf32, #tpu.memory_space<hbm>> -> memref<128x128xf32, #tpu.memory_space<hbm>>
        %dma_wait3A_1298 = tpu.memref_slice %arg10[%dma_wait3A_1289] : memref<7x!tpu.dma_semaphore, #tpu.memory_space<semaphore_mem>> -> memref<1x!tpu.dma_semaphore, #tpu.memory_space<semaphore_mem>>
        %dma_wait3A_1299 = tpu.memref_squeeze %dma_wait3A_1298 : memref<1x!tpu.dma_semaphore, #tpu.memory_space<semaphore_mem>> -> memref<!tpu.dma_semaphore, #tpu.memory_space<semaphore_mem>>
        %dma_wait3A_1300 = arith.constant 0 : i32
        %dma_wait3A_1301 = arith.constant 0 : i32
        %dma_wait3A_1302 = tpu.memref_slice %arg5[%dma_wait3A_1288, %dma_wait3A_1300, %dma_wait3A_1301] : memref<8192x128x128xf32, #tpu.memory_space<hbm>> -> memref<1x128x128xf32, #tpu.memory_space<hbm>>
        %dma_wait3A_1303 = tpu.memref_squeeze %dma_wait3A_1302 : memref<1x128x128xf32, #tpu.memory_space<hbm>> -> memref<128x128xf32, #tpu.memory_space<hbm>>
        %dma_wait3A_1304 = arith.constant 0 : i32
        %dma_wait3A_1305 = arith.constant 0 : i32
        %dma_wait3A_1306 = tpu.memref_slice %arg8[%dma_wait3A_1287, %dma_wait3A_1304, %dma_wait3A_1305] : memref<7x128x128xf32, #tpu.memory_space<vmem>> -> memref<1x128x128xf32, #tpu.memory_space<vmem>>
        %dma_wait3A_1307 = tpu.memref_squeeze %dma_wait3A_1306 : memref<1x128x128xf32, #tpu.memory_space<vmem>> -> memref<128x128xf32, #tpu.memory_space<vmem>>
        tpu.wait_dma2 semaphore(%dma_wait3A_1299 : memref<!tpu.dma_semaphore, #tpu.memory_space<semaphore_mem>>) src(%dma_wait3A_1307 : memref<128x128xf32, #tpu.memory_space<vmem>>) dst(%dma_wait3A_1303 : memref<128x128xf32, #tpu.memory_space<hbm>>)
      } else {
      }
      %add3A_674 = arith.constant 4 : i32
      %add3A_675 = arith.addi %add3A_558, %add3A_674 : i32
      %get3A_676 = arith.index_cast %add3A_675 : i32 to index
      %get3A_677 = tpu.vector_load %arg7[%get3A_676] {strides = array<i32>} : memref<286xi32, #tpu.memory_space<vmem>>, vector<16xi32>,
      %slice3A_678 = vector.extract_strided_slice %get3A_677 {offsets = [0], sizes = [1], strides = [1]} : vector<16xi32> to vector<1xi32>
      %squeeze3A_679 = vector.extract %slice3A_678[0] : i32 from vector<1xi32>
      %ge3A_680 = arith.constant 0 : i32
      %ge3A_681 = arith.cmpi sge, %squeeze3A_679, %ge3A_680 : i32
      %convert_element_type3A_682 = arith.extui %ge3A_681 : i1 to i32
      %cond3A_683 = arith.constant 0 : i32
      %cond3A_684 = arith.cmpi ne, %convert_element_type3A_682, %cond3A_683 : i32
      scf.if %cond3A_684 {
        %dma_start3A_1287 = arith.constant 6 : i32
        %dma_start3A_1288 = arith.constant 6 : i32
        %dma_start3A_1289 = arith.constant 0 : i32
        %dma_start3A_1290 = arith.constant 0 : i32
        %dma_start3A_1291 = tpu.memref_slice %arg8[%dma_start3A_1287, %dma_start3A_1289, %dma_start3A_1290] : memref<7x128x128xf32, #tpu.memory_space<vmem>> -> memref<1x128x128xf32, #tpu.memory_space<vmem>>
        %dma_start3A_1292 = tpu.memref_squeeze %dma_start3A_1291 : memref<1x128x128xf32, #tpu.memory_space<vmem>> -> memref<128x128xf32, #tpu.memory_space<vmem>>
        %dma_start3A_1293 = arith.constant 0 : i32
        %dma_start3A_1294 = arith.constant 0 : i32
        %dma_start3A_1295 = tpu.memref_slice %arg4[%squeeze3A_679, %dma_start3A_1293, %dma_start3A_1294] : memref<4096x128x128xf32, #tpu.memory_space<hbm>> -> memref<1x128x128xf32, #tpu.memory_space<hbm>>
        %dma_start3A_1296 = tpu.memref_squeeze %dma_start3A_1295 : memref<1x128x128xf32, #tpu.memory_space<hbm>> -> memref<128x128xf32, #tpu.memory_space<hbm>>
        %dma_start3A_1297 = tpu.memref_slice %arg9[%dma_start3A_1288] : memref<7x!tpu.dma_semaphore, #tpu.memory_space<semaphore_mem>> -> memref<1x!tpu.dma_semaphore, #tpu.memory_space<semaphore_mem>>
        %dma_start3A_1298 = tpu.memref_squeeze %dma_start3A_1297 : memref<1x!tpu.dma_semaphore, #tpu.memory_space<semaphore_mem>> -> memref<!tpu.dma_semaphore, #tpu.memory_space<semaphore_mem>>
        %dma_start3A_1299 = arith.constant 0 : i32
        %dma_start3A_1300 = arith.constant 0 : i32
        %dma_start3A_1301 = tpu.memref_slice %arg8[%dma_start3A_1287, %dma_start3A_1299, %dma_start3A_1300] : memref<7x128x128xf32, #tpu.memory_space<vmem>> -> memref<1x128x128xf32, #tpu.memory_space<vmem>>
        %dma_start3A_1302 = tpu.memref_squeeze %dma_start3A_1301 : memref<1x128x128xf32, #tpu.memory_space<vmem>> -> memref<128x128xf32, #tpu.memory_space<vmem>>
        %dma_start3A_1303 = arith.constant 0 : i32
        %dma_start3A_1304 = arith.constant 0 : i32
        %dma_start3A_1305 = tpu.memref_slice %arg4[%squeeze3A_679, %dma_start3A_1303, %dma_start3A_1304] : memref<4096x128x128xf32, #tpu.memory_space<hbm>> -> memref<1x128x128xf32, #tpu.memory_space<hbm>>
        %dma_start3A_1306 = tpu.memref_squeeze %dma_start3A_1305 : memref<1x128x128xf32, #tpu.memory_space<hbm>> -> memref<128x128xf32, #tpu.memory_space<hbm>>
        tpu.enqueue_dma source(%dma_start3A_1306 : memref<128x128xf32, #tpu.memory_space<hbm>>) target(%dma_start3A_1302 : memref<128x128xf32, #tpu.memory_space<vmem>>) target_semaphore(%dma_start3A_1298 : memref<!tpu.dma_semaphore, #tpu.memory_space<semaphore_mem>>)
      } else {
      }
      %lt3A_685 = arith.constant 0 : i32
      %lt3A_686 = arith.cmpi slt, %squeeze3A_679, %lt3A_685 : i32
      %convert_element_type3A_687 = arith.extui %lt3A_686 : i1 to i32
      %cond3A_688 = arith.constant 0 : i32
      %cond3A_689 = arith.cmpi ne, %convert_element_type3A_687, %cond3A_688 : i32
      scf.if %cond3A_689 {
        %min3A_1287 = arith.constant 255 : i32
        %min3A_1288 = arith.minsi %add3A_675, %min3A_1287 : i32
        %mul3A_1289 = arith.constant 32 : i32
        %mul3A_1290 = arith.muli %min3A_1288, %mul3A_1289 : i32
        %add3A_1291 = arith.addi %mul3A_1290, %add3A : i32
        %dma_start3A_1292 = arith.constant 6 : i32
        %dma_start3A_1293 = arith.constant 6 : i32
        %dma_start3A_1294 = arith.constant 0 : i32
        %dma_start3A_1295 = arith.constant 0 : i32
        %dma_start3A_1296 = tpu.memref_slice %arg8[%dma_start3A_1292, %dma_start3A_1294, %dma_start3A_1295] : memref<7x128x128xf32, #tpu.memory_space<vmem>> -> memref<1x128x128xf32, #tpu.memory_space<vmem>>
        %dma_start3A_1297 = tpu.memref_squeeze %dma_start3A_1296 : memref<1x128x128xf32, #tpu.memory_space<vmem>> -> memref<128x128xf32, #tpu.memory_space<vmem>>
        %dma_start3A_1298 = arith.constant 0 : i32
        %dma_start3A_1299 = arith.constant 0 : i32
        %dma_start3A_1300 = tpu.memref_slice %arg3[%add3A_1291, %dma_start3A_1298, %dma_start3A_1299] : memref<8192x128x128xf32, #tpu.memory_space<hbm>> -> memref<1x128x128xf32, #tpu.memory_space<hbm>>
        %dma_start3A_1301 = tpu.memref_squeeze %dma_start3A_1300 : memref<1x128x128xf32, #tpu.memory_space<hbm>> -> memref<128x128xf32, #tpu.memory_space<hbm>>
        %dma_start3A_1302 = tpu.memref_slice %arg9[%dma_start3A_1293] : memref<7x!tpu.dma_semaphore, #tpu.memory_space<semaphore_mem>> -> memref<1x!tpu.dma_semaphore, #tpu.memory_space<semaphore_mem>>
        %dma_start3A_1303 = tpu.memref_squeeze %dma_start3A_1302 : memref<1x!tpu.dma_semaphore, #tpu.memory_space<semaphore_mem>> -> memref<!tpu.dma_semaphore, #tpu.memory_space<semaphore_mem>>
        %dma_start3A_1304 = arith.constant 0 : i32
        %dma_start3A_1305 = arith.constant 0 : i32
        %dma_start3A_1306 = tpu.memref_slice %arg8[%dma_start3A_1292, %dma_start3A_1304, %dma_start3A_1305] : memref<7x128x128xf32, #tpu.memory_space<vmem>> -> memref<1x128x128xf32, #tpu.memory_space<vmem>>
        %dma_start3A_1307 = tpu.memref_squeeze %dma_start3A_1306 : memref<1x128x128xf32, #tpu.memory_space<vmem>> -> memref<128x128xf32, #tpu.memory_space<vmem>>
        %dma_start3A_1308 = arith.constant 0 : i32
        %dma_start3A_1309 = arith.constant 0 : i32
        %dma_start3A_1310 = tpu.memref_slice %arg3[%add3A_1291, %dma_start3A_1308, %dma_start3A_1309] : memref<8192x128x128xf32, #tpu.memory_space<hbm>> -> memref<1x128x128xf32, #tpu.memory_space<hbm>>
        %dma_start3A_1311 = tpu.memref_squeeze %dma_start3A_1310 : memref<1x128x128xf32, #tpu.memory_space<hbm>> -> memref<128x128xf32, #tpu.memory_space<hbm>>
        tpu.enqueue_dma source(%dma_start3A_1311 : memref<128x128xf32, #tpu.memory_space<hbm>>) target(%dma_start3A_1307 : memref<128x128xf32, #tpu.memory_space<vmem>>) target_semaphore(%dma_start3A_1303 : memref<!tpu.dma_semaphore, #tpu.memory_space<semaphore_mem>>)
      } else {
      }
      %add3A_690 = arith.constant 3 : i32
      %add3A_691 = arith.addi %mul3A_293, %add3A_690 : i32
      %dma_wait3A_692 = arith.constant 0 : i32
      %dma_wait3A_693 = arith.constant 3 : i32
      %dma_wait3A_694 = arith.constant 3 : i32
      %dma_wait3A_695 = arith.constant 0 : i32
      %dma_wait3A_696 = arith.constant 0 : i32
      %dma_wait3A_697 = tpu.memref_slice %arg8[%dma_wait3A_693, %dma_wait3A_695, %dma_wait3A_696] : memref<7x128x128xf32, #tpu.memory_space<vmem>> -> memref<1x128x128xf32, #tpu.memory_space<vmem>>
      %dma_wait3A_698 = tpu.memref_squeeze %dma_wait3A_697 : memref<1x128x128xf32, #tpu.memory_space<vmem>> -> memref<128x128xf32, #tpu.memory_space<vmem>>
      %dma_wait3A_699 = arith.constant 0 : i32
      %dma_wait3A_700 = arith.constant 0 : i32
      %dma_wait3A_701 = tpu.memref_slice %arg3[%dma_wait3A_692, %dma_wait3A_699, %dma_wait3A_700] : memref<8192x128x128xf32, #tpu.memory_space<hbm>> -> memref<1x128x128xf32, #tpu.memory_space<hbm>>
      %dma_wait3A_702 = tpu.memref_squeeze %dma_wait3A_701 : memref<1x128x128xf32, #tpu.memory_space<hbm>> -> memref<128x128xf32, #tpu.memory_space<hbm>>
      %dma_wait3A_703 = tpu.memref_slice %arg9[%dma_wait3A_694] : memref<7x!tpu.dma_semaphore, #tpu.memory_space<semaphore_mem>> -> memref<1x!tpu.dma_semaphore, #tpu.memory_space<semaphore_mem>>
      %dma_wait3A_704 = tpu.memref_squeeze %dma_wait3A_703 : memref<1x!tpu.dma_semaphore, #tpu.memory_space<semaphore_mem>> -> memref<!tpu.dma_semaphore, #tpu.memory_space<semaphore_mem>>
      %dma_wait3A_705 = arith.constant 0 : i32
      %dma_wait3A_706 = arith.constant 0 : i32
      %dma_wait3A_707 = tpu.memref_slice %arg8[%dma_wait3A_693, %dma_wait3A_705, %dma_wait3A_706] : memref<7x128x128xf32, #tpu.memory_space<vmem>> -> memref<1x128x128xf32, #tpu.memory_space<vmem>>
      %dma_wait3A_708 = tpu.memref_squeeze %dma_wait3A_707 : memref<1x128x128xf32, #tpu.memory_space<vmem>> -> memref<128x128xf32, #tpu.memory_space<vmem>>
      %dma_wait3A_709 = arith.constant 0 : i32
      %dma_wait3A_710 = arith.constant 0 : i32
      %dma_wait3A_711 = tpu.memref_slice %arg3[%dma_wait3A_692, %dma_wait3A_709, %dma_wait3A_710] : memref<8192x128x128xf32, #tpu.memory_space<hbm>> -> memref<1x128x128xf32, #tpu.memory_space<hbm>>
      %dma_wait3A_712 = tpu.memref_squeeze %dma_wait3A_711 : memref<1x128x128xf32, #tpu.memory_space<hbm>> -> memref<128x128xf32, #tpu.memory_space<hbm>>
      tpu.wait_dma2 semaphore(%dma_wait3A_704 : memref<!tpu.dma_semaphore, #tpu.memory_space<semaphore_mem>>) src(%dma_wait3A_712 : memref<128x128xf32, #tpu.memory_space<hbm>>) dst(%dma_wait3A_708 : memref<128x128xf32, #tpu.memory_space<vmem>>)
      %add3A_713 = arith.constant 0 : i32
      %add3A_714 = vector.broadcast %add3A_713 : i32 to vector<16xi32>
      %add3A_715 = arith.addi %iota3A, %add3A_714 : vector<16xi32>
      %scatter3A_716 = arith.constant 3 : i32
      %scatter3A_717 = arith.constant 0 : i32
      %scatter3A_718 = arith.constant 0 : i32
      %scatter3A_719 = tpu.memref_slice %arg8[%scatter3A_716, %scatter3A_717, %scatter3A_718] : memref<7x128x128xf32, #tpu.memory_space<vmem>> -> memref<1x128x128xf32, #tpu.memory_space<vmem>>
      %scatter3A_720 = tpu.memref_squeeze %scatter3A_719 : memref<1x128x128xf32, #tpu.memory_space<vmem>> -> memref<128x128xf32, #tpu.memory_space<vmem>>
      tpu.vector_store_idx %scatter3A_720[%add3A_715, %add3A_715], %broadcast_in_dim3A_84 : memref<128x128xf32, #tpu.memory_space<vmem>>[vector<16xi32>, vector<16xi32>], vector<16xf32>,
      %add3A_721 = arith.constant 16 : i32
      %add3A_722 = vector.broadcast %add3A_721 : i32 to vector<16xi32>
      %add3A_723 = arith.addi %iota3A, %add3A_722 : vector<16xi32>
      %scatter3A_724 = arith.constant 3 : i32
      %scatter3A_725 = arith.constant 0 : i32
      %scatter3A_726 = arith.constant 0 : i32
      %scatter3A_727 = tpu.memref_slice %arg8[%scatter3A_724, %scatter3A_725, %scatter3A_726] : memref<7x128x128xf32, #tpu.memory_space<vmem>> -> memref<1x128x128xf32, #tpu.memory_space<vmem>>
      %scatter3A_728 = tpu.memref_squeeze %scatter3A_727 : memref<1x128x128xf32, #tpu.memory_space<vmem>> -> memref<128x128xf32, #tpu.memory_space<vmem>>
      tpu.vector_store_idx %scatter3A_728[%add3A_723, %add3A_723], %broadcast_in_dim3A_84 : memref<128x128xf32, #tpu.memory_space<vmem>>[vector<16xi32>, vector<16xi32>], vector<16xf32>,
      %add3A_729 = arith.constant 32 : i32
      %add3A_730 = vector.broadcast %add3A_729 : i32 to vector<16xi32>
      %add3A_731 = arith.addi %iota3A, %add3A_730 : vector<16xi32>
      %scatter3A_732 = arith.constant 3 : i32
      %scatter3A_733 = arith.constant 0 : i32
      %scatter3A_734 = arith.constant 0 : i32
      %scatter3A_735 = tpu.memref_slice %arg8[%scatter3A_732, %scatter3A_733, %scatter3A_734] : memref<7x128x128xf32, #tpu.memory_space<vmem>> -> memref<1x128x128xf32, #tpu.memory_space<vmem>>
      %scatter3A_736 = tpu.memref_squeeze %scatter3A_735 : memref<1x128x128xf32, #tpu.memory_space<vmem>> -> memref<128x128xf32, #tpu.memory_space<vmem>>
      tpu.vector_store_idx %scatter3A_736[%add3A_731, %add3A_731], %broadcast_in_dim3A_84 : memref<128x128xf32, #tpu.memory_space<vmem>>[vector<16xi32>, vector<16xi32>], vector<16xf32>,
      %add3A_737 = arith.constant 48 : i32
      %add3A_738 = vector.broadcast %add3A_737 : i32 to vector<16xi32>
      %add3A_739 = arith.addi %iota3A, %add3A_738 : vector<16xi32>
      %scatter3A_740 = arith.constant 3 : i32
      %scatter3A_741 = arith.constant 0 : i32
      %scatter3A_742 = arith.constant 0 : i32
      %scatter3A_743 = tpu.memref_slice %arg8[%scatter3A_740, %scatter3A_741, %scatter3A_742] : memref<7x128x128xf32, #tpu.memory_space<vmem>> -> memref<1x128x128xf32, #tpu.memory_space<vmem>>
      %scatter3A_744 = tpu.memref_squeeze %scatter3A_743 : memref<1x128x128xf32, #tpu.memory_space<vmem>> -> memref<128x128xf32, #tpu.memory_space<vmem>>
      tpu.vector_store_idx %scatter3A_744[%add3A_739, %add3A_739], %broadcast_in_dim3A_84 : memref<128x128xf32, #tpu.memory_space<vmem>>[vector<16xi32>, vector<16xi32>], vector<16xf32>,
      %add3A_745 = arith.constant 64 : i32
      %add3A_746 = vector.broadcast %add3A_745 : i32 to vector<16xi32>
      %add3A_747 = arith.addi %iota3A, %add3A_746 : vector<16xi32>
      %scatter3A_748 = arith.constant 3 : i32
      %scatter3A_749 = arith.constant 0 : i32
      %scatter3A_750 = arith.constant 0 : i32
      %scatter3A_751 = tpu.memref_slice %arg8[%scatter3A_748, %scatter3A_749, %scatter3A_750] : memref<7x128x128xf32, #tpu.memory_space<vmem>> -> memref<1x128x128xf32, #tpu.memory_space<vmem>>
      %scatter3A_752 = tpu.memref_squeeze %scatter3A_751 : memref<1x128x128xf32, #tpu.memory_space<vmem>> -> memref<128x128xf32, #tpu.memory_space<vmem>>
      tpu.vector_store_idx %scatter3A_752[%add3A_747, %add3A_747], %broadcast_in_dim3A_84 : memref<128x128xf32, #tpu.memory_space<vmem>>[vector<16xi32>, vector<16xi32>], vector<16xf32>,
      %add3A_753 = arith.constant 80 : i32
      %add3A_754 = vector.broadcast %add3A_753 : i32 to vector<16xi32>
      %add3A_755 = arith.addi %iota3A, %add3A_754 : vector<16xi32>
      %scatter3A_756 = arith.constant 3 : i32
      %scatter3A_757 = arith.constant 0 : i32
      %scatter3A_758 = arith.constant 0 : i32
      %scatter3A_759 = tpu.memref_slice %arg8[%scatter3A_756, %scatter3A_757, %scatter3A_758] : memref<7x128x128xf32, #tpu.memory_space<vmem>> -> memref<1x128x128xf32, #tpu.memory_space<vmem>>
      %scatter3A_760 = tpu.memref_squeeze %scatter3A_759 : memref<1x128x128xf32, #tpu.memory_space<vmem>> -> memref<128x128xf32, #tpu.memory_space<vmem>>
      tpu.vector_store_idx %scatter3A_760[%add3A_755, %add3A_755], %broadcast_in_dim3A_84 : memref<128x128xf32, #tpu.memory_space<vmem>>[vector<16xi32>, vector<16xi32>], vector<16xf32>,
      %add3A_761 = arith.constant 96 : i32
      %add3A_762 = vector.broadcast %add3A_761 : i32 to vector<16xi32>
      %add3A_763 = arith.addi %iota3A, %add3A_762 : vector<16xi32>
      %scatter3A_764 = arith.constant 3 : i32
      %scatter3A_765 = arith.constant 0 : i32
      %scatter3A_766 = arith.constant 0 : i32
      %scatter3A_767 = tpu.memref_slice %arg8[%scatter3A_764, %scatter3A_765, %scatter3A_766] : memref<7x128x128xf32, #tpu.memory_space<vmem>> -> memref<1x128x128xf32, #tpu.memory_space<vmem>>
      %scatter3A_768 = tpu.memref_squeeze %scatter3A_767 : memref<1x128x128xf32, #tpu.memory_space<vmem>> -> memref<128x128xf32, #tpu.memory_space<vmem>>
      tpu.vector_store_idx %scatter3A_768[%add3A_763, %add3A_763], %broadcast_in_dim3A_84 : memref<128x128xf32, #tpu.memory_space<vmem>>[vector<16xi32>, vector<16xi32>], vector<16xf32>,
      %add3A_769 = arith.constant 112 : i32
      %add3A_770 = vector.broadcast %add3A_769 : i32 to vector<16xi32>
      %add3A_771 = arith.addi %iota3A, %add3A_770 : vector<16xi32>
      %scatter3A_772 = arith.constant 3 : i32
      %scatter3A_773 = arith.constant 0 : i32
      %scatter3A_774 = arith.constant 0 : i32
      %scatter3A_775 = tpu.memref_slice %arg8[%scatter3A_772, %scatter3A_773, %scatter3A_774] : memref<7x128x128xf32, #tpu.memory_space<vmem>> -> memref<1x128x128xf32, #tpu.memory_space<vmem>>
      %scatter3A_776 = tpu.memref_squeeze %scatter3A_775 : memref<1x128x128xf32, #tpu.memory_space<vmem>> -> memref<128x128xf32, #tpu.memory_space<vmem>>
      tpu.vector_store_idx %scatter3A_776[%add3A_771, %add3A_771], %broadcast_in_dim3A_84 : memref<128x128xf32, #tpu.memory_space<vmem>>[vector<16xi32>, vector<16xi32>], vector<16xf32>,
      %min3A_777 = arith.constant 255 : i32
      %min3A_778 = arith.minsi %add3A_691, %min3A_777 : i32
      %mul3A_779 = arith.constant 32 : i32
      %mul3A_780 = arith.muli %min3A_778, %mul3A_779 : i32
      %add3A_781 = arith.addi %mul3A_780, %add3A : i32
      %dma_start3A_782 = arith.constant 3 : i32
      %dma_start3A_783 = arith.constant 3 : i32
      %dma_start3A_784 = arith.constant 0 : i32
      %dma_start3A_785 = arith.constant 0 : i32
      %dma_start3A_786 = tpu.memref_slice %arg8[%dma_start3A_782, %dma_start3A_784, %dma_start3A_785] : memref<7x128x128xf32, #tpu.memory_space<vmem>> -> memref<1x128x128xf32, #tpu.memory_space<vmem>>
      %dma_start3A_787 = tpu.memref_squeeze %dma_start3A_786 : memref<1x128x128xf32, #tpu.memory_space<vmem>> -> memref<128x128xf32, #tpu.memory_space<vmem>>
      %dma_start3A_788 = arith.constant 0 : i32
      %dma_start3A_789 = arith.constant 0 : i32
      %dma_start3A_790 = tpu.memref_slice %arg5[%add3A_781, %dma_start3A_788, %dma_start3A_789] : memref<8192x128x128xf32, #tpu.memory_space<hbm>> -> memref<1x128x128xf32, #tpu.memory_space<hbm>>
      %dma_start3A_791 = tpu.memref_squeeze %dma_start3A_790 : memref<1x128x128xf32, #tpu.memory_space<hbm>> -> memref<128x128xf32, #tpu.memory_space<hbm>>
      %dma_start3A_792 = tpu.memref_slice %arg10[%dma_start3A_783] : memref<7x!tpu.dma_semaphore, #tpu.memory_space<semaphore_mem>> -> memref<1x!tpu.dma_semaphore, #tpu.memory_space<semaphore_mem>>
      %dma_start3A_793 = tpu.memref_squeeze %dma_start3A_792 : memref<1x!tpu.dma_semaphore, #tpu.memory_space<semaphore_mem>> -> memref<!tpu.dma_semaphore, #tpu.memory_space<semaphore_mem>>
      %dma_start3A_794 = arith.constant 0 : i32
      %dma_start3A_795 = arith.constant 0 : i32
      %dma_start3A_796 = tpu.memref_slice %arg5[%add3A_781, %dma_start3A_794, %dma_start3A_795] : memref<8192x128x128xf32, #tpu.memory_space<hbm>> -> memref<1x128x128xf32, #tpu.memory_space<hbm>>
      %dma_start3A_797 = tpu.memref_squeeze %dma_start3A_796 : memref<1x128x128xf32, #tpu.memory_space<hbm>> -> memref<128x128xf32, #tpu.memory_space<hbm>>
      %dma_start3A_798 = arith.constant 0 : i32
      %dma_start3A_799 = arith.constant 0 : i32
      %dma_start3A_800 = tpu.memref_slice %arg8[%dma_start3A_782, %dma_start3A_798, %dma_start3A_799] : memref<7x128x128xf32, #tpu.memory_space<vmem>> -> memref<1x128x128xf32, #tpu.memory_space<vmem>>
      %dma_start3A_801 = tpu.memref_squeeze %dma_start3A_800 : memref<1x128x128xf32, #tpu.memory_space<vmem>> -> memref<128x128xf32, #tpu.memory_space<vmem>>
      tpu.enqueue_dma source(%dma_start3A_801 : memref<128x128xf32, #tpu.memory_space<vmem>>) target(%dma_start3A_797 : memref<128x128xf32, #tpu.memory_space<hbm>>) target_semaphore(%dma_start3A_793 : memref<!tpu.dma_semaphore, #tpu.memory_space<semaphore_mem>>)
      %dma_wait3A_802 = arith.constant 0 : i32
      %dma_wait3A_803 = arith.constant 0 : i32
      %dma_wait3A_804 = arith.constant 0 : i32
      %dma_wait3A_805 = arith.constant 0 : i32
      %dma_wait3A_806 = arith.constant 0 : i32
      %dma_wait3A_807 = tpu.memref_slice %arg8[%dma_wait3A_802, %dma_wait3A_805, %dma_wait3A_806] : memref<7x128x128xf32, #tpu.memory_space<vmem>> -> memref<1x128x128xf32, #tpu.memory_space<vmem>>
      %dma_wait3A_808 = tpu.memref_squeeze %dma_wait3A_807 : memref<1x128x128xf32, #tpu.memory_space<vmem>> -> memref<128x128xf32, #tpu.memory_space<vmem>>
      %dma_wait3A_809 = arith.constant 0 : i32
      %dma_wait3A_810 = arith.constant 0 : i32
      %dma_wait3A_811 = tpu.memref_slice %arg5[%dma_wait3A_803, %dma_wait3A_809, %dma_wait3A_810] : memref<8192x128x128xf32, #tpu.memory_space<hbm>> -> memref<1x128x128xf32, #tpu.memory_space<hbm>>
      %dma_wait3A_812 = tpu.memref_squeeze %dma_wait3A_811 : memref<1x128x128xf32, #tpu.memory_space<hbm>> -> memref<128x128xf32, #tpu.memory_space<hbm>>
      %dma_wait3A_813 = tpu.memref_slice %arg10[%dma_wait3A_804] : memref<7x!tpu.dma_semaphore, #tpu.memory_space<semaphore_mem>> -> memref<1x!tpu.dma_semaphore, #tpu.memory_space<semaphore_mem>>
      %dma_wait3A_814 = tpu.memref_squeeze %dma_wait3A_813 : memref<1x!tpu.dma_semaphore, #tpu.memory_space<semaphore_mem>> -> memref<!tpu.dma_semaphore, #tpu.memory_space<semaphore_mem>>
      %dma_wait3A_815 = arith.constant 0 : i32
      %dma_wait3A_816 = arith.constant 0 : i32
      %dma_wait3A_817 = tpu.memref_slice %arg5[%dma_wait3A_803, %dma_wait3A_815, %dma_wait3A_816] : memref<8192x128x128xf32, #tpu.memory_space<hbm>> -> memref<1x128x128xf32, #tpu.memory_space<hbm>>
      %dma_wait3A_818 = tpu.memref_squeeze %dma_wait3A_817 : memref<1x128x128xf32, #tpu.memory_space<hbm>> -> memref<128x128xf32, #tpu.memory_space<hbm>>
      %dma_wait3A_819 = arith.constant 0 : i32
      %dma_wait3A_820 = arith.constant 0 : i32
      %dma_wait3A_821 = tpu.memref_slice %arg8[%dma_wait3A_802, %dma_wait3A_819, %dma_wait3A_820] : memref<7x128x128xf32, #tpu.memory_space<vmem>> -> memref<1x128x128xf32, #tpu.memory_space<vmem>>
      %dma_wait3A_822 = tpu.memref_squeeze %dma_wait3A_821 : memref<1x128x128xf32, #tpu.memory_space<vmem>> -> memref<128x128xf32, #tpu.memory_space<vmem>>
      tpu.wait_dma2 semaphore(%dma_wait3A_814 : memref<!tpu.dma_semaphore, #tpu.memory_space<semaphore_mem>>) src(%dma_wait3A_822 : memref<128x128xf32, #tpu.memory_space<vmem>>) dst(%dma_wait3A_818 : memref<128x128xf32, #tpu.memory_space<hbm>>)
      %add3A_823 = arith.constant 4 : i32
      %add3A_824 = arith.addi %add3A_691, %add3A_823 : i32
      %get3A_825 = arith.index_cast %add3A_824 : i32 to index
      %get3A_826 = tpu.vector_load %arg7[%get3A_825] {strides = array<i32>} : memref<286xi32, #tpu.memory_space<vmem>>, vector<16xi32>,
      %slice3A_827 = vector.extract_strided_slice %get3A_826 {offsets = [0], sizes = [1], strides = [1]} : vector<16xi32> to vector<1xi32>
      %squeeze3A_828 = vector.extract %slice3A_827[0] : i32 from vector<1xi32>
      %ge3A_829 = arith.constant 0 : i32
      %ge3A_830 = arith.cmpi sge, %squeeze3A_828, %ge3A_829 : i32
      %convert_element_type3A_831 = arith.extui %ge3A_830 : i1 to i32
      %cond3A_832 = arith.constant 0 : i32
      %cond3A_833 = arith.cmpi ne, %convert_element_type3A_831, %cond3A_832 : i32
      scf.if %cond3A_833 {
        %dma_start3A_1287 = arith.constant 0 : i32
        %dma_start3A_1288 = arith.constant 0 : i32
        %dma_start3A_1289 = arith.constant 0 : i32
        %dma_start3A_1290 = arith.constant 0 : i32
        %dma_start3A_1291 = tpu.memref_slice %arg8[%dma_start3A_1287, %dma_start3A_1289, %dma_start3A_1290] : memref<7x128x128xf32, #tpu.memory_space<vmem>> -> memref<1x128x128xf32, #tpu.memory_space<vmem>>
        %dma_start3A_1292 = tpu.memref_squeeze %dma_start3A_1291 : memref<1x128x128xf32, #tpu.memory_space<vmem>> -> memref<128x128xf32, #tpu.memory_space<vmem>>
        %dma_start3A_1293 = arith.constant 0 : i32
        %dma_start3A_1294 = arith.constant 0 : i32
        %dma_start3A_1295 = tpu.memref_slice %arg4[%squeeze3A_828, %dma_start3A_1293, %dma_start3A_1294] : memref<4096x128x128xf32, #tpu.memory_space<hbm>> -> memref<1x128x128xf32, #tpu.memory_space<hbm>>
        %dma_start3A_1296 = tpu.memref_squeeze %dma_start3A_1295 : memref<1x128x128xf32, #tpu.memory_space<hbm>> -> memref<128x128xf32, #tpu.memory_space<hbm>>
        %dma_start3A_1297 = tpu.memref_slice %arg9[%dma_start3A_1288] : memref<7x!tpu.dma_semaphore, #tpu.memory_space<semaphore_mem>> -> memref<1x!tpu.dma_semaphore, #tpu.memory_space<semaphore_mem>>
        %dma_start3A_1298 = tpu.memref_squeeze %dma_start3A_1297 : memref<1x!tpu.dma_semaphore, #tpu.memory_space<semaphore_mem>> -> memref<!tpu.dma_semaphore, #tpu.memory_space<semaphore_mem>>
        %dma_start3A_1299 = arith.constant 0 : i32
        %dma_start3A_1300 = arith.constant 0 : i32
        %dma_start3A_1301 = tpu.memref_slice %arg8[%dma_start3A_1287, %dma_start3A_1299, %dma_start3A_1300] : memref<7x128x128xf32, #tpu.memory_space<vmem>> -> memref<1x128x128xf32, #tpu.memory_space<vmem>>
        %dma_start3A_1302 = tpu.memref_squeeze %dma_start3A_1301 : memref<1x128x128xf32, #tpu.memory_space<vmem>> -> memref<128x128xf32, #tpu.memory_space<vmem>>
        %dma_start3A_1303 = arith.constant 0 : i32
        %dma_start3A_1304 = arith.constant 0 : i32
        %dma_start3A_1305 = tpu.memref_slice %arg4[%squeeze3A_828, %dma_start3A_1303, %dma_start3A_1304] : memref<4096x128x128xf32, #tpu.memory_space<hbm>> -> memref<1x128x128xf32, #tpu.memory_space<hbm>>
        %dma_start3A_1306 = tpu.memref_squeeze %dma_start3A_1305 : memref<1x128x128xf32, #tpu.memory_space<hbm>> -> memref<128x128xf32, #tpu.memory_space<hbm>>
        tpu.enqueue_dma source(%dma_start3A_1306 : memref<128x128xf32, #tpu.memory_space<hbm>>) target(%dma_start3A_1302 : memref<128x128xf32, #tpu.memory_space<vmem>>) target_semaphore(%dma_start3A_1298 : memref<!tpu.dma_semaphore, #tpu.memory_space<semaphore_mem>>)
      } else {
      }
      %lt3A_834 = arith.constant 0 : i32
      %lt3A_835 = arith.cmpi slt, %squeeze3A_828, %lt3A_834 : i32
      %convert_element_type3A_836 = arith.extui %lt3A_835 : i1 to i32
      %cond3A_837 = arith.constant 0 : i32
      %cond3A_838 = arith.cmpi ne, %convert_element_type3A_836, %cond3A_837 : i32
      scf.if %cond3A_838 {
        %min3A_1287 = arith.constant 255 : i32
        %min3A_1288 = arith.minsi %add3A_824, %min3A_1287 : i32
        %mul3A_1289 = arith.constant 32 : i32
        %mul3A_1290 = arith.muli %min3A_1288, %mul3A_1289 : i32
        %add3A_1291 = arith.addi %mul3A_1290, %add3A : i32
        %dma_start3A_1292 = arith.constant 0 : i32
        %dma_start3A_1293 = arith.constant 0 : i32
        %dma_start3A_1294 = arith.constant 0 : i32
        %dma_start3A_1295 = arith.constant 0 : i32
        %dma_start3A_1296 = tpu.memref_slice %arg8[%dma_start3A_1292, %dma_start3A_1294, %dma_start3A_1295] : memref<7x128x128xf32, #tpu.memory_space<vmem>> -> memref<1x128x128xf32, #tpu.memory_space<vmem>>
        %dma_start3A_1297 = tpu.memref_squeeze %dma_start3A_1296 : memref<1x128x128xf32, #tpu.memory_space<vmem>> -> memref<128x128xf32, #tpu.memory_space<vmem>>
        %dma_start3A_1298 = arith.constant 0 : i32
        %dma_start3A_1299 = arith.constant 0 : i32
        %dma_start3A_1300 = tpu.memref_slice %arg3[%add3A_1291, %dma_start3A_1298, %dma_start3A_1299] : memref<8192x128x128xf32, #tpu.memory_space<hbm>> -> memref<1x128x128xf32, #tpu.memory_space<hbm>>
        %dma_start3A_1301 = tpu.memref_squeeze %dma_start3A_1300 : memref<1x128x128xf32, #tpu.memory_space<hbm>> -> memref<128x128xf32, #tpu.memory_space<hbm>>
        %dma_start3A_1302 = tpu.memref_slice %arg9[%dma_start3A_1293] : memref<7x!tpu.dma_semaphore, #tpu.memory_space<semaphore_mem>> -> memref<1x!tpu.dma_semaphore, #tpu.memory_space<semaphore_mem>>
        %dma_start3A_1303 = tpu.memref_squeeze %dma_start3A_1302 : memref<1x!tpu.dma_semaphore, #tpu.memory_space<semaphore_mem>> -> memref<!tpu.dma_semaphore, #tpu.memory_space<semaphore_mem>>
        %dma_start3A_1304 = arith.constant 0 : i32
        %dma_start3A_1305 = arith.constant 0 : i32
        %dma_start3A_1306 = tpu.memref_slice %arg8[%dma_start3A_1292, %dma_start3A_1304, %dma_start3A_1305] : memref<7x128x128xf32, #tpu.memory_space<vmem>> -> memref<1x128x128xf32, #tpu.memory_space<vmem>>
        %dma_start3A_1307 = tpu.memref_squeeze %dma_start3A_1306 : memref<1x128x128xf32, #tpu.memory_space<vmem>> -> memref<128x128xf32, #tpu.memory_space<vmem>>
        %dma_start3A_1308 = arith.constant 0 : i32
        %dma_start3A_1309 = arith.constant 0 : i32
        %dma_start3A_1310 = tpu.memref_slice %arg3[%add3A_1291, %dma_start3A_1308, %dma_start3A_1309] : memref<8192x128x128xf32, #tpu.memory_space<hbm>> -> memref<1x128x128xf32, #tpu.memory_space<hbm>>
        %dma_start3A_1311 = tpu.memref_squeeze %dma_start3A_1310 : memref<1x128x128xf32, #tpu.memory_space<hbm>> -> memref<128x128xf32, #tpu.memory_space<hbm>>
        tpu.enqueue_dma source(%dma_start3A_1311 : memref<128x128xf32, #tpu.memory_space<hbm>>) target(%dma_start3A_1307 : memref<128x128xf32, #tpu.memory_space<vmem>>) target_semaphore(%dma_start3A_1303 : memref<!tpu.dma_semaphore, #tpu.memory_space<semaphore_mem>>)
      } else {
      }
      %add3A_839 = arith.constant 4 : i32
      %add3A_840 = arith.addi %mul3A_293, %add3A_839 : i32
      %dma_wait3A_841 = arith.constant 0 : i32
      %dma_wait3A_842 = arith.constant 4 : i32
      %dma_wait3A_843 = arith.constant 4 : i32
      %dma_wait3A_844 = arith.constant 0 : i32
      %dma_wait3A_845 = arith.constant 0 : i32
      %dma_wait3A_846 = tpu.memref_slice %arg8[%dma_wait3A_842, %dma_wait3A_844, %dma_wait3A_845] : memref<7x128x128xf32, #tpu.memory_space<vmem>> -> memref<1x128x128xf32, #tpu.memory_space<vmem>>
      %dma_wait3A_847 = tpu.memref_squeeze %dma_wait3A_846 : memref<1x128x128xf32, #tpu.memory_space<vmem>> -> memref<128x128xf32, #tpu.memory_space<vmem>>
      %dma_wait3A_848 = arith.constant 0 : i32
      %dma_wait3A_849 = arith.constant 0 : i32
      %dma_wait3A_850 = tpu.memref_slice %arg3[%dma_wait3A_841, %dma_wait3A_848, %dma_wait3A_849] : memref<8192x128x128xf32, #tpu.memory_space<hbm>> -> memref<1x128x128xf32, #tpu.memory_space<hbm>>
      %dma_wait3A_851 = tpu.memref_squeeze %dma_wait3A_850 : memref<1x128x128xf32, #tpu.memory_space<hbm>> -> memref<128x128xf32, #tpu.memory_space<hbm>>
      %dma_wait3A_852 = tpu.memref_slice %arg9[%dma_wait3A_843] : memref<7x!tpu.dma_semaphore, #tpu.memory_space<semaphore_mem>> -> memref<1x!tpu.dma_semaphore, #tpu.memory_space<semaphore_mem>>
      %dma_wait3A_853 = tpu.memref_squeeze %dma_wait3A_852 : memref<1x!tpu.dma_semaphore, #tpu.memory_space<semaphore_mem>> -> memref<!tpu.dma_semaphore, #tpu.memory_space<semaphore_mem>>
      %dma_wait3A_854 = arith.constant 0 : i32
      %dma_wait3A_855 = arith.constant 0 : i32
      %dma_wait3A_856 = tpu.memref_slice %arg8[%dma_wait3A_842, %dma_wait3A_854, %dma_wait3A_855] : memref<7x128x128xf32, #tpu.memory_space<vmem>> -> memref<1x128x128xf32, #tpu.memory_space<vmem>>
      %dma_wait3A_857 = tpu.memref_squeeze %dma_wait3A_856 : memref<1x128x128xf32, #tpu.memory_space<vmem>> -> memref<128x128xf32, #tpu.memory_space<vmem>>
      %dma_wait3A_858 = arith.constant 0 : i32
      %dma_wait3A_859 = arith.constant 0 : i32
      %dma_wait3A_860 = tpu.memref_slice %arg3[%dma_wait3A_841, %dma_wait3A_858, %dma_wait3A_859] : memref<8192x128x128xf32, #tpu.memory_space<hbm>> -> memref<1x128x128xf32, #tpu.memory_space<hbm>>
      %dma_wait3A_861 = tpu.memref_squeeze %dma_wait3A_860 : memref<1x128x128xf32, #tpu.memory_space<hbm>> -> memref<128x128xf32, #tpu.memory_space<hbm>>
      tpu.wait_dma2 semaphore(%dma_wait3A_853 : memref<!tpu.dma_semaphore, #tpu.memory_space<semaphore_mem>>) src(%dma_wait3A_861 : memref<128x128xf32, #tpu.memory_space<hbm>>) dst(%dma_wait3A_857 : memref<128x128xf32, #tpu.memory_space<vmem>>)
      %add3A_862 = arith.constant 0 : i32
      %add3A_863 = vector.broadcast %add3A_862 : i32 to vector<16xi32>
      %add3A_864 = arith.addi %iota3A, %add3A_863 : vector<16xi32>
      %scatter3A_865 = arith.constant 4 : i32
      %scatter3A_866 = arith.constant 0 : i32
      %scatter3A_867 = arith.constant 0 : i32
      %scatter3A_868 = tpu.memref_slice %arg8[%scatter3A_865, %scatter3A_866, %scatter3A_867] : memref<7x128x128xf32, #tpu.memory_space<vmem>> -> memref<1x128x128xf32, #tpu.memory_space<vmem>>
      %scatter3A_869 = tpu.memref_squeeze %scatter3A_868 : memref<1x128x128xf32, #tpu.memory_space<vmem>> -> memref<128x128xf32, #tpu.memory_space<vmem>>
      tpu.vector_store_idx %scatter3A_869[%add3A_864, %add3A_864], %broadcast_in_dim3A_84 : memref<128x128xf32, #tpu.memory_space<vmem>>[vector<16xi32>, vector<16xi32>], vector<16xf32>,
      %add3A_870 = arith.constant 16 : i32
      %add3A_871 = vector.broadcast %add3A_870 : i32 to vector<16xi32>
      %add3A_872 = arith.addi %iota3A, %add3A_871 : vector<16xi32>
      %scatter3A_873 = arith.constant 4 : i32
      %scatter3A_874 = arith.constant 0 : i32
      %scatter3A_875 = arith.constant 0 : i32
      %scatter3A_876 = tpu.memref_slice %arg8[%scatter3A_873, %scatter3A_874, %scatter3A_875] : memref<7x128x128xf32, #tpu.memory_space<vmem>> -> memref<1x128x128xf32, #tpu.memory_space<vmem>>
      %scatter3A_877 = tpu.memref_squeeze %scatter3A_876 : memref<1x128x128xf32, #tpu.memory_space<vmem>> -> memref<128x128xf32, #tpu.memory_space<vmem>>
      tpu.vector_store_idx %scatter3A_877[%add3A_872, %add3A_872], %broadcast_in_dim3A_84 : memref<128x128xf32, #tpu.memory_space<vmem>>[vector<16xi32>, vector<16xi32>], vector<16xf32>,
      %add3A_878 = arith.constant 32 : i32
      %add3A_879 = vector.broadcast %add3A_878 : i32 to vector<16xi32>
      %add3A_880 = arith.addi %iota3A, %add3A_879 : vector<16xi32>
      %scatter3A_881 = arith.constant 4 : i32
      %scatter3A_882 = arith.constant 0 : i32
      %scatter3A_883 = arith.constant 0 : i32
      %scatter3A_884 = tpu.memref_slice %arg8[%scatter3A_881, %scatter3A_882, %scatter3A_883] : memref<7x128x128xf32, #tpu.memory_space<vmem>> -> memref<1x128x128xf32, #tpu.memory_space<vmem>>
      %scatter3A_885 = tpu.memref_squeeze %scatter3A_884 : memref<1x128x128xf32, #tpu.memory_space<vmem>> -> memref<128x128xf32, #tpu.memory_space<vmem>>
      tpu.vector_store_idx %scatter3A_885[%add3A_880, %add3A_880], %broadcast_in_dim3A_84 : memref<128x128xf32, #tpu.memory_space<vmem>>[vector<16xi32>, vector<16xi32>], vector<16xf32>,
      %add3A_886 = arith.constant 48 : i32
      %add3A_887 = vector.broadcast %add3A_886 : i32 to vector<16xi32>
      %add3A_888 = arith.addi %iota3A, %add3A_887 : vector<16xi32>
      %scatter3A_889 = arith.constant 4 : i32
      %scatter3A_890 = arith.constant 0 : i32
      %scatter3A_891 = arith.constant 0 : i32
      %scatter3A_892 = tpu.memref_slice %arg8[%scatter3A_889, %scatter3A_890, %scatter3A_891] : memref<7x128x128xf32, #tpu.memory_space<vmem>> -> memref<1x128x128xf32, #tpu.memory_space<vmem>>
      %scatter3A_893 = tpu.memref_squeeze %scatter3A_892 : memref<1x128x128xf32, #tpu.memory_space<vmem>> -> memref<128x128xf32, #tpu.memory_space<vmem>>
      tpu.vector_store_idx %scatter3A_893[%add3A_888, %add3A_888], %broadcast_in_dim3A_84 : memref<128x128xf32, #tpu.memory_space<vmem>>[vector<16xi32>, vector<16xi32>], vector<16xf32>,
      %add3A_894 = arith.constant 64 : i32
      %add3A_895 = vector.broadcast %add3A_894 : i32 to vector<16xi32>
      %add3A_896 = arith.addi %iota3A, %add3A_895 : vector<16xi32>
      %scatter3A_897 = arith.constant 4 : i32
      %scatter3A_898 = arith.constant 0 : i32
      %scatter3A_899 = arith.constant 0 : i32
      %scatter3A_900 = tpu.memref_slice %arg8[%scatter3A_897, %scatter3A_898, %scatter3A_899] : memref<7x128x128xf32, #tpu.memory_space<vmem>> -> memref<1x128x128xf32, #tpu.memory_space<vmem>>
      %scatter3A_901 = tpu.memref_squeeze %scatter3A_900 : memref<1x128x128xf32, #tpu.memory_space<vmem>> -> memref<128x128xf32, #tpu.memory_space<vmem>>
      tpu.vector_store_idx %scatter3A_901[%add3A_896, %add3A_896], %broadcast_in_dim3A_84 : memref<128x128xf32, #tpu.memory_space<vmem>>[vector<16xi32>, vector<16xi32>], vector<16xf32>,
      %add3A_902 = arith.constant 80 : i32
      %add3A_903 = vector.broadcast %add3A_902 : i32 to vector<16xi32>
      %add3A_904 = arith.addi %iota3A, %add3A_903 : vector<16xi32>
      %scatter3A_905 = arith.constant 4 : i32
      %scatter3A_906 = arith.constant 0 : i32
      %scatter3A_907 = arith.constant 0 : i32
      %scatter3A_908 = tpu.memref_slice %arg8[%scatter3A_905, %scatter3A_906, %scatter3A_907] : memref<7x128x128xf32, #tpu.memory_space<vmem>> -> memref<1x128x128xf32, #tpu.memory_space<vmem>>
      %scatter3A_909 = tpu.memref_squeeze %scatter3A_908 : memref<1x128x128xf32, #tpu.memory_space<vmem>> -> memref<128x128xf32, #tpu.memory_space<vmem>>
      tpu.vector_store_idx %scatter3A_909[%add3A_904, %add3A_904], %broadcast_in_dim3A_84 : memref<128x128xf32, #tpu.memory_space<vmem>>[vector<16xi32>, vector<16xi32>], vector<16xf32>,
      %add3A_910 = arith.constant 96 : i32
      %add3A_911 = vector.broadcast %add3A_910 : i32 to vector<16xi32>
      %add3A_912 = arith.addi %iota3A, %add3A_911 : vector<16xi32>
      %scatter3A_913 = arith.constant 4 : i32
      %scatter3A_914 = arith.constant 0 : i32
      %scatter3A_915 = arith.constant 0 : i32
      %scatter3A_916 = tpu.memref_slice %arg8[%scatter3A_913, %scatter3A_914, %scatter3A_915] : memref<7x128x128xf32, #tpu.memory_space<vmem>> -> memref<1x128x128xf32, #tpu.memory_space<vmem>>
      %scatter3A_917 = tpu.memref_squeeze %scatter3A_916 : memref<1x128x128xf32, #tpu.memory_space<vmem>> -> memref<128x128xf32, #tpu.memory_space<vmem>>
      tpu.vector_store_idx %scatter3A_917[%add3A_912, %add3A_912], %broadcast_in_dim3A_84 : memref<128x128xf32, #tpu.memory_space<vmem>>[vector<16xi32>, vector<16xi32>], vector<16xf32>,
      %add3A_918 = arith.constant 112 : i32
      %add3A_919 = vector.broadcast %add3A_918 : i32 to vector<16xi32>
      %add3A_920 = arith.addi %iota3A, %add3A_919 : vector<16xi32>
      %scatter3A_921 = arith.constant 4 : i32
      %scatter3A_922 = arith.constant 0 : i32
      %scatter3A_923 = arith.constant 0 : i32
      %scatter3A_924 = tpu.memref_slice %arg8[%scatter3A_921, %scatter3A_922, %scatter3A_923] : memref<7x128x128xf32, #tpu.memory_space<vmem>> -> memref<1x128x128xf32, #tpu.memory_space<vmem>>
      %scatter3A_925 = tpu.memref_squeeze %scatter3A_924 : memref<1x128x128xf32, #tpu.memory_space<vmem>> -> memref<128x128xf32, #tpu.memory_space<vmem>>
      tpu.vector_store_idx %scatter3A_925[%add3A_920, %add3A_920], %broadcast_in_dim3A_84 : memref<128x128xf32, #tpu.memory_space<vmem>>[vector<16xi32>, vector<16xi32>], vector<16xf32>,
      %min3A_926 = arith.constant 255 : i32
      %min3A_927 = arith.minsi %add3A_840, %min3A_926 : i32
      %mul3A_928 = arith.constant 32 : i32
      %mul3A_929 = arith.muli %min3A_927, %mul3A_928 : i32
      %add3A_930 = arith.addi %mul3A_929, %add3A : i32
      %dma_start3A_931 = arith.constant 4 : i32
      %dma_start3A_932 = arith.constant 4 : i32
      %dma_start3A_933 = arith.constant 0 : i32
      %dma_start3A_934 = arith.constant 0 : i32
      %dma_start3A_935 = tpu.memref_slice %arg8[%dma_start3A_931, %dma_start3A_933, %dma_start3A_934] : memref<7x128x128xf32, #tpu.memory_space<vmem>> -> memref<1x128x128xf32, #tpu.memory_space<vmem>>
      %dma_start3A_936 = tpu.memref_squeeze %dma_start3A_935 : memref<1x128x128xf32, #tpu.memory_space<vmem>> -> memref<128x128xf32, #tpu.memory_space<vmem>>
      %dma_start3A_937 = arith.constant 0 : i32
      %dma_start3A_938 = arith.constant 0 : i32
      %dma_start3A_939 = tpu.memref_slice %arg5[%add3A_930, %dma_start3A_937, %dma_start3A_938] : memref<8192x128x128xf32, #tpu.memory_space<hbm>> -> memref<1x128x128xf32, #tpu.memory_space<hbm>>
      %dma_start3A_940 = tpu.memref_squeeze %dma_start3A_939 : memref<1x128x128xf32, #tpu.memory_space<hbm>> -> memref<128x128xf32, #tpu.memory_space<hbm>>
      %dma_start3A_941 = tpu.memref_slice %arg10[%dma_start3A_932] : memref<7x!tpu.dma_semaphore, #tpu.memory_space<semaphore_mem>> -> memref<1x!tpu.dma_semaphore, #tpu.memory_space<semaphore_mem>>
      %dma_start3A_942 = tpu.memref_squeeze %dma_start3A_941 : memref<1x!tpu.dma_semaphore, #tpu.memory_space<semaphore_mem>> -> memref<!tpu.dma_semaphore, #tpu.memory_space<semaphore_mem>>
      %dma_start3A_943 = arith.constant 0 : i32
      %dma_start3A_944 = arith.constant 0 : i32
      %dma_start3A_945 = tpu.memref_slice %arg5[%add3A_930, %dma_start3A_943, %dma_start3A_944] : memref<8192x128x128xf32, #tpu.memory_space<hbm>> -> memref<1x128x128xf32, #tpu.memory_space<hbm>>
      %dma_start3A_946 = tpu.memref_squeeze %dma_start3A_945 : memref<1x128x128xf32, #tpu.memory_space<hbm>> -> memref<128x128xf32, #tpu.memory_space<hbm>>
      %dma_start3A_947 = arith.constant 0 : i32
      %dma_start3A_948 = arith.constant 0 : i32
      %dma_start3A_949 = tpu.memref_slice %arg8[%dma_start3A_931, %dma_start3A_947, %dma_start3A_948] : memref<7x128x128xf32, #tpu.memory_space<vmem>> -> memref<1x128x128xf32, #tpu.memory_space<vmem>>
      %dma_start3A_950 = tpu.memref_squeeze %dma_start3A_949 : memref<1x128x128xf32, #tpu.memory_space<vmem>> -> memref<128x128xf32, #tpu.memory_space<vmem>>
      tpu.enqueue_dma source(%dma_start3A_950 : memref<128x128xf32, #tpu.memory_space<vmem>>) target(%dma_start3A_946 : memref<128x128xf32, #tpu.memory_space<hbm>>) target_semaphore(%dma_start3A_942 : memref<!tpu.dma_semaphore, #tpu.memory_space<semaphore_mem>>)
      %dma_wait3A_951 = arith.constant 1 : i32
      %dma_wait3A_952 = arith.constant 0 : i32
      %dma_wait3A_953 = arith.constant 1 : i32
      %dma_wait3A_954 = arith.constant 0 : i32
      %dma_wait3A_955 = arith.constant 0 : i32
      %dma_wait3A_956 = tpu.memref_slice %arg8[%dma_wait3A_951, %dma_wait3A_954, %dma_wait3A_955] : memref<7x128x128xf32, #tpu.memory_space<vmem>> -> memref<1x128x128xf32, #tpu.memory_space<vmem>>
      %dma_wait3A_957 = tpu.memref_squeeze %dma_wait3A_956 : memref<1x128x128xf32, #tpu.memory_space<vmem>> -> memref<128x128xf32, #tpu.memory_space<vmem>>
      %dma_wait3A_958 = arith.constant 0 : i32
      %dma_wait3A_959 = arith.constant 0 : i32
      %dma_wait3A_960 = tpu.memref_slice %arg5[%dma_wait3A_952, %dma_wait3A_958, %dma_wait3A_959] : memref<8192x128x128xf32, #tpu.memory_space<hbm>> -> memref<1x128x128xf32, #tpu.memory_space<hbm>>
      %dma_wait3A_961 = tpu.memref_squeeze %dma_wait3A_960 : memref<1x128x128xf32, #tpu.memory_space<hbm>> -> memref<128x128xf32, #tpu.memory_space<hbm>>
      %dma_wait3A_962 = tpu.memref_slice %arg10[%dma_wait3A_953] : memref<7x!tpu.dma_semaphore, #tpu.memory_space<semaphore_mem>> -> memref<1x!tpu.dma_semaphore, #tpu.memory_space<semaphore_mem>>
      %dma_wait3A_963 = tpu.memref_squeeze %dma_wait3A_962 : memref<1x!tpu.dma_semaphore, #tpu.memory_space<semaphore_mem>> -> memref<!tpu.dma_semaphore, #tpu.memory_space<semaphore_mem>>
      %dma_wait3A_964 = arith.constant 0 : i32
      %dma_wait3A_965 = arith.constant 0 : i32
      %dma_wait3A_966 = tpu.memref_slice %arg5[%dma_wait3A_952, %dma_wait3A_964, %dma_wait3A_965] : memref<8192x128x128xf32, #tpu.memory_space<hbm>> -> memref<1x128x128xf32, #tpu.memory_space<hbm>>
      %dma_wait3A_967 = tpu.memref_squeeze %dma_wait3A_966 : memref<1x128x128xf32, #tpu.memory_space<hbm>> -> memref<128x128xf32, #tpu.memory_space<hbm>>
      %dma_wait3A_968 = arith.constant 0 : i32
      %dma_wait3A_969 = arith.constant 0 : i32
      %dma_wait3A_970 = tpu.memref_slice %arg8[%dma_wait3A_951, %dma_wait3A_968, %dma_wait3A_969] : memref<7x128x128xf32, #tpu.memory_space<vmem>> -> memref<1x128x128xf32, #tpu.memory_space<vmem>>
      %dma_wait3A_971 = tpu.memref_squeeze %dma_wait3A_970 : memref<1x128x128xf32, #tpu.memory_space<vmem>> -> memref<128x128xf32, #tpu.memory_space<vmem>>
      tpu.wait_dma2 semaphore(%dma_wait3A_963 : memref<!tpu.dma_semaphore, #tpu.memory_space<semaphore_mem>>) src(%dma_wait3A_971 : memref<128x128xf32, #tpu.memory_space<vmem>>) dst(%dma_wait3A_967 : memref<128x128xf32, #tpu.memory_space<hbm>>)
      %add3A_972 = arith.constant 4 : i32
      %add3A_973 = arith.addi %add3A_840, %add3A_972 : i32
      %get3A_974 = arith.index_cast %add3A_973 : i32 to index
      %get3A_975 = tpu.vector_load %arg7[%get3A_974] {strides = array<i32>} : memref<286xi32, #tpu.memory_space<vmem>>, vector<16xi32>,
      %slice3A_976 = vector.extract_strided_slice %get3A_975 {offsets = [0], sizes = [1], strides = [1]} : vector<16xi32> to vector<1xi32>
      %squeeze3A_977 = vector.extract %slice3A_976[0] : i32 from vector<1xi32>
      %ge3A_978 = arith.constant 0 : i32
      %ge3A_979 = arith.cmpi sge, %squeeze3A_977, %ge3A_978 : i32
      %convert_element_type3A_980 = arith.extui %ge3A_979 : i1 to i32
      %cond3A_981 = arith.constant 0 : i32
      %cond3A_982 = arith.cmpi ne, %convert_element_type3A_980, %cond3A_981 : i32
      scf.if %cond3A_982 {
        %dma_start3A_1287 = arith.constant 1 : i32
        %dma_start3A_1288 = arith.constant 1 : i32
        %dma_start3A_1289 = arith.constant 0 : i32
        %dma_start3A_1290 = arith.constant 0 : i32
        %dma_start3A_1291 = tpu.memref_slice %arg8[%dma_start3A_1287, %dma_start3A_1289, %dma_start3A_1290] : memref<7x128x128xf32, #tpu.memory_space<vmem>> -> memref<1x128x128xf32, #tpu.memory_space<vmem>>
        %dma_start3A_1292 = tpu.memref_squeeze %dma_start3A_1291 : memref<1x128x128xf32, #tpu.memory_space<vmem>> -> memref<128x128xf32, #tpu.memory_space<vmem>>
        %dma_start3A_1293 = arith.constant 0 : i32
        %dma_start3A_1294 = arith.constant 0 : i32
        %dma_start3A_1295 = tpu.memref_slice %arg4[%squeeze3A_977, %dma_start3A_1293, %dma_start3A_1294] : memref<4096x128x128xf32, #tpu.memory_space<hbm>> -> memref<1x128x128xf32, #tpu.memory_space<hbm>>
        %dma_start3A_1296 = tpu.memref_squeeze %dma_start3A_1295 : memref<1x128x128xf32, #tpu.memory_space<hbm>> -> memref<128x128xf32, #tpu.memory_space<hbm>>
        %dma_start3A_1297 = tpu.memref_slice %arg9[%dma_start3A_1288] : memref<7x!tpu.dma_semaphore, #tpu.memory_space<semaphore_mem>> -> memref<1x!tpu.dma_semaphore, #tpu.memory_space<semaphore_mem>>
        %dma_start3A_1298 = tpu.memref_squeeze %dma_start3A_1297 : memref<1x!tpu.dma_semaphore, #tpu.memory_space<semaphore_mem>> -> memref<!tpu.dma_semaphore, #tpu.memory_space<semaphore_mem>>
        %dma_start3A_1299 = arith.constant 0 : i32
        %dma_start3A_1300 = arith.constant 0 : i32
        %dma_start3A_1301 = tpu.memref_slice %arg8[%dma_start3A_1287, %dma_start3A_1299, %dma_start3A_1300] : memref<7x128x128xf32, #tpu.memory_space<vmem>> -> memref<1x128x128xf32, #tpu.memory_space<vmem>>
        %dma_start3A_1302 = tpu.memref_squeeze %dma_start3A_1301 : memref<1x128x128xf32, #tpu.memory_space<vmem>> -> memref<128x128xf32, #tpu.memory_space<vmem>>
        %dma_start3A_1303 = arith.constant 0 : i32
        %dma_start3A_1304 = arith.constant 0 : i32
        %dma_start3A_1305 = tpu.memref_slice %arg4[%squeeze3A_977, %dma_start3A_1303, %dma_start3A_1304] : memref<4096x128x128xf32, #tpu.memory_space<hbm>> -> memref<1x128x128xf32, #tpu.memory_space<hbm>>
        %dma_start3A_1306 = tpu.memref_squeeze %dma_start3A_1305 : memref<1x128x128xf32, #tpu.memory_space<hbm>> -> memref<128x128xf32, #tpu.memory_space<hbm>>
        tpu.enqueue_dma source(%dma_start3A_1306 : memref<128x128xf32, #tpu.memory_space<hbm>>) target(%dma_start3A_1302 : memref<128x128xf32, #tpu.memory_space<vmem>>) target_semaphore(%dma_start3A_1298 : memref<!tpu.dma_semaphore, #tpu.memory_space<semaphore_mem>>)
      } else {
      }
      %lt3A_983 = arith.constant 0 : i32
      %lt3A_984 = arith.cmpi slt, %squeeze3A_977, %lt3A_983 : i32
      %convert_element_type3A_985 = arith.extui %lt3A_984 : i1 to i32
      %cond3A_986 = arith.constant 0 : i32
      %cond3A_987 = arith.cmpi ne, %convert_element_type3A_985, %cond3A_986 : i32
      scf.if %cond3A_987 {
        %min3A_1287 = arith.constant 255 : i32
        %min3A_1288 = arith.minsi %add3A_973, %min3A_1287 : i32
        %mul3A_1289 = arith.constant 32 : i32
        %mul3A_1290 = arith.muli %min3A_1288, %mul3A_1289 : i32
        %add3A_1291 = arith.addi %mul3A_1290, %add3A : i32
        %dma_start3A_1292 = arith.constant 1 : i32
        %dma_start3A_1293 = arith.constant 1 : i32
        %dma_start3A_1294 = arith.constant 0 : i32
        %dma_start3A_1295 = arith.constant 0 : i32
        %dma_start3A_1296 = tpu.memref_slice %arg8[%dma_start3A_1292, %dma_start3A_1294, %dma_start3A_1295] : memref<7x128x128xf32, #tpu.memory_space<vmem>> -> memref<1x128x128xf32, #tpu.memory_space<vmem>>
        %dma_start3A_1297 = tpu.memref_squeeze %dma_start3A_1296 : memref<1x128x128xf32, #tpu.memory_space<vmem>> -> memref<128x128xf32, #tpu.memory_space<vmem>>
        %dma_start3A_1298 = arith.constant 0 : i32
        %dma_start3A_1299 = arith.constant 0 : i32
        %dma_start3A_1300 = tpu.memref_slice %arg3[%add3A_1291, %dma_start3A_1298, %dma_start3A_1299] : memref<8192x128x128xf32, #tpu.memory_space<hbm>> -> memref<1x128x128xf32, #tpu.memory_space<hbm>>
        %dma_start3A_1301 = tpu.memref_squeeze %dma_start3A_1300 : memref<1x128x128xf32, #tpu.memory_space<hbm>> -> memref<128x128xf32, #tpu.memory_space<hbm>>
        %dma_start3A_1302 = tpu.memref_slice %arg9[%dma_start3A_1293] : memref<7x!tpu.dma_semaphore, #tpu.memory_space<semaphore_mem>> -> memref<1x!tpu.dma_semaphore, #tpu.memory_space<semaphore_mem>>
        %dma_start3A_1303 = tpu.memref_squeeze %dma_start3A_1302 : memref<1x!tpu.dma_semaphore, #tpu.memory_space<semaphore_mem>> -> memref<!tpu.dma_semaphore, #tpu.memory_space<semaphore_mem>>
        %dma_start3A_1304 = arith.constant 0 : i32
        %dma_start3A_1305 = arith.constant 0 : i32
        %dma_start3A_1306 = tpu.memref_slice %arg8[%dma_start3A_1292, %dma_start3A_1304, %dma_start3A_1305] : memref<7x128x128xf32, #tpu.memory_space<vmem>> -> memref<1x128x128xf32, #tpu.memory_space<vmem>>
        %dma_start3A_1307 = tpu.memref_squeeze %dma_start3A_1306 : memref<1x128x128xf32, #tpu.memory_space<vmem>> -> memref<128x128xf32, #tpu.memory_space<vmem>>
        %dma_start3A_1308 = arith.constant 0 : i32
        %dma_start3A_1309 = arith.constant 0 : i32
        %dma_start3A_1310 = tpu.memref_slice %arg3[%add3A_1291, %dma_start3A_1308, %dma_start3A_1309] : memref<8192x128x128xf32, #tpu.memory_space<hbm>> -> memref<1x128x128xf32, #tpu.memory_space<hbm>>
        %dma_start3A_1311 = tpu.memref_squeeze %dma_start3A_1310 : memref<1x128x128xf32, #tpu.memory_space<hbm>> -> memref<128x128xf32, #tpu.memory_space<hbm>>
        tpu.enqueue_dma source(%dma_start3A_1311 : memref<128x128xf32, #tpu.memory_space<hbm>>) target(%dma_start3A_1307 : memref<128x128xf32, #tpu.memory_space<vmem>>) target_semaphore(%dma_start3A_1303 : memref<!tpu.dma_semaphore, #tpu.memory_space<semaphore_mem>>)
      } else {
      }
      %add3A_988 = arith.constant 5 : i32
      %add3A_989 = arith.addi %mul3A_293, %add3A_988 : i32
      %dma_wait3A_990 = arith.constant 0 : i32
      %dma_wait3A_991 = arith.constant 5 : i32
      %dma_wait3A_992 = arith.constant 5 : i32
      %dma_wait3A_993 = arith.constant 0 : i32
      %dma_wait3A_994 = arith.constant 0 : i32
      %dma_wait3A_995 = tpu.memref_slice %arg8[%dma_wait3A_991, %dma_wait3A_993, %dma_wait3A_994] : memref<7x128x128xf32, #tpu.memory_space<vmem>> -> memref<1x128x128xf32, #tpu.memory_space<vmem>>
      %dma_wait3A_996 = tpu.memref_squeeze %dma_wait3A_995 : memref<1x128x128xf32, #tpu.memory_space<vmem>> -> memref<128x128xf32, #tpu.memory_space<vmem>>
      %dma_wait3A_997 = arith.constant 0 : i32
      %dma_wait3A_998 = arith.constant 0 : i32
      %dma_wait3A_999 = tpu.memref_slice %arg3[%dma_wait3A_990, %dma_wait3A_997, %dma_wait3A_998] : memref<8192x128x128xf32, #tpu.memory_space<hbm>> -> memref<1x128x128xf32, #tpu.memory_space<hbm>>
      %dma_wait3A_1000 = tpu.memref_squeeze %dma_wait3A_999 : memref<1x128x128xf32, #tpu.memory_space<hbm>> -> memref<128x128xf32, #tpu.memory_space<hbm>>
      %dma_wait3A_1001 = tpu.memref_slice %arg9[%dma_wait3A_992] : memref<7x!tpu.dma_semaphore, #tpu.memory_space<semaphore_mem>> -> memref<1x!tpu.dma_semaphore, #tpu.memory_space<semaphore_mem>>
      %dma_wait3A_1002 = tpu.memref_squeeze %dma_wait3A_1001 : memref<1x!tpu.dma_semaphore, #tpu.memory_space<semaphore_mem>> -> memref<!tpu.dma_semaphore, #tpu.memory_space<semaphore_mem>>
      %dma_wait3A_1003 = arith.constant 0 : i32
      %dma_wait3A_1004 = arith.constant 0 : i32
      %dma_wait3A_1005 = tpu.memref_slice %arg8[%dma_wait3A_991, %dma_wait3A_1003, %dma_wait3A_1004] : memref<7x128x128xf32, #tpu.memory_space<vmem>> -> memref<1x128x128xf32, #tpu.memory_space<vmem>>
      %dma_wait3A_1006 = tpu.memref_squeeze %dma_wait3A_1005 : memref<1x128x128xf32, #tpu.memory_space<vmem>> -> memref<128x128xf32, #tpu.memory_space<vmem>>
      %dma_wait3A_1007 = arith.constant 0 : i32
      %dma_wait3A_1008 = arith.constant 0 : i32
      %dma_wait3A_1009 = tpu.memref_slice %arg3[%dma_wait3A_990, %dma_wait3A_1007, %dma_wait3A_1008] : memref<8192x128x128xf32, #tpu.memory_space<hbm>> -> memref<1x128x128xf32, #tpu.memory_space<hbm>>
      %dma_wait3A_1010 = tpu.memref_squeeze %dma_wait3A_1009 : memref<1x128x128xf32, #tpu.memory_space<hbm>> -> memref<128x128xf32, #tpu.memory_space<hbm>>
      tpu.wait_dma2 semaphore(%dma_wait3A_1002 : memref<!tpu.dma_semaphore, #tpu.memory_space<semaphore_mem>>) src(%dma_wait3A_1010 : memref<128x128xf32, #tpu.memory_space<hbm>>) dst(%dma_wait3A_1006 : memref<128x128xf32, #tpu.memory_space<vmem>>)
      %add3A_1011 = arith.constant 0 : i32
      %add3A_1012 = vector.broadcast %add3A_1011 : i32 to vector<16xi32>
      %add3A_1013 = arith.addi %iota3A, %add3A_1012 : vector<16xi32>
      %scatter3A_1014 = arith.constant 5 : i32
      %scatter3A_1015 = arith.constant 0 : i32
      %scatter3A_1016 = arith.constant 0 : i32
      %scatter3A_1017 = tpu.memref_slice %arg8[%scatter3A_1014, %scatter3A_1015, %scatter3A_1016] : memref<7x128x128xf32, #tpu.memory_space<vmem>> -> memref<1x128x128xf32, #tpu.memory_space<vmem>>
      %scatter3A_1018 = tpu.memref_squeeze %scatter3A_1017 : memref<1x128x128xf32, #tpu.memory_space<vmem>> -> memref<128x128xf32, #tpu.memory_space<vmem>>
      tpu.vector_store_idx %scatter3A_1018[%add3A_1013, %add3A_1013], %broadcast_in_dim3A_84 : memref<128x128xf32, #tpu.memory_space<vmem>>[vector<16xi32>, vector<16xi32>], vector<16xf32>,
      %add3A_1019 = arith.constant 16 : i32
      %add3A_1020 = vector.broadcast %add3A_1019 : i32 to vector<16xi32>
      %add3A_1021 = arith.addi %iota3A, %add3A_1020 : vector<16xi32>
      %scatter3A_1022 = arith.constant 5 : i32
      %scatter3A_1023 = arith.constant 0 : i32
      %scatter3A_1024 = arith.constant 0 : i32
      %scatter3A_1025 = tpu.memref_slice %arg8[%scatter3A_1022, %scatter3A_1023, %scatter3A_1024] : memref<7x128x128xf32, #tpu.memory_space<vmem>> -> memref<1x128x128xf32, #tpu.memory_space<vmem>>
      %scatter3A_1026 = tpu.memref_squeeze %scatter3A_1025 : memref<1x128x128xf32, #tpu.memory_space<vmem>> -> memref<128x128xf32, #tpu.memory_space<vmem>>
      tpu.vector_store_idx %scatter3A_1026[%add3A_1021, %add3A_1021], %broadcast_in_dim3A_84 : memref<128x128xf32, #tpu.memory_space<vmem>>[vector<16xi32>, vector<16xi32>], vector<16xf32>,
      %add3A_1027 = arith.constant 32 : i32
      %add3A_1028 = vector.broadcast %add3A_1027 : i32 to vector<16xi32>
      %add3A_1029 = arith.addi %iota3A, %add3A_1028 : vector<16xi32>
      %scatter3A_1030 = arith.constant 5 : i32
      %scatter3A_1031 = arith.constant 0 : i32
      %scatter3A_1032 = arith.constant 0 : i32
      %scatter3A_1033 = tpu.memref_slice %arg8[%scatter3A_1030, %scatter3A_1031, %scatter3A_1032] : memref<7x128x128xf32, #tpu.memory_space<vmem>> -> memref<1x128x128xf32, #tpu.memory_space<vmem>>
      %scatter3A_1034 = tpu.memref_squeeze %scatter3A_1033 : memref<1x128x128xf32, #tpu.memory_space<vmem>> -> memref<128x128xf32, #tpu.memory_space<vmem>>
      tpu.vector_store_idx %scatter3A_1034[%add3A_1029, %add3A_1029], %broadcast_in_dim3A_84 : memref<128x128xf32, #tpu.memory_space<vmem>>[vector<16xi32>, vector<16xi32>], vector<16xf32>,
      %add3A_1035 = arith.constant 48 : i32
      %add3A_1036 = vector.broadcast %add3A_1035 : i32 to vector<16xi32>
      %add3A_1037 = arith.addi %iota3A, %add3A_1036 : vector<16xi32>
      %scatter3A_1038 = arith.constant 5 : i32
      %scatter3A_1039 = arith.constant 0 : i32
      %scatter3A_1040 = arith.constant 0 : i32
      %scatter3A_1041 = tpu.memref_slice %arg8[%scatter3A_1038, %scatter3A_1039, %scatter3A_1040] : memref<7x128x128xf32, #tpu.memory_space<vmem>> -> memref<1x128x128xf32, #tpu.memory_space<vmem>>
      %scatter3A_1042 = tpu.memref_squeeze %scatter3A_1041 : memref<1x128x128xf32, #tpu.memory_space<vmem>> -> memref<128x128xf32, #tpu.memory_space<vmem>>
      tpu.vector_store_idx %scatter3A_1042[%add3A_1037, %add3A_1037], %broadcast_in_dim3A_84 : memref<128x128xf32, #tpu.memory_space<vmem>>[vector<16xi32>, vector<16xi32>], vector<16xf32>,
      %add3A_1043 = arith.constant 64 : i32
      %add3A_1044 = vector.broadcast %add3A_1043 : i32 to vector<16xi32>
      %add3A_1045 = arith.addi %iota3A, %add3A_1044 : vector<16xi32>
      %scatter3A_1046 = arith.constant 5 : i32
      %scatter3A_1047 = arith.constant 0 : i32
      %scatter3A_1048 = arith.constant 0 : i32
      %scatter3A_1049 = tpu.memref_slice %arg8[%scatter3A_1046, %scatter3A_1047, %scatter3A_1048] : memref<7x128x128xf32, #tpu.memory_space<vmem>> -> memref<1x128x128xf32, #tpu.memory_space<vmem>>
      %scatter3A_1050 = tpu.memref_squeeze %scatter3A_1049 : memref<1x128x128xf32, #tpu.memory_space<vmem>> -> memref<128x128xf32, #tpu.memory_space<vmem>>
      tpu.vector_store_idx %scatter3A_1050[%add3A_1045, %add3A_1045], %broadcast_in_dim3A_84 : memref<128x128xf32, #tpu.memory_space<vmem>>[vector<16xi32>, vector<16xi32>], vector<16xf32>,
      %add3A_1051 = arith.constant 80 : i32
      %add3A_1052 = vector.broadcast %add3A_1051 : i32 to vector<16xi32>
      %add3A_1053 = arith.addi %iota3A, %add3A_1052 : vector<16xi32>
      %scatter3A_1054 = arith.constant 5 : i32
      %scatter3A_1055 = arith.constant 0 : i32
      %scatter3A_1056 = arith.constant 0 : i32
      %scatter3A_1057 = tpu.memref_slice %arg8[%scatter3A_1054, %scatter3A_1055, %scatter3A_1056] : memref<7x128x128xf32, #tpu.memory_space<vmem>> -> memref<1x128x128xf32, #tpu.memory_space<vmem>>
      %scatter3A_1058 = tpu.memref_squeeze %scatter3A_1057 : memref<1x128x128xf32, #tpu.memory_space<vmem>> -> memref<128x128xf32, #tpu.memory_space<vmem>>
      tpu.vector_store_idx %scatter3A_1058[%add3A_1053, %add3A_1053], %broadcast_in_dim3A_84 : memref<128x128xf32, #tpu.memory_space<vmem>>[vector<16xi32>, vector<16xi32>], vector<16xf32>,
      %add3A_1059 = arith.constant 96 : i32
      %add3A_1060 = vector.broadcast %add3A_1059 : i32 to vector<16xi32>
      %add3A_1061 = arith.addi %iota3A, %add3A_1060 : vector<16xi32>
      %scatter3A_1062 = arith.constant 5 : i32
      %scatter3A_1063 = arith.constant 0 : i32
      %scatter3A_1064 = arith.constant 0 : i32
      %scatter3A_1065 = tpu.memref_slice %arg8[%scatter3A_1062, %scatter3A_1063, %scatter3A_1064] : memref<7x128x128xf32, #tpu.memory_space<vmem>> -> memref<1x128x128xf32, #tpu.memory_space<vmem>>
      %scatter3A_1066 = tpu.memref_squeeze %scatter3A_1065 : memref<1x128x128xf32, #tpu.memory_space<vmem>> -> memref<128x128xf32, #tpu.memory_space<vmem>>
      tpu.vector_store_idx %scatter3A_1066[%add3A_1061, %add3A_1061], %broadcast_in_dim3A_84 : memref<128x128xf32, #tpu.memory_space<vmem>>[vector<16xi32>, vector<16xi32>], vector<16xf32>,
      %add3A_1067 = arith.constant 112 : i32
      %add3A_1068 = vector.broadcast %add3A_1067 : i32 to vector<16xi32>
      %add3A_1069 = arith.addi %iota3A, %add3A_1068 : vector<16xi32>
      %scatter3A_1070 = arith.constant 5 : i32
      %scatter3A_1071 = arith.constant 0 : i32
      %scatter3A_1072 = arith.constant 0 : i32
      %scatter3A_1073 = tpu.memref_slice %arg8[%scatter3A_1070, %scatter3A_1071, %scatter3A_1072] : memref<7x128x128xf32, #tpu.memory_space<vmem>> -> memref<1x128x128xf32, #tpu.memory_space<vmem>>
      %scatter3A_1074 = tpu.memref_squeeze %scatter3A_1073 : memref<1x128x128xf32, #tpu.memory_space<vmem>> -> memref<128x128xf32, #tpu.memory_space<vmem>>
      tpu.vector_store_idx %scatter3A_1074[%add3A_1069, %add3A_1069], %broadcast_in_dim3A_84 : memref<128x128xf32, #tpu.memory_space<vmem>>[vector<16xi32>, vector<16xi32>], vector<16xf32>,
      %min3A_1075 = arith.constant 255 : i32
      %min3A_1076 = arith.minsi %add3A_989, %min3A_1075 : i32
      %mul3A_1077 = arith.constant 32 : i32
      %mul3A_1078 = arith.muli %min3A_1076, %mul3A_1077 : i32
      %add3A_1079 = arith.addi %mul3A_1078, %add3A : i32
      %dma_start3A_1080 = arith.constant 5 : i32
      %dma_start3A_1081 = arith.constant 5 : i32
      %dma_start3A_1082 = arith.constant 0 : i32
      %dma_start3A_1083 = arith.constant 0 : i32
      %dma_start3A_1084 = tpu.memref_slice %arg8[%dma_start3A_1080, %dma_start3A_1082, %dma_start3A_1083] : memref<7x128x128xf32, #tpu.memory_space<vmem>> -> memref<1x128x128xf32, #tpu.memory_space<vmem>>
      %dma_start3A_1085 = tpu.memref_squeeze %dma_start3A_1084 : memref<1x128x128xf32, #tpu.memory_space<vmem>> -> memref<128x128xf32, #tpu.memory_space<vmem>>
      %dma_start3A_1086 = arith.constant 0 : i32
      %dma_start3A_1087 = arith.constant 0 : i32
      %dma_start3A_1088 = tpu.memref_slice %arg5[%add3A_1079, %dma_start3A_1086, %dma_start3A_1087] : memref<8192x128x128xf32, #tpu.memory_space<hbm>> -> memref<1x128x128xf32, #tpu.memory_space<hbm>>
      %dma_start3A_1089 = tpu.memref_squeeze %dma_start3A_1088 : memref<1x128x128xf32, #tpu.memory_space<hbm>> -> memref<128x128xf32, #tpu.memory_space<hbm>>
      %dma_start3A_1090 = tpu.memref_slice %arg10[%dma_start3A_1081] : memref<7x!tpu.dma_semaphore, #tpu.memory_space<semaphore_mem>> -> memref<1x!tpu.dma_semaphore, #tpu.memory_space<semaphore_mem>>
      %dma_start3A_1091 = tpu.memref_squeeze %dma_start3A_1090 : memref<1x!tpu.dma_semaphore, #tpu.memory_space<semaphore_mem>> -> memref<!tpu.dma_semaphore, #tpu.memory_space<semaphore_mem>>
      %dma_start3A_1092 = arith.constant 0 : i32
      %dma_start3A_1093 = arith.constant 0 : i32
      %dma_start3A_1094 = tpu.memref_slice %arg5[%add3A_1079, %dma_start3A_1092, %dma_start3A_1093] : memref<8192x128x128xf32, #tpu.memory_space<hbm>> -> memref<1x128x128xf32, #tpu.memory_space<hbm>>
      %dma_start3A_1095 = tpu.memref_squeeze %dma_start3A_1094 : memref<1x128x128xf32, #tpu.memory_space<hbm>> -> memref<128x128xf32, #tpu.memory_space<hbm>>
      %dma_start3A_1096 = arith.constant 0 : i32
      %dma_start3A_1097 = arith.constant 0 : i32
      %dma_start3A_1098 = tpu.memref_slice %arg8[%dma_start3A_1080, %dma_start3A_1096, %dma_start3A_1097] : memref<7x128x128xf32, #tpu.memory_space<vmem>> -> memref<1x128x128xf32, #tpu.memory_space<vmem>>
      %dma_start3A_1099 = tpu.memref_squeeze %dma_start3A_1098 : memref<1x128x128xf32, #tpu.memory_space<vmem>> -> memref<128x128xf32, #tpu.memory_space<vmem>>
      tpu.enqueue_dma source(%dma_start3A_1099 : memref<128x128xf32, #tpu.memory_space<vmem>>) target(%dma_start3A_1095 : memref<128x128xf32, #tpu.memory_space<hbm>>) target_semaphore(%dma_start3A_1091 : memref<!tpu.dma_semaphore, #tpu.memory_space<semaphore_mem>>)
      %dma_wait3A_1100 = arith.constant 2 : i32
      %dma_wait3A_1101 = arith.constant 0 : i32
      %dma_wait3A_1102 = arith.constant 2 : i32
      %dma_wait3A_1103 = arith.constant 0 : i32
      %dma_wait3A_1104 = arith.constant 0 : i32
      %dma_wait3A_1105 = tpu.memref_slice %arg8[%dma_wait3A_1100, %dma_wait3A_1103, %dma_wait3A_1104] : memref<7x128x128xf32, #tpu.memory_space<vmem>> -> memref<1x128x128xf32, #tpu.memory_space<vmem>>
      %dma_wait3A_1106 = tpu.memref_squeeze %dma_wait3A_1105 : memref<1x128x128xf32, #tpu.memory_space<vmem>> -> memref<128x128xf32, #tpu.memory_space<vmem>>
      %dma_wait3A_1107 = arith.constant 0 : i32
      %dma_wait3A_1108 = arith.constant 0 : i32
      %dma_wait3A_1109 = tpu.memref_slice %arg5[%dma_wait3A_1101, %dma_wait3A_1107, %dma_wait3A_1108] : memref<8192x128x128xf32, #tpu.memory_space<hbm>> -> memref<1x128x128xf32, #tpu.memory_space<hbm>>
      %dma_wait3A_1110 = tpu.memref_squeeze %dma_wait3A_1109 : memref<1x128x128xf32, #tpu.memory_space<hbm>> -> memref<128x128xf32, #tpu.memory_space<hbm>>
      %dma_wait3A_1111 = tpu.memref_slice %arg10[%dma_wait3A_1102] : memref<7x!tpu.dma_semaphore, #tpu.memory_space<semaphore_mem>> -> memref<1x!tpu.dma_semaphore, #tpu.memory_space<semaphore_mem>>
      %dma_wait3A_1112 = tpu.memref_squeeze %dma_wait3A_1111 : memref<1x!tpu.dma_semaphore, #tpu.memory_space<semaphore_mem>> -> memref<!tpu.dma_semaphore, #tpu.memory_space<semaphore_mem>>
      %dma_wait3A_1113 = arith.constant 0 : i32
      %dma_wait3A_1114 = arith.constant 0 : i32
      %dma_wait3A_1115 = tpu.memref_slice %arg5[%dma_wait3A_1101, %dma_wait3A_1113, %dma_wait3A_1114] : memref<8192x128x128xf32, #tpu.memory_space<hbm>> -> memref<1x128x128xf32, #tpu.memory_space<hbm>>
      %dma_wait3A_1116 = tpu.memref_squeeze %dma_wait3A_1115 : memref<1x128x128xf32, #tpu.memory_space<hbm>> -> memref<128x128xf32, #tpu.memory_space<hbm>>
      %dma_wait3A_1117 = arith.constant 0 : i32
      %dma_wait3A_1118 = arith.constant 0 : i32
      %dma_wait3A_1119 = tpu.memref_slice %arg8[%dma_wait3A_1100, %dma_wait3A_1117, %dma_wait3A_1118] : memref<7x128x128xf32, #tpu.memory_space<vmem>> -> memref<1x128x128xf32, #tpu.memory_space<vmem>>
      %dma_wait3A_1120 = tpu.memref_squeeze %dma_wait3A_1119 : memref<1x128x128xf32, #tpu.memory_space<vmem>> -> memref<128x128xf32, #tpu.memory_space<vmem>>
      tpu.wait_dma2 semaphore(%dma_wait3A_1112 : memref<!tpu.dma_semaphore, #tpu.memory_space<semaphore_mem>>) src(%dma_wait3A_1120 : memref<128x128xf32, #tpu.memory_space<vmem>>) dst(%dma_wait3A_1116 : memref<128x128xf32, #tpu.memory_space<hbm>>)
      %add3A_1121 = arith.constant 4 : i32
      %add3A_1122 = arith.addi %add3A_989, %add3A_1121 : i32
      %get3A_1123 = arith.index_cast %add3A_1122 : i32 to index
      %get3A_1124 = tpu.vector_load %arg7[%get3A_1123] {strides = array<i32>} : memref<286xi32, #tpu.memory_space<vmem>>, vector<16xi32>,
      %slice3A_1125 = vector.extract_strided_slice %get3A_1124 {offsets = [0], sizes = [1], strides = [1]} : vector<16xi32> to vector<1xi32>
      %squeeze3A_1126 = vector.extract %slice3A_1125[0] : i32 from vector<1xi32>
      %ge3A_1127 = arith.constant 0 : i32
      %ge3A_1128 = arith.cmpi sge, %squeeze3A_1126, %ge3A_1127 : i32
      %convert_element_type3A_1129 = arith.extui %ge3A_1128 : i1 to i32
      %cond3A_1130 = arith.constant 0 : i32
      %cond3A_1131 = arith.cmpi ne, %convert_element_type3A_1129, %cond3A_1130 : i32
      scf.if %cond3A_1131 {
        %dma_start3A_1287 = arith.constant 2 : i32
        %dma_start3A_1288 = arith.constant 2 : i32
        %dma_start3A_1289 = arith.constant 0 : i32
        %dma_start3A_1290 = arith.constant 0 : i32
        %dma_start3A_1291 = tpu.memref_slice %arg8[%dma_start3A_1287, %dma_start3A_1289, %dma_start3A_1290] : memref<7x128x128xf32, #tpu.memory_space<vmem>> -> memref<1x128x128xf32, #tpu.memory_space<vmem>>
        %dma_start3A_1292 = tpu.memref_squeeze %dma_start3A_1291 : memref<1x128x128xf32, #tpu.memory_space<vmem>> -> memref<128x128xf32, #tpu.memory_space<vmem>>
        %dma_start3A_1293 = arith.constant 0 : i32
        %dma_start3A_1294 = arith.constant 0 : i32
        %dma_start3A_1295 = tpu.memref_slice %arg4[%squeeze3A_1126, %dma_start3A_1293, %dma_start3A_1294] : memref<4096x128x128xf32, #tpu.memory_space<hbm>> -> memref<1x128x128xf32, #tpu.memory_space<hbm>>
        %dma_start3A_1296 = tpu.memref_squeeze %dma_start3A_1295 : memref<1x128x128xf32, #tpu.memory_space<hbm>> -> memref<128x128xf32, #tpu.memory_space<hbm>>
        %dma_start3A_1297 = tpu.memref_slice %arg9[%dma_start3A_1288] : memref<7x!tpu.dma_semaphore, #tpu.memory_space<semaphore_mem>> -> memref<1x!tpu.dma_semaphore, #tpu.memory_space<semaphore_mem>>
        %dma_start3A_1298 = tpu.memref_squeeze %dma_start3A_1297 : memref<1x!tpu.dma_semaphore, #tpu.memory_space<semaphore_mem>> -> memref<!tpu.dma_semaphore, #tpu.memory_space<semaphore_mem>>
        %dma_start3A_1299 = arith.constant 0 : i32
        %dma_start3A_1300 = arith.constant 0 : i32
        %dma_start3A_1301 = tpu.memref_slice %arg8[%dma_start3A_1287, %dma_start3A_1299, %dma_start3A_1300] : memref<7x128x128xf32, #tpu.memory_space<vmem>> -> memref<1x128x128xf32, #tpu.memory_space<vmem>>
        %dma_start3A_1302 = tpu.memref_squeeze %dma_start3A_1301 : memref<1x128x128xf32, #tpu.memory_space<vmem>> -> memref<128x128xf32, #tpu.memory_space<vmem>>
        %dma_start3A_1303 = arith.constant 0 : i32
        %dma_start3A_1304 = arith.constant 0 : i32
        %dma_start3A_1305 = tpu.memref_slice %arg4[%squeeze3A_1126, %dma_start3A_1303, %dma_start3A_1304] : memref<4096x128x128xf32, #tpu.memory_space<hbm>> -> memref<1x128x128xf32, #tpu.memory_space<hbm>>
        %dma_start3A_1306 = tpu.memref_squeeze %dma_start3A_1305 : memref<1x128x128xf32, #tpu.memory_space<hbm>> -> memref<128x128xf32, #tpu.memory_space<hbm>>
        tpu.enqueue_dma source(%dma_start3A_1306 : memref<128x128xf32, #tpu.memory_space<hbm>>) target(%dma_start3A_1302 : memref<128x128xf32, #tpu.memory_space<vmem>>) target_semaphore(%dma_start3A_1298 : memref<!tpu.dma_semaphore, #tpu.memory_space<semaphore_mem>>)
      } else {
      }
      %lt3A_1132 = arith.constant 0 : i32
      %lt3A_1133 = arith.cmpi slt, %squeeze3A_1126, %lt3A_1132 : i32
      %convert_element_type3A_1134 = arith.extui %lt3A_1133 : i1 to i32
      %cond3A_1135 = arith.constant 0 : i32
      %cond3A_1136 = arith.cmpi ne, %convert_element_type3A_1134, %cond3A_1135 : i32
      scf.if %cond3A_1136 {
        %min3A_1287 = arith.constant 255 : i32
        %min3A_1288 = arith.minsi %add3A_1122, %min3A_1287 : i32
        %mul3A_1289 = arith.constant 32 : i32
        %mul3A_1290 = arith.muli %min3A_1288, %mul3A_1289 : i32
        %add3A_1291 = arith.addi %mul3A_1290, %add3A : i32
        %dma_start3A_1292 = arith.constant 2 : i32
        %dma_start3A_1293 = arith.constant 2 : i32
        %dma_start3A_1294 = arith.constant 0 : i32
        %dma_start3A_1295 = arith.constant 0 : i32
        %dma_start3A_1296 = tpu.memref_slice %arg8[%dma_start3A_1292, %dma_start3A_1294, %dma_start3A_1295] : memref<7x128x128xf32, #tpu.memory_space<vmem>> -> memref<1x128x128xf32, #tpu.memory_space<vmem>>
        %dma_start3A_1297 = tpu.memref_squeeze %dma_start3A_1296 : memref<1x128x128xf32, #tpu.memory_space<vmem>> -> memref<128x128xf32, #tpu.memory_space<vmem>>
        %dma_start3A_1298 = arith.constant 0 : i32
        %dma_start3A_1299 = arith.constant 0 : i32
        %dma_start3A_1300 = tpu.memref_slice %arg3[%add3A_1291, %dma_start3A_1298, %dma_start3A_1299] : memref<8192x128x128xf32, #tpu.memory_space<hbm>> -> memref<1x128x128xf32, #tpu.memory_space<hbm>>
        %dma_start3A_1301 = tpu.memref_squeeze %dma_start3A_1300 : memref<1x128x128xf32, #tpu.memory_space<hbm>> -> memref<128x128xf32, #tpu.memory_space<hbm>>
        %dma_start3A_1302 = tpu.memref_slice %arg9[%dma_start3A_1293] : memref<7x!tpu.dma_semaphore, #tpu.memory_space<semaphore_mem>> -> memref<1x!tpu.dma_semaphore, #tpu.memory_space<semaphore_mem>>
        %dma_start3A_1303 = tpu.memref_squeeze %dma_start3A_1302 : memref<1x!tpu.dma_semaphore, #tpu.memory_space<semaphore_mem>> -> memref<!tpu.dma_semaphore, #tpu.memory_space<semaphore_mem>>
        %dma_start3A_1304 = arith.constant 0 : i32
        %dma_start3A_1305 = arith.constant 0 : i32
        %dma_start3A_1306 = tpu.memref_slice %arg8[%dma_start3A_1292, %dma_start3A_1304, %dma_start3A_1305] : memref<7x128x128xf32, #tpu.memory_space<vmem>> -> memref<1x128x128xf32, #tpu.memory_space<vmem>>
        %dma_start3A_1307 = tpu.memref_squeeze %dma_start3A_1306 : memref<1x128x128xf32, #tpu.memory_space<vmem>> -> memref<128x128xf32, #tpu.memory_space<vmem>>
        %dma_start3A_1308 = arith.constant 0 : i32
        %dma_start3A_1309 = arith.constant 0 : i32
        %dma_start3A_1310 = tpu.memref_slice %arg3[%add3A_1291, %dma_start3A_1308, %dma_start3A_1309] : memref<8192x128x128xf32, #tpu.memory_space<hbm>> -> memref<1x128x128xf32, #tpu.memory_space<hbm>>
        %dma_start3A_1311 = tpu.memref_squeeze %dma_start3A_1310 : memref<1x128x128xf32, #tpu.memory_space<hbm>> -> memref<128x128xf32, #tpu.memory_space<hbm>>
        tpu.enqueue_dma source(%dma_start3A_1311 : memref<128x128xf32, #tpu.memory_space<hbm>>) target(%dma_start3A_1307 : memref<128x128xf32, #tpu.memory_space<vmem>>) target_semaphore(%dma_start3A_1303 : memref<!tpu.dma_semaphore, #tpu.memory_space<semaphore_mem>>)
      } else {
      }
      %add3A_1137 = arith.constant 6 : i32
      %add3A_1138 = arith.addi %mul3A_293, %add3A_1137 : i32
      %dma_wait3A_1139 = arith.constant 0 : i32
      %dma_wait3A_1140 = arith.constant 6 : i32
      %dma_wait3A_1141 = arith.constant 6 : i32
      %dma_wait3A_1142 = arith.constant 0 : i32
      %dma_wait3A_1143 = arith.constant 0 : i32
      %dma_wait3A_1144 = tpu.memref_slice %arg8[%dma_wait3A_1140, %dma_wait3A_1142, %dma_wait3A_1143] : memref<7x128x128xf32, #tpu.memory_space<vmem>> -> memref<1x128x128xf32, #tpu.memory_space<vmem>>
      %dma_wait3A_1145 = tpu.memref_squeeze %dma_wait3A_1144 : memref<1x128x128xf32, #tpu.memory_space<vmem>> -> memref<128x128xf32, #tpu.memory_space<vmem>>
      %dma_wait3A_1146 = arith.constant 0 : i32
      %dma_wait3A_1147 = arith.constant 0 : i32
      %dma_wait3A_1148 = tpu.memref_slice %arg3[%dma_wait3A_1139, %dma_wait3A_1146, %dma_wait3A_1147] : memref<8192x128x128xf32, #tpu.memory_space<hbm>> -> memref<1x128x128xf32, #tpu.memory_space<hbm>>
      %dma_wait3A_1149 = tpu.memref_squeeze %dma_wait3A_1148 : memref<1x128x128xf32, #tpu.memory_space<hbm>> -> memref<128x128xf32, #tpu.memory_space<hbm>>
      %dma_wait3A_1150 = tpu.memref_slice %arg9[%dma_wait3A_1141] : memref<7x!tpu.dma_semaphore, #tpu.memory_space<semaphore_mem>> -> memref<1x!tpu.dma_semaphore, #tpu.memory_space<semaphore_mem>>
      %dma_wait3A_1151 = tpu.memref_squeeze %dma_wait3A_1150 : memref<1x!tpu.dma_semaphore, #tpu.memory_space<semaphore_mem>> -> memref<!tpu.dma_semaphore, #tpu.memory_space<semaphore_mem>>
      %dma_wait3A_1152 = arith.constant 0 : i32
      %dma_wait3A_1153 = arith.constant 0 : i32
      %dma_wait3A_1154 = tpu.memref_slice %arg8[%dma_wait3A_1140, %dma_wait3A_1152, %dma_wait3A_1153] : memref<7x128x128xf32, #tpu.memory_space<vmem>> -> memref<1x128x128xf32, #tpu.memory_space<vmem>>
      %dma_wait3A_1155 = tpu.memref_squeeze %dma_wait3A_1154 : memref<1x128x128xf32, #tpu.memory_space<vmem>> -> memref<128x128xf32, #tpu.memory_space<vmem>>
      %dma_wait3A_1156 = arith.constant 0 : i32
      %dma_wait3A_1157 = arith.constant 0 : i32
      %dma_wait3A_1158 = tpu.memref_slice %arg3[%dma_wait3A_1139, %dma_wait3A_1156, %dma_wait3A_1157] : memref<8192x128x128xf32, #tpu.memory_space<hbm>> -> memref<1x128x128xf32, #tpu.memory_space<hbm>>
      %dma_wait3A_1159 = tpu.memref_squeeze %dma_wait3A_1158 : memref<1x128x128xf32, #tpu.memory_space<hbm>> -> memref<128x128xf32, #tpu.memory_space<hbm>>
      tpu.wait_dma2 semaphore(%dma_wait3A_1151 : memref<!tpu.dma_semaphore, #tpu.memory_space<semaphore_mem>>) src(%dma_wait3A_1159 : memref<128x128xf32, #tpu.memory_space<hbm>>) dst(%dma_wait3A_1155 : memref<128x128xf32, #tpu.memory_space<vmem>>)
      %add3A_1160 = arith.constant 0 : i32
      %add3A_1161 = vector.broadcast %add3A_1160 : i32 to vector<16xi32>
      %add3A_1162 = arith.addi %iota3A, %add3A_1161 : vector<16xi32>
      %scatter3A_1163 = arith.constant 6 : i32
      %scatter3A_1164 = arith.constant 0 : i32
      %scatter3A_1165 = arith.constant 0 : i32
      %scatter3A_1166 = tpu.memref_slice %arg8[%scatter3A_1163, %scatter3A_1164, %scatter3A_1165] : memref<7x128x128xf32, #tpu.memory_space<vmem>> -> memref<1x128x128xf32, #tpu.memory_space<vmem>>
      %scatter3A_1167 = tpu.memref_squeeze %scatter3A_1166 : memref<1x128x128xf32, #tpu.memory_space<vmem>> -> memref<128x128xf32, #tpu.memory_space<vmem>>
      tpu.vector_store_idx %scatter3A_1167[%add3A_1162, %add3A_1162], %broadcast_in_dim3A_84 : memref<128x128xf32, #tpu.memory_space<vmem>>[vector<16xi32>, vector<16xi32>], vector<16xf32>,
      %add3A_1168 = arith.constant 16 : i32
      %add3A_1169 = vector.broadcast %add3A_1168 : i32 to vector<16xi32>
      %add3A_1170 = arith.addi %iota3A, %add3A_1169 : vector<16xi32>
      %scatter3A_1171 = arith.constant 6 : i32
      %scatter3A_1172 = arith.constant 0 : i32
      %scatter3A_1173 = arith.constant 0 : i32
      %scatter3A_1174 = tpu.memref_slice %arg8[%scatter3A_1171, %scatter3A_1172, %scatter3A_1173] : memref<7x128x128xf32, #tpu.memory_space<vmem>> -> memref<1x128x128xf32, #tpu.memory_space<vmem>>
      %scatter3A_1175 = tpu.memref_squeeze %scatter3A_1174 : memref<1x128x128xf32, #tpu.memory_space<vmem>> -> memref<128x128xf32, #tpu.memory_space<vmem>>
      tpu.vector_store_idx %scatter3A_1175[%add3A_1170, %add3A_1170], %broadcast_in_dim3A_84 : memref<128x128xf32, #tpu.memory_space<vmem>>[vector<16xi32>, vector<16xi32>], vector<16xf32>,
      %add3A_1176 = arith.constant 32 : i32
      %add3A_1177 = vector.broadcast %add3A_1176 : i32 to vector<16xi32>
      %add3A_1178 = arith.addi %iota3A, %add3A_1177 : vector<16xi32>
      %scatter3A_1179 = arith.constant 6 : i32
      %scatter3A_1180 = arith.constant 0 : i32
      %scatter3A_1181 = arith.constant 0 : i32
      %scatter3A_1182 = tpu.memref_slice %arg8[%scatter3A_1179, %scatter3A_1180, %scatter3A_1181] : memref<7x128x128xf32, #tpu.memory_space<vmem>> -> memref<1x128x128xf32, #tpu.memory_space<vmem>>
      %scatter3A_1183 = tpu.memref_squeeze %scatter3A_1182 : memref<1x128x128xf32, #tpu.memory_space<vmem>> -> memref<128x128xf32, #tpu.memory_space<vmem>>
      tpu.vector_store_idx %scatter3A_1183[%add3A_1178, %add3A_1178], %broadcast_in_dim3A_84 : memref<128x128xf32, #tpu.memory_space<vmem>>[vector<16xi32>, vector<16xi32>], vector<16xf32>,
      %add3A_1184 = arith.constant 48 : i32
      %add3A_1185 = vector.broadcast %add3A_1184 : i32 to vector<16xi32>
      %add3A_1186 = arith.addi %iota3A, %add3A_1185 : vector<16xi32>
      %scatter3A_1187 = arith.constant 6 : i32
      %scatter3A_1188 = arith.constant 0 : i32
      %scatter3A_1189 = arith.constant 0 : i32
      %scatter3A_1190 = tpu.memref_slice %arg8[%scatter3A_1187, %scatter3A_1188, %scatter3A_1189] : memref<7x128x128xf32, #tpu.memory_space<vmem>> -> memref<1x128x128xf32, #tpu.memory_space<vmem>>
      %scatter3A_1191 = tpu.memref_squeeze %scatter3A_1190 : memref<1x128x128xf32, #tpu.memory_space<vmem>> -> memref<128x128xf32, #tpu.memory_space<vmem>>
      tpu.vector_store_idx %scatter3A_1191[%add3A_1186, %add3A_1186], %broadcast_in_dim3A_84 : memref<128x128xf32, #tpu.memory_space<vmem>>[vector<16xi32>, vector<16xi32>], vector<16xf32>,
      %add3A_1192 = arith.constant 64 : i32
      %add3A_1193 = vector.broadcast %add3A_1192 : i32 to vector<16xi32>
      %add3A_1194 = arith.addi %iota3A, %add3A_1193 : vector<16xi32>
      %scatter3A_1195 = arith.constant 6 : i32
      %scatter3A_1196 = arith.constant 0 : i32
      %scatter3A_1197 = arith.constant 0 : i32
      %scatter3A_1198 = tpu.memref_slice %arg8[%scatter3A_1195, %scatter3A_1196, %scatter3A_1197] : memref<7x128x128xf32, #tpu.memory_space<vmem>> -> memref<1x128x128xf32, #tpu.memory_space<vmem>>
      %scatter3A_1199 = tpu.memref_squeeze %scatter3A_1198 : memref<1x128x128xf32, #tpu.memory_space<vmem>> -> memref<128x128xf32, #tpu.memory_space<vmem>>
      tpu.vector_store_idx %scatter3A_1199[%add3A_1194, %add3A_1194], %broadcast_in_dim3A_84 : memref<128x128xf32, #tpu.memory_space<vmem>>[vector<16xi32>, vector<16xi32>], vector<16xf32>,
      %add3A_1200 = arith.constant 80 : i32
      %add3A_1201 = vector.broadcast %add3A_1200 : i32 to vector<16xi32>
      %add3A_1202 = arith.addi %iota3A, %add3A_1201 : vector<16xi32>
      %scatter3A_1203 = arith.constant 6 : i32
      %scatter3A_1204 = arith.constant 0 : i32
      %scatter3A_1205 = arith.constant 0 : i32
      %scatter3A_1206 = tpu.memref_slice %arg8[%scatter3A_1203, %scatter3A_1204, %scatter3A_1205] : memref<7x128x128xf32, #tpu.memory_space<vmem>> -> memref<1x128x128xf32, #tpu.memory_space<vmem>>
      %scatter3A_1207 = tpu.memref_squeeze %scatter3A_1206 : memref<1x128x128xf32, #tpu.memory_space<vmem>> -> memref<128x128xf32, #tpu.memory_space<vmem>>
      tpu.vector_store_idx %scatter3A_1207[%add3A_1202, %add3A_1202], %broadcast_in_dim3A_84 : memref<128x128xf32, #tpu.memory_space<vmem>>[vector<16xi32>, vector<16xi32>], vector<16xf32>,
      %add3A_1208 = arith.constant 96 : i32
      %add3A_1209 = vector.broadcast %add3A_1208 : i32 to vector<16xi32>
      %add3A_1210 = arith.addi %iota3A, %add3A_1209 : vector<16xi32>
      %scatter3A_1211 = arith.constant 6 : i32
      %scatter3A_1212 = arith.constant 0 : i32
      %scatter3A_1213 = arith.constant 0 : i32
      %scatter3A_1214 = tpu.memref_slice %arg8[%scatter3A_1211, %scatter3A_1212, %scatter3A_1213] : memref<7x128x128xf32, #tpu.memory_space<vmem>> -> memref<1x128x128xf32, #tpu.memory_space<vmem>>
      %scatter3A_1215 = tpu.memref_squeeze %scatter3A_1214 : memref<1x128x128xf32, #tpu.memory_space<vmem>> -> memref<128x128xf32, #tpu.memory_space<vmem>>
      tpu.vector_store_idx %scatter3A_1215[%add3A_1210, %add3A_1210], %broadcast_in_dim3A_84 : memref<128x128xf32, #tpu.memory_space<vmem>>[vector<16xi32>, vector<16xi32>], vector<16xf32>,
      %add3A_1216 = arith.constant 112 : i32
      %add3A_1217 = vector.broadcast %add3A_1216 : i32 to vector<16xi32>
      %add3A_1218 = arith.addi %iota3A, %add3A_1217 : vector<16xi32>
      %scatter3A_1219 = arith.constant 6 : i32
      %scatter3A_1220 = arith.constant 0 : i32
      %scatter3A_1221 = arith.constant 0 : i32
      %scatter3A_1222 = tpu.memref_slice %arg8[%scatter3A_1219, %scatter3A_1220, %scatter3A_1221] : memref<7x128x128xf32, #tpu.memory_space<vmem>> -> memref<1x128x128xf32, #tpu.memory_space<vmem>>
      %scatter3A_1223 = tpu.memref_squeeze %scatter3A_1222 : memref<1x128x128xf32, #tpu.memory_space<vmem>> -> memref<128x128xf32, #tpu.memory_space<vmem>>
      tpu.vector_store_idx %scatter3A_1223[%add3A_1218, %add3A_1218], %broadcast_in_dim3A_84 : memref<128x128xf32, #tpu.memory_space<vmem>>[vector<16xi32>, vector<16xi32>], vector<16xf32>,
      %min3A_1224 = arith.constant 255 : i32
      %min3A_1225 = arith.minsi %add3A_1138, %min3A_1224 : i32
      %mul3A_1226 = arith.constant 32 : i32
      %mul3A_1227 = arith.muli %min3A_1225, %mul3A_1226 : i32
      %add3A_1228 = arith.addi %mul3A_1227, %add3A : i32
      %dma_start3A_1229 = arith.constant 6 : i32
      %dma_start3A_1230 = arith.constant 6 : i32
      %dma_start3A_1231 = arith.constant 0 : i32
      %dma_start3A_1232 = arith.constant 0 : i32
      %dma_start3A_1233 = tpu.memref_slice %arg8[%dma_start3A_1229, %dma_start3A_1231, %dma_start3A_1232] : memref<7x128x128xf32, #tpu.memory_space<vmem>> -> memref<1x128x128xf32, #tpu.memory_space<vmem>>
      %dma_start3A_1234 = tpu.memref_squeeze %dma_start3A_1233 : memref<1x128x128xf32, #tpu.memory_space<vmem>> -> memref<128x128xf32, #tpu.memory_space<vmem>>
      %dma_start3A_1235 = arith.constant 0 : i32
      %dma_start3A_1236 = arith.constant 0 : i32
      %dma_start3A_1237 = tpu.memref_slice %arg5[%add3A_1228, %dma_start3A_1235, %dma_start3A_1236] : memref<8192x128x128xf32, #tpu.memory_space<hbm>> -> memref<1x128x128xf32, #tpu.memory_space<hbm>>
      %dma_start3A_1238 = tpu.memref_squeeze %dma_start3A_1237 : memref<1x128x128xf32, #tpu.memory_space<hbm>> -> memref<128x128xf32, #tpu.memory_space<hbm>>
      %dma_start3A_1239 = tpu.memref_slice %arg10[%dma_start3A_1230] : memref<7x!tpu.dma_semaphore, #tpu.memory_space<semaphore_mem>> -> memref<1x!tpu.dma_semaphore, #tpu.memory_space<semaphore_mem>>
      %dma_start3A_1240 = tpu.memref_squeeze %dma_start3A_1239 : memref<1x!tpu.dma_semaphore, #tpu.memory_space<semaphore_mem>> -> memref<!tpu.dma_semaphore, #tpu.memory_space<semaphore_mem>>
      %dma_start3A_1241 = arith.constant 0 : i32
      %dma_start3A_1242 = arith.constant 0 : i32
      %dma_start3A_1243 = tpu.memref_slice %arg5[%add3A_1228, %dma_start3A_1241, %dma_start3A_1242] : memref<8192x128x128xf32, #tpu.memory_space<hbm>> -> memref<1x128x128xf32, #tpu.memory_space<hbm>>
      %dma_start3A_1244 = tpu.memref_squeeze %dma_start3A_1243 : memref<1x128x128xf32, #tpu.memory_space<hbm>> -> memref<128x128xf32, #tpu.memory_space<hbm>>
      %dma_start3A_1245 = arith.constant 0 : i32
      %dma_start3A_1246 = arith.constant 0 : i32
      %dma_start3A_1247 = tpu.memref_slice %arg8[%dma_start3A_1229, %dma_start3A_1245, %dma_start3A_1246] : memref<7x128x128xf32, #tpu.memory_space<vmem>> -> memref<1x128x128xf32, #tpu.memory_space<vmem>>
      %dma_start3A_1248 = tpu.memref_squeeze %dma_start3A_1247 : memref<1x128x128xf32, #tpu.memory_space<vmem>> -> memref<128x128xf32, #tpu.memory_space<vmem>>
      tpu.enqueue_dma source(%dma_start3A_1248 : memref<128x128xf32, #tpu.memory_space<vmem>>) target(%dma_start3A_1244 : memref<128x128xf32, #tpu.memory_space<hbm>>) target_semaphore(%dma_start3A_1240 : memref<!tpu.dma_semaphore, #tpu.memory_space<semaphore_mem>>)
      %dma_wait3A_1249 = arith.constant 3 : i32
      %dma_wait3A_1250 = arith.constant 0 : i32
      %dma_wait3A_1251 = arith.constant 3 : i32
      %dma_wait3A_1252 = arith.constant 0 : i32
      %dma_wait3A_1253 = arith.constant 0 : i32
      %dma_wait3A_1254 = tpu.memref_slice %arg8[%dma_wait3A_1249, %dma_wait3A_1252, %dma_wait3A_1253] : memref<7x128x128xf32, #tpu.memory_space<vmem>> -> memref<1x128x128xf32, #tpu.memory_space<vmem>>
      %dma_wait3A_1255 = tpu.memref_squeeze %dma_wait3A_1254 : memref<1x128x128xf32, #tpu.memory_space<vmem>> -> memref<128x128xf32, #tpu.memory_space<vmem>>
      %dma_wait3A_1256 = arith.constant 0 : i32
      %dma_wait3A_1257 = arith.constant 0 : i32
      %dma_wait3A_1258 = tpu.memref_slice %arg5[%dma_wait3A_1250, %dma_wait3A_1256, %dma_wait3A_1257] : memref<8192x128x128xf32, #tpu.memory_space<hbm>> -> memref<1x128x128xf32, #tpu.memory_space<hbm>>
      %dma_wait3A_1259 = tpu.memref_squeeze %dma_wait3A_1258 : memref<1x128x128xf32, #tpu.memory_space<hbm>> -> memref<128x128xf32, #tpu.memory_space<hbm>>
      %dma_wait3A_1260 = tpu.memref_slice %arg10[%dma_wait3A_1251] : memref<7x!tpu.dma_semaphore, #tpu.memory_space<semaphore_mem>> -> memref<1x!tpu.dma_semaphore, #tpu.memory_space<semaphore_mem>>
      %dma_wait3A_1261 = tpu.memref_squeeze %dma_wait3A_1260 : memref<1x!tpu.dma_semaphore, #tpu.memory_space<semaphore_mem>> -> memref<!tpu.dma_semaphore, #tpu.memory_space<semaphore_mem>>
      %dma_wait3A_1262 = arith.constant 0 : i32
      %dma_wait3A_1263 = arith.constant 0 : i32
      %dma_wait3A_1264 = tpu.memref_slice %arg5[%dma_wait3A_1250, %dma_wait3A_1262, %dma_wait3A_1263] : memref<8192x128x128xf32, #tpu.memory_space<hbm>> -> memref<1x128x128xf32, #tpu.memory_space<hbm>>
      %dma_wait3A_1265 = tpu.memref_squeeze %dma_wait3A_1264 : memref<1x128x128xf32, #tpu.memory_space<hbm>> -> memref<128x128xf32, #tpu.memory_space<hbm>>
      %dma_wait3A_1266 = arith.constant 0 : i32
      %dma_wait3A_1267 = arith.constant 0 : i32
      %dma_wait3A_1268 = tpu.memref_slice %arg8[%dma_wait3A_1249, %dma_wait3A_1266, %dma_wait3A_1267] : memref<7x128x128xf32, #tpu.memory_space<vmem>> -> memref<1x128x128xf32, #tpu.memory_space<vmem>>
      %dma_wait3A_1269 = tpu.memref_squeeze %dma_wait3A_1268 : memref<1x128x128xf32, #tpu.memory_space<vmem>> -> memref<128x128xf32, #tpu.memory_space<vmem>>
      tpu.wait_dma2 semaphore(%dma_wait3A_1261 : memref<!tpu.dma_semaphore, #tpu.memory_space<semaphore_mem>>) src(%dma_wait3A_1269 : memref<128x128xf32, #tpu.memory_space<vmem>>) dst(%dma_wait3A_1265 : memref<128x128xf32, #tpu.memory_space<hbm>>)
      %add3A_1270 = arith.constant 4 : i32
      %add3A_1271 = arith.addi %add3A_1138, %add3A_1270 : i32
      %get3A_1272 = arith.index_cast %add3A_1271 : i32 to index
      %get3A_1273 = tpu.vector_load %arg7[%get3A_1272] {strides = array<i32>} : memref<286xi32, #tpu.memory_space<vmem>>, vector<16xi32>,
      %slice3A_1274 = vector.extract_strided_slice %get3A_1273 {offsets = [0], sizes = [1], strides = [1]} : vector<16xi32> to vector<1xi32>
      %squeeze3A_1275 = vector.extract %slice3A_1274[0] : i32 from vector<1xi32>
      %ge3A_1276 = arith.constant 0 : i32
      %ge3A_1277 = arith.cmpi sge, %squeeze3A_1275, %ge3A_1276 : i32
      %convert_element_type3A_1278 = arith.extui %ge3A_1277 : i1 to i32
      %cond3A_1279 = arith.constant 0 : i32
      %cond3A_1280 = arith.cmpi ne, %convert_element_type3A_1278, %cond3A_1279 : i32
      scf.if %cond3A_1280 {
        %dma_start3A_1287 = arith.constant 3 : i32
        %dma_start3A_1288 = arith.constant 3 : i32
        %dma_start3A_1289 = arith.constant 0 : i32
        %dma_start3A_1290 = arith.constant 0 : i32
        %dma_start3A_1291 = tpu.memref_slice %arg8[%dma_start3A_1287, %dma_start3A_1289, %dma_start3A_1290] : memref<7x128x128xf32, #tpu.memory_space<vmem>> -> memref<1x128x128xf32, #tpu.memory_space<vmem>>
        %dma_start3A_1292 = tpu.memref_squeeze %dma_start3A_1291 : memref<1x128x128xf32, #tpu.memory_space<vmem>> -> memref<128x128xf32, #tpu.memory_space<vmem>>
        %dma_start3A_1293 = arith.constant 0 : i32
        %dma_start3A_1294 = arith.constant 0 : i32
        %dma_start3A_1295 = tpu.memref_slice %arg4[%squeeze3A_1275, %dma_start3A_1293, %dma_start3A_1294] : memref<4096x128x128xf32, #tpu.memory_space<hbm>> -> memref<1x128x128xf32, #tpu.memory_space<hbm>>
        %dma_start3A_1296 = tpu.memref_squeeze %dma_start3A_1295 : memref<1x128x128xf32, #tpu.memory_space<hbm>> -> memref<128x128xf32, #tpu.memory_space<hbm>>
        %dma_start3A_1297 = tpu.memref_slice %arg9[%dma_start3A_1288] : memref<7x!tpu.dma_semaphore, #tpu.memory_space<semaphore_mem>> -> memref<1x!tpu.dma_semaphore, #tpu.memory_space<semaphore_mem>>
        %dma_start3A_1298 = tpu.memref_squeeze %dma_start3A_1297 : memref<1x!tpu.dma_semaphore, #tpu.memory_space<semaphore_mem>> -> memref<!tpu.dma_semaphore, #tpu.memory_space<semaphore_mem>>
        %dma_start3A_1299 = arith.constant 0 : i32
        %dma_start3A_1300 = arith.constant 0 : i32
        %dma_start3A_1301 = tpu.memref_slice %arg8[%dma_start3A_1287, %dma_start3A_1299, %dma_start3A_1300] : memref<7x128x128xf32, #tpu.memory_space<vmem>> -> memref<1x128x128xf32, #tpu.memory_space<vmem>>
        %dma_start3A_1302 = tpu.memref_squeeze %dma_start3A_1301 : memref<1x128x128xf32, #tpu.memory_space<vmem>> -> memref<128x128xf32, #tpu.memory_space<vmem>>
        %dma_start3A_1303 = arith.constant 0 : i32
        %dma_start3A_1304 = arith.constant 0 : i32
        %dma_start3A_1305 = tpu.memref_slice %arg4[%squeeze3A_1275, %dma_start3A_1303, %dma_start3A_1304] : memref<4096x128x128xf32, #tpu.memory_space<hbm>> -> memref<1x128x128xf32, #tpu.memory_space<hbm>>
        %dma_start3A_1306 = tpu.memref_squeeze %dma_start3A_1305 : memref<1x128x128xf32, #tpu.memory_space<hbm>> -> memref<128x128xf32, #tpu.memory_space<hbm>>
        tpu.enqueue_dma source(%dma_start3A_1306 : memref<128x128xf32, #tpu.memory_space<hbm>>) target(%dma_start3A_1302 : memref<128x128xf32, #tpu.memory_space<vmem>>) target_semaphore(%dma_start3A_1298 : memref<!tpu.dma_semaphore, #tpu.memory_space<semaphore_mem>>)
      } else {
      }
      %lt3A_1281 = arith.constant 0 : i32
      %lt3A_1282 = arith.cmpi slt, %squeeze3A_1275, %lt3A_1281 : i32
      %convert_element_type3A_1283 = arith.extui %lt3A_1282 : i1 to i32
      %cond3A_1284 = arith.constant 0 : i32
      %cond3A_1285 = arith.cmpi ne, %convert_element_type3A_1283, %cond3A_1284 : i32
      scf.if %cond3A_1285 {
        %min3A_1287 = arith.constant 255 : i32
        %min3A_1288 = arith.minsi %add3A_1271, %min3A_1287 : i32
        %mul3A_1289 = arith.constant 32 : i32
        %mul3A_1290 = arith.muli %min3A_1288, %mul3A_1289 : i32
        %add3A_1291 = arith.addi %mul3A_1290, %add3A : i32
        %dma_start3A_1292 = arith.constant 3 : i32
        %dma_start3A_1293 = arith.constant 3 : i32
        %dma_start3A_1294 = arith.constant 0 : i32
        %dma_start3A_1295 = arith.constant 0 : i32
        %dma_start3A_1296 = tpu.memref_slice %arg8[%dma_start3A_1292, %dma_start3A_1294, %dma_start3A_1295] : memref<7x128x128xf32, #tpu.memory_space<vmem>> -> memref<1x128x128xf32, #tpu.memory_space<vmem>>
        %dma_start3A_1297 = tpu.memref_squeeze %dma_start3A_1296 : memref<1x128x128xf32, #tpu.memory_space<vmem>> -> memref<128x128xf32, #tpu.memory_space<vmem>>
        %dma_start3A_1298 = arith.constant 0 : i32
        %dma_start3A_1299 = arith.constant 0 : i32
        %dma_start3A_1300 = tpu.memref_slice %arg3[%add3A_1291, %dma_start3A_1298, %dma_start3A_1299] : memref<8192x128x128xf32, #tpu.memory_space<hbm>> -> memref<1x128x128xf32, #tpu.memory_space<hbm>>
        %dma_start3A_1301 = tpu.memref_squeeze %dma_start3A_1300 : memref<1x128x128xf32, #tpu.memory_space<hbm>> -> memref<128x128xf32, #tpu.memory_space<hbm>>
        %dma_start3A_1302 = tpu.memref_slice %arg9[%dma_start3A_1293] : memref<7x!tpu.dma_semaphore, #tpu.memory_space<semaphore_mem>> -> memref<1x!tpu.dma_semaphore, #tpu.memory_space<semaphore_mem>>
        %dma_start3A_1303 = tpu.memref_squeeze %dma_start3A_1302 : memref<1x!tpu.dma_semaphore, #tpu.memory_space<semaphore_mem>> -> memref<!tpu.dma_semaphore, #tpu.memory_space<semaphore_mem>>
        %dma_start3A_1304 = arith.constant 0 : i32
        %dma_start3A_1305 = arith.constant 0 : i32
        %dma_start3A_1306 = tpu.memref_slice %arg8[%dma_start3A_1292, %dma_start3A_1304, %dma_start3A_1305] : memref<7x128x128xf32, #tpu.memory_space<vmem>> -> memref<1x128x128xf32, #tpu.memory_space<vmem>>
        %dma_start3A_1307 = tpu.memref_squeeze %dma_start3A_1306 : memref<1x128x128xf32, #tpu.memory_space<vmem>> -> memref<128x128xf32, #tpu.memory_space<vmem>>
        %dma_start3A_1308 = arith.constant 0 : i32
        %dma_start3A_1309 = arith.constant 0 : i32
        %dma_start3A_1310 = tpu.memref_slice %arg3[%add3A_1291, %dma_start3A_1308, %dma_start3A_1309] : memref<8192x128x128xf32, #tpu.memory_space<hbm>> -> memref<1x128x128xf32, #tpu.memory_space<hbm>>
        %dma_start3A_1311 = tpu.memref_squeeze %dma_start3A_1310 : memref<1x128x128xf32, #tpu.memory_space<hbm>> -> memref<128x128xf32, #tpu.memory_space<hbm>>
        tpu.enqueue_dma source(%dma_start3A_1311 : memref<128x128xf32, #tpu.memory_space<hbm>>) target(%dma_start3A_1307 : memref<128x128xf32, #tpu.memory_space<vmem>>) target_semaphore(%dma_start3A_1303 : memref<!tpu.dma_semaphore, #tpu.memory_space<semaphore_mem>>)
      } else {
      }
      %scan3A_1286 = arith.constant 0 : i32
      scf.yield %scan3A_1286 : i32
    }
    %scan3A_143 = arith.constant 38 : i32
    %dma_wait3A = arith.constant 4 : i32
    %dma_wait3A_144 = arith.constant 0 : i32
    %dma_wait3A_145 = arith.constant 4 : i32
    %dma_wait3A_146 = arith.constant 0 : i32
    %dma_wait3A_147 = arith.constant 0 : i32
    %dma_wait3A_148 = tpu.memref_slice %arg8[%dma_wait3A, %dma_wait3A_146, %dma_wait3A_147] : memref<7x128x128xf32, #tpu.memory_space<vmem>> -> memref<1x128x128xf32, #tpu.memory_space<vmem>>
    %dma_wait3A_149 = tpu.memref_squeeze %dma_wait3A_148 : memref<1x128x128xf32, #tpu.memory_space<vmem>> -> memref<128x128xf32, #tpu.memory_space<vmem>>
    %dma_wait3A_150 = arith.constant 0 : i32
    %dma_wait3A_151 = arith.constant 0 : i32
    %dma_wait3A_152 = tpu.memref_slice %arg5[%dma_wait3A_144, %dma_wait3A_150, %dma_wait3A_151] : memref<8192x128x128xf32, #tpu.memory_space<hbm>> -> memref<1x128x128xf32, #tpu.memory_space<hbm>>
    %dma_wait3A_153 = tpu.memref_squeeze %dma_wait3A_152 : memref<1x128x128xf32, #tpu.memory_space<hbm>> -> memref<128x128xf32, #tpu.memory_space<hbm>>
    %dma_wait3A_154 = tpu.memref_slice %arg10[%dma_wait3A_145] : memref<7x!tpu.dma_semaphore, #tpu.memory_space<semaphore_mem>> -> memref<1x!tpu.dma_semaphore, #tpu.memory_space<semaphore_mem>>
    %dma_wait3A_155 = tpu.memref_squeeze %dma_wait3A_154 : memref<1x!tpu.dma_semaphore, #tpu.memory_space<semaphore_mem>> -> memref<!tpu.dma_semaphore, #tpu.memory_space<semaphore_mem>>
    %dma_wait3A_156 = arith.constant 0 : i32
    %dma_wait3A_157 = arith.constant 0 : i32
    %dma_wait3A_158 = tpu.memref_slice %arg5[%dma_wait3A_144, %dma_wait3A_156, %dma_wait3A_157] : memref<8192x128x128xf32, #tpu.memory_space<hbm>> -> memref<1x128x128xf32, #tpu.memory_space<hbm>>
    %dma_wait3A_159 = tpu.memref_squeeze %dma_wait3A_158 : memref<1x128x128xf32, #tpu.memory_space<hbm>> -> memref<128x128xf32, #tpu.memory_space<hbm>>
    %dma_wait3A_160 = arith.constant 0 : i32
    %dma_wait3A_161 = arith.constant 0 : i32
    %dma_wait3A_162 = tpu.memref_slice %arg8[%dma_wait3A, %dma_wait3A_160, %dma_wait3A_161] : memref<7x128x128xf32, #tpu.memory_space<vmem>> -> memref<1x128x128xf32, #tpu.memory_space<vmem>>
    %dma_wait3A_163 = tpu.memref_squeeze %dma_wait3A_162 : memref<1x128x128xf32, #tpu.memory_space<vmem>> -> memref<128x128xf32, #tpu.memory_space<vmem>>
    tpu.wait_dma2 semaphore(%dma_wait3A_155 : memref<!tpu.dma_semaphore, #tpu.memory_space<semaphore_mem>>) src(%dma_wait3A_163 : memref<128x128xf32, #tpu.memory_space<vmem>>) dst(%dma_wait3A_159 : memref<128x128xf32, #tpu.memory_space<hbm>>)
    %dma_wait3A_164 = arith.constant 5 : i32
    %dma_wait3A_165 = arith.constant 0 : i32
    %dma_wait3A_166 = arith.constant 5 : i32
    %dma_wait3A_167 = arith.constant 0 : i32
    %dma_wait3A_168 = arith.constant 0 : i32
    %dma_wait3A_169 = tpu.memref_slice %arg8[%dma_wait3A_164, %dma_wait3A_167, %dma_wait3A_168] : memref<7x128x128xf32, #tpu.memory_space<vmem>> -> memref<1x128x128xf32, #tpu.memory_space<vmem>>
    %dma_wait3A_170 = tpu.memref_squeeze %dma_wait3A_169 : memref<1x128x128xf32, #tpu.memory_space<vmem>> -> memref<128x128xf32, #tpu.memory_space<vmem>>
    %dma_wait3A_171 = arith.constant 0 : i32
    %dma_wait3A_172 = arith.constant 0 : i32
    %dma_wait3A_173 = tpu.memref_slice %arg5[%dma_wait3A_165, %dma_wait3A_171, %dma_wait3A_172] : memref<8192x128x128xf32, #tpu.memory_space<hbm>> -> memref<1x128x128xf32, #tpu.memory_space<hbm>>
    %dma_wait3A_174 = tpu.memref_squeeze %dma_wait3A_173 : memref<1x128x128xf32, #tpu.memory_space<hbm>> -> memref<128x128xf32, #tpu.memory_space<hbm>>
    %dma_wait3A_175 = tpu.memref_slice %arg10[%dma_wait3A_166] : memref<7x!tpu.dma_semaphore, #tpu.memory_space<semaphore_mem>> -> memref<1x!tpu.dma_semaphore, #tpu.memory_space<semaphore_mem>>
    %dma_wait3A_176 = tpu.memref_squeeze %dma_wait3A_175 : memref<1x!tpu.dma_semaphore, #tpu.memory_space<semaphore_mem>> -> memref<!tpu.dma_semaphore, #tpu.memory_space<semaphore_mem>>
    %dma_wait3A_177 = arith.constant 0 : i32
    %dma_wait3A_178 = arith.constant 0 : i32
    %dma_wait3A_179 = tpu.memref_slice %arg5[%dma_wait3A_165, %dma_wait3A_177, %dma_wait3A_178] : memref<8192x128x128xf32, #tpu.memory_space<hbm>> -> memref<1x128x128xf32, #tpu.memory_space<hbm>>
    %dma_wait3A_180 = tpu.memref_squeeze %dma_wait3A_179 : memref<1x128x128xf32, #tpu.memory_space<hbm>> -> memref<128x128xf32, #tpu.memory_space<hbm>>
    %dma_wait3A_181 = arith.constant 0 : i32
    %dma_wait3A_182 = arith.constant 0 : i32
    %dma_wait3A_183 = tpu.memref_slice %arg8[%dma_wait3A_164, %dma_wait3A_181, %dma_wait3A_182] : memref<7x128x128xf32, #tpu.memory_space<vmem>> -> memref<1x128x128xf32, #tpu.memory_space<vmem>>
    %dma_wait3A_184 = tpu.memref_squeeze %dma_wait3A_183 : memref<1x128x128xf32, #tpu.memory_space<vmem>> -> memref<128x128xf32, #tpu.memory_space<vmem>>
    tpu.wait_dma2 semaphore(%dma_wait3A_176 : memref<!tpu.dma_semaphore, #tpu.memory_space<semaphore_mem>>) src(%dma_wait3A_184 : memref<128x128xf32, #tpu.memory_space<vmem>>) dst(%dma_wait3A_180 : memref<128x128xf32, #tpu.memory_space<hbm>>)
    %dma_wait3A_185 = arith.constant 6 : i32
    %dma_wait3A_186 = arith.constant 0 : i32
    %dma_wait3A_187 = arith.constant 6 : i32
    %dma_wait3A_188 = arith.constant 0 : i32
    %dma_wait3A_189 = arith.constant 0 : i32
    %dma_wait3A_190 = tpu.memref_slice %arg8[%dma_wait3A_185, %dma_wait3A_188, %dma_wait3A_189] : memref<7x128x128xf32, #tpu.memory_space<vmem>> -> memref<1x128x128xf32, #tpu.memory_space<vmem>>
    %dma_wait3A_191 = tpu.memref_squeeze %dma_wait3A_190 : memref<1x128x128xf32, #tpu.memory_space<vmem>> -> memref<128x128xf32, #tpu.memory_space<vmem>>
    %dma_wait3A_192 = arith.constant 0 : i32
    %dma_wait3A_193 = arith.constant 0 : i32
    %dma_wait3A_194 = tpu.memref_slice %arg5[%dma_wait3A_186, %dma_wait3A_192, %dma_wait3A_193] : memref<8192x128x128xf32, #tpu.memory_space<hbm>> -> memref<1x128x128xf32, #tpu.memory_space<hbm>>
    %dma_wait3A_195 = tpu.memref_squeeze %dma_wait3A_194 : memref<1x128x128xf32, #tpu.memory_space<hbm>> -> memref<128x128xf32, #tpu.memory_space<hbm>>
    %dma_wait3A_196 = tpu.memref_slice %arg10[%dma_wait3A_187] : memref<7x!tpu.dma_semaphore, #tpu.memory_space<semaphore_mem>> -> memref<1x!tpu.dma_semaphore, #tpu.memory_space<semaphore_mem>>
    %dma_wait3A_197 = tpu.memref_squeeze %dma_wait3A_196 : memref<1x!tpu.dma_semaphore, #tpu.memory_space<semaphore_mem>> -> memref<!tpu.dma_semaphore, #tpu.memory_space<semaphore_mem>>
    %dma_wait3A_198 = arith.constant 0 : i32
    %dma_wait3A_199 = arith.constant 0 : i32
    %dma_wait3A_200 = tpu.memref_slice %arg5[%dma_wait3A_186, %dma_wait3A_198, %dma_wait3A_199] : memref<8192x128x128xf32, #tpu.memory_space<hbm>> -> memref<1x128x128xf32, #tpu.memory_space<hbm>>
    %dma_wait3A_201 = tpu.memref_squeeze %dma_wait3A_200 : memref<1x128x128xf32, #tpu.memory_space<hbm>> -> memref<128x128xf32, #tpu.memory_space<hbm>>
    %dma_wait3A_202 = arith.constant 0 : i32
    %dma_wait3A_203 = arith.constant 0 : i32
    %dma_wait3A_204 = tpu.memref_slice %arg8[%dma_wait3A_185, %dma_wait3A_202, %dma_wait3A_203] : memref<7x128x128xf32, #tpu.memory_space<vmem>> -> memref<1x128x128xf32, #tpu.memory_space<vmem>>
    %dma_wait3A_205 = tpu.memref_squeeze %dma_wait3A_204 : memref<1x128x128xf32, #tpu.memory_space<vmem>> -> memref<128x128xf32, #tpu.memory_space<vmem>>
    tpu.wait_dma2 semaphore(%dma_wait3A_197 : memref<!tpu.dma_semaphore, #tpu.memory_space<semaphore_mem>>) src(%dma_wait3A_205 : memref<128x128xf32, #tpu.memory_space<vmem>>) dst(%dma_wait3A_201 : memref<128x128xf32, #tpu.memory_space<hbm>>)
    %dma_wait3A_206 = arith.constant 0 : i32
    %dma_wait3A_207 = arith.constant 0 : i32
    %dma_wait3A_208 = arith.constant 0 : i32
    %dma_wait3A_209 = arith.constant 0 : i32
    %dma_wait3A_210 = arith.constant 0 : i32
    %dma_wait3A_211 = tpu.memref_slice %arg8[%dma_wait3A_207, %dma_wait3A_209, %dma_wait3A_210] : memref<7x128x128xf32, #tpu.memory_space<vmem>> -> memref<1x128x128xf32, #tpu.memory_space<vmem>>
    %dma_wait3A_212 = tpu.memref_squeeze %dma_wait3A_211 : memref<1x128x128xf32, #tpu.memory_space<vmem>> -> memref<128x128xf32, #tpu.memory_space<vmem>>
    %dma_wait3A_213 = arith.constant 0 : i32
    %dma_wait3A_214 = arith.constant 0 : i32
    %dma_wait3A_215 = tpu.memref_slice %arg3[%dma_wait3A_206, %dma_wait3A_213, %dma_wait3A_214] : memref<8192x128x128xf32, #tpu.memory_space<hbm>> -> memref<1x128x128xf32, #tpu.memory_space<hbm>>
    %dma_wait3A_216 = tpu.memref_squeeze %dma_wait3A_215 : memref<1x128x128xf32, #tpu.memory_space<hbm>> -> memref<128x128xf32, #tpu.memory_space<hbm>>
    %dma_wait3A_217 = tpu.memref_slice %arg9[%dma_wait3A_208] : memref<7x!tpu.dma_semaphore, #tpu.memory_space<semaphore_mem>> -> memref<1x!tpu.dma_semaphore, #tpu.memory_space<semaphore_mem>>
    %dma_wait3A_218 = tpu.memref_squeeze %dma_wait3A_217 : memref<1x!tpu.dma_semaphore, #tpu.memory_space<semaphore_mem>> -> memref<!tpu.dma_semaphore, #tpu.memory_space<semaphore_mem>>
    %dma_wait3A_219 = arith.constant 0 : i32
    %dma_wait3A_220 = arith.constant 0 : i32
    %dma_wait3A_221 = tpu.memref_slice %arg8[%dma_wait3A_207, %dma_wait3A_219, %dma_wait3A_220] : memref<7x128x128xf32, #tpu.memory_space<vmem>> -> memref<1x128x128xf32, #tpu.memory_space<vmem>>
    %dma_wait3A_222 = tpu.memref_squeeze %dma_wait3A_221 : memref<1x128x128xf32, #tpu.memory_space<vmem>> -> memref<128x128xf32, #tpu.memory_space<vmem>>
    %dma_wait3A_223 = arith.constant 0 : i32
    %dma_wait3A_224 = arith.constant 0 : i32
    %dma_wait3A_225 = tpu.memref_slice %arg3[%dma_wait3A_206, %dma_wait3A_223, %dma_wait3A_224] : memref<8192x128x128xf32, #tpu.memory_space<hbm>> -> memref<1x128x128xf32, #tpu.memory_space<hbm>>
    %dma_wait3A_226 = tpu.memref_squeeze %dma_wait3A_225 : memref<1x128x128xf32, #tpu.memory_space<hbm>> -> memref<128x128xf32, #tpu.memory_space<hbm>>
    tpu.wait_dma2 semaphore(%dma_wait3A_218 : memref<!tpu.dma_semaphore, #tpu.memory_space<semaphore_mem>>) src(%dma_wait3A_226 : memref<128x128xf32, #tpu.memory_space<hbm>>) dst(%dma_wait3A_222 : memref<128x128xf32, #tpu.memory_space<vmem>>)
    %dma_wait3A_227 = arith.constant 0 : i32
    %dma_wait3A_228 = arith.constant 1 : i32
    %dma_wait3A_229 = arith.constant 1 : i32
    %dma_wait3A_230 = arith.constant 0 : i32
    %dma_wait3A_231 = arith.constant 0 : i32
    %dma_wait3A_232 = tpu.memref_slice %arg8[%dma_wait3A_228, %dma_wait3A_230, %dma_wait3A_231] : memref<7x128x128xf32, #tpu.memory_space<vmem>> -> memref<1x128x128xf32, #tpu.memory_space<vmem>>
    %dma_wait3A_233 = tpu.memref_squeeze %dma_wait3A_232 : memref<1x128x128xf32, #tpu.memory_space<vmem>> -> memref<128x128xf32, #tpu.memory_space<vmem>>
    %dma_wait3A_234 = arith.constant 0 : i32
    %dma_wait3A_235 = arith.constant 0 : i32
    %dma_wait3A_236 = tpu.memref_slice %arg3[%dma_wait3A_227, %dma_wait3A_234, %dma_wait3A_235] : memref<8192x128x128xf32, #tpu.memory_space<hbm>> -> memref<1x128x128xf32, #tpu.memory_space<hbm>>
    %dma_wait3A_237 = tpu.memref_squeeze %dma_wait3A_236 : memref<1x128x128xf32, #tpu.memory_space<hbm>> -> memref<128x128xf32, #tpu.memory_space<hbm>>
    %dma_wait3A_238 = tpu.memref_slice %arg9[%dma_wait3A_229] : memref<7x!tpu.dma_semaphore, #tpu.memory_space<semaphore_mem>> -> memref<1x!tpu.dma_semaphore, #tpu.memory_space<semaphore_mem>>
    %dma_wait3A_239 = tpu.memref_squeeze %dma_wait3A_238 : memref<1x!tpu.dma_semaphore, #tpu.memory_space<semaphore_mem>> -> memref<!tpu.dma_semaphore, #tpu.memory_space<semaphore_mem>>
    %dma_wait3A_240 = arith.constant 0 : i32
    %dma_wait3A_241 = arith.constant 0 : i32
    %dma_wait3A_242 = tpu.memref_slice %arg8[%dma_wait3A_228, %dma_wait3A_240, %dma_wait3A_241] : memref<7x128x128xf32, #tpu.memory_space<vmem>> -> memref<1x128x128xf32, #tpu.memory_space<vmem>>
    %dma_wait3A_243 = tpu.memref_squeeze %dma_wait3A_242 : memref<1x128x128xf32, #tpu.memory_space<vmem>> -> memref<128x128xf32, #tpu.memory_space<vmem>>
    %dma_wait3A_244 = arith.constant 0 : i32
    %dma_wait3A_245 = arith.constant 0 : i32
    %dma_wait3A_246 = tpu.memref_slice %arg3[%dma_wait3A_227, %dma_wait3A_244, %dma_wait3A_245] : memref<8192x128x128xf32, #tpu.memory_space<hbm>> -> memref<1x128x128xf32, #tpu.memory_space<hbm>>
    %dma_wait3A_247 = tpu.memref_squeeze %dma_wait3A_246 : memref<1x128x128xf32, #tpu.memory_space<hbm>> -> memref<128x128xf32, #tpu.memory_space<hbm>>
    tpu.wait_dma2 semaphore(%dma_wait3A_239 : memref<!tpu.dma_semaphore, #tpu.memory_space<semaphore_mem>>) src(%dma_wait3A_247 : memref<128x128xf32, #tpu.memory_space<hbm>>) dst(%dma_wait3A_243 : memref<128x128xf32, #tpu.memory_space<vmem>>)
    %dma_wait3A_248 = arith.constant 0 : i32
    %dma_wait3A_249 = arith.constant 2 : i32
    %dma_wait3A_250 = arith.constant 2 : i32
    %dma_wait3A_251 = arith.constant 0 : i32
    %dma_wait3A_252 = arith.constant 0 : i32
    %dma_wait3A_253 = tpu.memref_slice %arg8[%dma_wait3A_249, %dma_wait3A_251, %dma_wait3A_252] : memref<7x128x128xf32, #tpu.memory_space<vmem>> -> memref<1x128x128xf32, #tpu.memory_space<vmem>>
    %dma_wait3A_254 = tpu.memref_squeeze %dma_wait3A_253 : memref<1x128x128xf32, #tpu.memory_space<vmem>> -> memref<128x128xf32, #tpu.memory_space<vmem>>
    %dma_wait3A_255 = arith.constant 0 : i32
    %dma_wait3A_256 = arith.constant 0 : i32
    %dma_wait3A_257 = tpu.memref_slice %arg3[%dma_wait3A_248, %dma_wait3A_255, %dma_wait3A_256] : memref<8192x128x128xf32, #tpu.memory_space<hbm>> -> memref<1x128x128xf32, #tpu.memory_space<hbm>>
    %dma_wait3A_258 = tpu.memref_squeeze %dma_wait3A_257 : memref<1x128x128xf32, #tpu.memory_space<hbm>> -> memref<128x128xf32, #tpu.memory_space<hbm>>
    %dma_wait3A_259 = tpu.memref_slice %arg9[%dma_wait3A_250] : memref<7x!tpu.dma_semaphore, #tpu.memory_space<semaphore_mem>> -> memref<1x!tpu.dma_semaphore, #tpu.memory_space<semaphore_mem>>
    %dma_wait3A_260 = tpu.memref_squeeze %dma_wait3A_259 : memref<1x!tpu.dma_semaphore, #tpu.memory_space<semaphore_mem>> -> memref<!tpu.dma_semaphore, #tpu.memory_space<semaphore_mem>>
    %dma_wait3A_261 = arith.constant 0 : i32
    %dma_wait3A_262 = arith.constant 0 : i32
    %dma_wait3A_263 = tpu.memref_slice %arg8[%dma_wait3A_249, %dma_wait3A_261, %dma_wait3A_262] : memref<7x128x128xf32, #tpu.memory_space<vmem>> -> memref<1x128x128xf32, #tpu.memory_space<vmem>>
    %dma_wait3A_264 = tpu.memref_squeeze %dma_wait3A_263 : memref<1x128x128xf32, #tpu.memory_space<vmem>> -> memref<128x128xf32, #tpu.memory_space<vmem>>
    %dma_wait3A_265 = arith.constant 0 : i32
    %dma_wait3A_266 = arith.constant 0 : i32
    %dma_wait3A_267 = tpu.memref_slice %arg3[%dma_wait3A_248, %dma_wait3A_265, %dma_wait3A_266] : memref<8192x128x128xf32, #tpu.memory_space<hbm>> -> memref<1x128x128xf32, #tpu.memory_space<hbm>>
    %dma_wait3A_268 = tpu.memref_squeeze %dma_wait3A_267 : memref<1x128x128xf32, #tpu.memory_space<hbm>> -> memref<128x128xf32, #tpu.memory_space<hbm>>
    tpu.wait_dma2 semaphore(%dma_wait3A_260 : memref<!tpu.dma_semaphore, #tpu.memory_space<semaphore_mem>>) src(%dma_wait3A_268 : memref<128x128xf32, #tpu.memory_space<hbm>>) dst(%dma_wait3A_264 : memref<128x128xf32, #tpu.memory_space<vmem>>)
    %dma_wait3A_269 = arith.constant 0 : i32
    %dma_wait3A_270 = arith.constant 3 : i32
    %dma_wait3A_271 = arith.constant 3 : i32
    %dma_wait3A_272 = arith.constant 0 : i32
    %dma_wait3A_273 = arith.constant 0 : i32
    %dma_wait3A_274 = tpu.memref_slice %arg8[%dma_wait3A_270, %dma_wait3A_272, %dma_wait3A_273] : memref<7x128x128xf32, #tpu.memory_space<vmem>> -> memref<1x128x128xf32, #tpu.memory_space<vmem>>
    %dma_wait3A_275 = tpu.memref_squeeze %dma_wait3A_274 : memref<1x128x128xf32, #tpu.memory_space<vmem>> -> memref<128x128xf32, #tpu.memory_space<vmem>>
    %dma_wait3A_276 = arith.constant 0 : i32
    %dma_wait3A_277 = arith.constant 0 : i32
    %dma_wait3A_278 = tpu.memref_slice %arg3[%dma_wait3A_269, %dma_wait3A_276, %dma_wait3A_277] : memref<8192x128x128xf32, #tpu.memory_space<hbm>> -> memref<1x128x128xf32, #tpu.memory_space<hbm>>
    %dma_wait3A_279 = tpu.memref_squeeze %dma_wait3A_278 : memref<1x128x128xf32, #tpu.memory_space<hbm>> -> memref<128x128xf32, #tpu.memory_space<hbm>>
    %dma_wait3A_280 = tpu.memref_slice %arg9[%dma_wait3A_271] : memref<7x!tpu.dma_semaphore, #tpu.memory_space<semaphore_mem>> -> memref<1x!tpu.dma_semaphore, #tpu.memory_space<semaphore_mem>>
    %dma_wait3A_281 = tpu.memref_squeeze %dma_wait3A_280 : memref<1x!tpu.dma_semaphore, #tpu.memory_space<semaphore_mem>> -> memref<!tpu.dma_semaphore, #tpu.memory_space<semaphore_mem>>
    %dma_wait3A_282 = arith.constant 0 : i32
    %dma_wait3A_283 = arith.constant 0 : i32
    %dma_wait3A_284 = tpu.memref_slice %arg8[%dma_wait3A_270, %dma_wait3A_282, %dma_wait3A_283] : memref<7x128x128xf32, #tpu.memory_space<vmem>> -> memref<1x128x128xf32, #tpu.memory_space<vmem>>
    %dma_wait3A_285 = tpu.memref_squeeze %dma_wait3A_284 : memref<1x128x128xf32, #tpu.memory_space<vmem>> -> memref<128x128xf32, #tpu.memory_space<vmem>>
    %dma_wait3A_286 = arith.constant 0 : i32
    %dma_wait3A_287 = arith.constant 0 : i32
    %dma_wait3A_288 = tpu.memref_slice %arg3[%dma_wait3A_269, %dma_wait3A_286, %dma_wait3A_287] : memref<8192x128x128xf32, #tpu.memory_space<hbm>> -> memref<1x128x128xf32, #tpu.memory_space<hbm>>
    %dma_wait3A_289 = tpu.memref_squeeze %dma_wait3A_288 : memref<1x128x128xf32, #tpu.memory_space<hbm>> -> memref<128x128xf32, #tpu.memory_space<hbm>>
    tpu.wait_dma2 semaphore(%dma_wait3A_281 : memref<!tpu.dma_semaphore, #tpu.memory_space<semaphore_mem>>) src(%dma_wait3A_289 : memref<128x128xf32, #tpu.memory_space<hbm>>) dst(%dma_wait3A_285 : memref<128x128xf32, #tpu.memory_space<vmem>>)
    return
  }
}

</mosaic_0001>

<sc_bundles>
// kernel: kernel.3.cloned.1.call-start
scs
__scs_entry_jumppad:
0x0: {  	(pc) =	sbr.rel $0x88, $3  }
0x1: {  	(tag) =	ssettag $0x0;
	lr =	simm.s32 $0x1  }
0x2: {  	[smem:$0x3F9E] =	sst lr;
	_ =	strace $0xD0000000  }
0x3: {  	_ = 	snop  }
0x4: {  	_ = 	snop  }
0x5: {  	_ = 	snop  }
0x6: {  	_ = 	snop  }
0x7: {  	_ = 	snop  }
__scs_overlays_trampoline_lowered:
0x8: {  	[smem:$0x3FAD] =	sst s0  }
0x9: {  	[smem:$0x3FAE] =	sst s1  }
0xa: {  	[smem:$0x3FAF] =	sst s2  }
0xb: {  	[smem:$0x3FB0] =	sst s3  }
0xc: {  	[smem:$0x3FB1] =	sst s4  }
0xd: {  	[smem:$0x3FB2] =	sst s5  }
0xe: {  	[smem:$0x3FB3] =	sst s6  }
0xf: {  	[smem:$0x3FB4] =	sst s7  }
0x10: {  	[smem:$0x3FB5] =	sst s8  }
0x11: {  	[smem:$0x3FB6] =	sst s9;
	s0 =	simm.s32 @!p0 $0x0  }
0x12: {  	s1 =	sld [smem:$0x3F9C];
	s0 =	simm.s32 @p0 $0x1  }
0x13: {  	[smem:$0x3FB7] =	sst s0;
	s0 =	simm.s32 @!p1 $0x0  }
0x14: {  	s2 =	sld [smem:$0x3F9B];
	s0 =	simm.s32 @p1 $0x1  }
0x15: {  	[smem:$0x3FB8] =	sst s0;
	s0 =	simm.s32 @!p2 $0x0  }
0x16: {  	s3 =	sld [smem:$0x3FDB];
	s0 =	simm.s32 @p2 $0x1  }
0x17: {  	s4 =	simm.s32 $0x1BF5;
	[smem:$0x3FBA] =	sst s0  }
0x18: {  	s0 =	sld [smem:$0x3F9D];
	_ =	swait.ge [sflag:s4], $0x0  }
0x19: {  	s7 =	sld [smem:$0x3F9E]  }
0x1a: {  	s8 =	sadd.s32 $0xFFFFE003, lr  }
0x1b: {  	s9 =	sadd.s32 $0xFFFFFEF7, lr;
	s5 =	simm.s32 $0xFFFFFFFF;
	p2 =	slt.u32 s8, $0xFFFFF086  }
0x1c: {  	p1 =	slt.u32 s9, $0xF7A;
	s5 =	simm.s32 @!p2 $0x0  }
0x1d: {  	s5 =	simm.s32 @p1 $0x1;
	p0 =	seq.s32 s7, s2  }
0x1e: {  	s7 =	smul.u32 @!p0 $0xF7A, s2;
	p2 =	seq.s32 @!p0 s5, $0x0  }
0x1f: {  	s9 =	smul.u32 $0xF7A, s1;
	s8 =	simm.s32 @!p0 $0x1BF5;
	p2 =	por !p2, p0  }
0x20: {  	[sflag:s8] =	ssyncset.s32 @!p0 $0xFFFFF086;
	s6 =	sadd.s32 @!p0 s3, s7;
	s7 =	simm.s32 @!p0 $0x108  }
0x21: {  	s3 =	sadd.s32 s3, s9;
	s6 =	sadd.s32 @!p0 $0x88, s6;
	s7 =	simm.s32 @p2 $0x1082  }
0x22: {  	[simem:s7], [sflag:s8] =	dma.local @!p0 [hbm:s6], $0xF7A  }
0x23: {  	s9 =	sor.u32 $0xD0000000, s2;
	s6 =	simm.s32 $0x108;
	_ =	swait.ge @!p0 [sflag:s8], $0x0  }
0x24: {  	s3 =	sadd.s32 $0x88, s3;
	s6 =	simm.s32 @!p1 $0x1082;
	[sflag:s4] =	ssyncset.s32 $0xFFFFF086  }
0x25: {  	[simem:s6], [sflag:s4] =	dma.local [hbm:s3], $0xF7A  }
0x26: {  	[smem:$0x3F9E] =	sst s1;
	(tag) =	ssettag s2;
	_ =	strace s9  }
0x27: {  	s1 =	sld [smem:$0x3FAE]  }
0x28: {  	s2 =	sld [smem:$0x3FAF]  }
0x29: {  	s4 =	sld [smem:$0x3FB1]  }
0x2a: {  	p0 =	seq.s32 s5, $0x0;
	s5 =	sld [smem:$0x3FB2]  }
0x2b: {  	s6 =	sld [smem:$0x3FB3]  }
0x2c: {  	s7 =	sld [smem:$0x3FB4]  }
0x2d: {  	s3 =	simm.s32 $0x108;
	s8 =	sld [smem:$0x3FB5]  }
0x2e: {  	s3 =	simm.s32 @!p0 $0x1082;
	s9 =	sld [smem:$0x3FB6]  }
0x2f: {  	lr =	sadd.s32 s0, s3;
	s0 =	sld [smem:$0x3FAD]  }
0x30: {  	s3 =	sld [smem:$0x3FB0]  }
0x31: {  	[smem:$0x3FB9] =	sst s10  }
0x32: {  	s10 =	sld [smem:$0x3FB7];
	_ =	sdelay $0x3  }
0x33: {  	p0 =	seq.s32 s10, $0x1;
	s10 =	sld [smem:$0x3FB9];
	_ =	sdelay $0x3  }
0x34: {  	[smem:$0x3FB9] =	sst s10  }
0x35: {  	s10 =	sld [smem:$0x3FB8];
	_ =	sdelay $0x3  }
0x36: {  	p1 =	seq.s32 s10, $0x1;
	s10 =	sld [smem:$0x3FB9];
	_ =	sdelay $0x3  }
0x37: {  	[smem:$0x3FB9] =	sst s10  }
0x38: {  	s10 =	sld [smem:$0x3FBA]  }
0x39: {  	_ = 	snop;
	(pc) =	sbr.ind lr, $3  }
0x3a: {  	_ = 	snop  }
0x3b: {  	_ = 	snop  }
0x3c: {  	p2 =	seq.s32 s10, $0x1;
	s10 =	sld [smem:$0x3FB9]  }
0x3d: {  	_ =	shalt  }
0x3e: {  	_ =	shalt  }
0x3f: {  	_ =	shalt  }
0x40: {  	_ =	shalt  }
0x41: {  	_ =	shalt  }
0x42: {  	_ =	shalt  }
0x43: {  	_ =	shalt  }
0x44: {  	_ =	shalt  }
0x45: {  	_ =	shalt  }
0x46: {  	_ =	shalt  }
0x47: {  	_ =	shalt  }
0x48: {  	_ =	shalt  }
0x49: {  	_ =	shalt  }
0x4a: {  	_ =	shalt  }
0x4b: {  	_ =	shalt  }
0x4c: {  	_ =	shalt  }
0x4d: {  	_ =	shalt  }
0x4e: {  	_ =	shalt  }
0x4f: {  	_ =	shalt  }
0x50: {  	_ =	shalt  }
0x51: {  	_ =	shalt  }
0x52: {  	_ =	shalt  }
0x53: {  	_ =	shalt  }
0x54: {  	_ =	shalt  }
0x55: {  	_ =	shalt  }
0x56: {  	_ =	shalt  }
0x57: {  	_ =	shalt  }
0x58: {  	_ =	shalt  }
0x59: {  	_ =	shalt  }
0x5a: {  	_ =	shalt  }
0x5b: {  	_ =	shalt  }
0x5c: {  	_ =	shalt  }
0x5d: {  	_ =	shalt  }
0x5e: {  	_ =	shalt  }
0x5f: {  	_ =	shalt  }
0x60: {  	_ =	shalt  }
0x61: {  	_ =	shalt  }
0x62: {  	_ =	shalt  }
0x63: {  	_ =	shalt  }
0x64: {  	_ =	shalt  }
0x65: {  	_ =	shalt  }
0x66: {  	_ =	shalt  }
0x67: {  	_ =	shalt  }
0x68: {  	_ =	shalt  }
0x69: {  	_ =	shalt  }
0x6a: {  	_ =	shalt  }
0x6b: {  	_ =	shalt  }
0x6c: {  	_ =	shalt  }
0x6d: {  	_ =	shalt  }
0x6e: {  	_ =	shalt  }
0x6f: {  	_ =	shalt  }
0x70: {  	_ =	shalt  }
0x71: {  	_ =	shalt  }
0x72: {  	_ =	shalt  }
0x73: {  	_ =	shalt  }
0x74: {  	_ =	shalt  }
0x75: {  	_ =	shalt  }
0x76: {  	_ =	shalt  }
0x77: {  	_ =	shalt  }
0x78: {  	_ =	shalt  }
0x79: {  	_ =	shalt  }
0x7a: {  	_ =	shalt  }
0x7b: {  	_ =	shalt  }
0x7c: {  	_ =	shalt  }
0x7d: {  	_ =	shalt  }
0x7e: {  	_ =	shalt  }
0x7f: {  	_ =	shalt  }
0x80: {  	_ =	shalt  }
0x81: {  	_ =	shalt  }
0x82: {  	_ =	shalt  }
0x83: {  	_ =	shalt  }
0x84: {  	_ =	shalt  }
0x85: {  	_ =	shalt  }
0x86: {  	_ =	shalt  }
0x87: {  	_ =	shalt  }
.Lfunc_end0:
.L_simem_size_0:
called_computation_lowered:
.L_overlay_start_0:
0x88: {  	s2 =	sld [smem:$0x3FD9]  }
0x89: {  	s3 =	sld [smem:$0x3FFE];
	_ =	sdelay $0x1  }
0x8a: {  	s1 =	srdreg.scid  }
0x8b: {  	s0 =	sand.u32 $0x1, s1  }
0x8c: {  	s18 =	sshll.u32 s0, $0xA;
	s2 =	sadd.s32 s3, s2  }
0x8d: {  	s2 =	sadd.s32 s2, s18  }
0x8e: {  	[smem:$0x3FC5] =	sst s2  }
0x8f: {  	_ = 	snop  }
0x90: {  	s2 =	sld [smem:$0x3FC9]  }
0x91: {  	s19 =	sld [smem:$0x3FC8]  }
0x92: {  	s4 =	sld [smem:$0x3FC7]  }
0x93: {  	s5 =	sld [smem:$0x3FD0];
	(tm) =	ssettm $0x1  }
0x94: {  	s6 =	sld [smem:$0x3FFB];
	_ =	sdelay $0x3  }
0x95: {  	_ =	strace s6  }
0x96: {  	s6 =	sld [smem:$0x3FFC];
	_ =	sdelay $0x3  }
0x97: {  	_ =	strace s6  }
0x98: {  	s6 =	sld [smem:$0x3FFD];
	_ =	sdelay $0x3  }
0x99: {  	_ =	strace s6  }
0x9a: {  	_ =	strace $0x8FFFFFFF  }
0x9b: {  	s20 =	sld [smem:$0x3FDB];
	_ =	sdelay $0x1  }
0x9c: {  	s7 =	simm.s32 $_scs_section_size  }
0x9d: {  	s8 =	simm.s32 $_size__tile_overlayer_lowered;
	s9 =	simm.s32 $_tile_overlayer_lowered  }
0x9e: {  	s23 =	simm.s32 $0x1BFF;
	s22 =	sshll.u32 s9, $0x1;
	s6 =	sadd.s32 s7, s20  }
0x9f: {  	s10 =	simm.s32 $0x0;
	s21 =	sshll.u32 s8, $0x1;
	s8 =	sadd.s32 s22, s6  }
0xa0: {  	[timem:s10], [sflag:s23] =	dma.local [hbm:s8], s21  }
0xa1: {  	_ =	swait.ge [sflag:s23], s21  }
0xa2: {  	s7 =	ssub.s32 $0x0, s21;
	[sflag:s23] =	ssyncset.done $0x0  }
0xa3: {  	[sflag:s23] =	ssyncadd.s32 s7;
	_ =	sdelay $0x1  }
0xa4: {  	s24 =	simm.s32 $0x1B8B  }
0xa5: {  	_ =	swait.ge [sflag:s24], $0x1  }
0xa6: {  	[sflag:s24] =	ssyncset.done $0x0  }
0xa7: {  	s25 =	simm.s32 $0x1B8E;
	[sflag:s24] =	ssyncadd.s32 $0xFFFFFFFF  }
0xa8: {  	s26 =	simm.s32 $execute0_lowered;
	[smem:$0x3FD2] =	sst s25  }
0xa9: {  	s7 =	sshll.u32 s26, $0x1;
	_ =	strace $0x80000046;
	[dreg:$0x1] =	wrdreg $0xFFFFFFFF  }
0xaa: {  	s28 =	simm.s32 $_size_execute0_lowered;
	s6 =	sadd.s32 s6, s7;
	[dreg:$0x0] =	wrdreg $0x0  }
0xab: {  	s7 =	sshll.u32 s28, $0x1;
	[dreg:$0x2] =	wrdreg s6  }
0xac: {  	[dreg:$0x3] =	wrdreg s7  }
0xad: {  	[dreg:$0x4] =	wrdreg $0xC0  }
0xae: {  	_ =	task [dreg:s10], $0x5FFFF  }
0xaf: {  	[dreg:$0x1] =	wrdreg $0xFFFFFFFF  }
0xb0: {  	[dreg:$0x0] =	wrdreg $0x60  }
0xb1: {  	[dreg:$0x2] =	wrdreg s19  }
0xb2: {  	[dreg:$0x3] =	wrdreg s2  }
0xb3: {  	[dreg:$0x4] =	wrdreg s4  }
0xb4: {  	[dreg:$0x5] =	wrdreg s5  }
0xb5: {  	[dreg:$0x6] =	wrdreg $0x9  }
0xb6: {  	_ =	task.clear_ibuf [dreg:s10], $0x7FFFF;
	_ =	strace $0x90000046  }
0xb7: {  	s29 =	simm.s32 $0x9;
	_ =	strace $0x80000048  }
0xb8: {  	_ =	swait.ge [sflag:s29], $0x1  }
0xb9: {  	[sflag:s29] =	ssyncadd.s32 $0xFFFFFFFF  }
0xba: {  	_ =	strace $0x90000048  }
0xbb: {  	_ =	sfence  }
0xbc: {  	s30 =	sld [smem:$0x0];
	_ =	sdelay $0x2  }
0xbd: {  	s31 =	sshll.u32 s1, $0xD;
	s1 =	sshrl.u32 s1, $0x2  }
0xbe: {  	s3 =	sand.u32 $0x4000, s31;
	s1 =	sadd.s32 s1, s30  }
0xbf: {  	s0 =	sor.u32 s3, s0;
	s1 =	sshll.u32 s1, $0x11  }
0xc0: {  	s0 =	sor.u32 s1, s0  }
0xc1: {  	s0 =	sadd.s32 $0x8F2B, s0  }
0xc2: {  	[sflag:s0] =	ssyncadd.remote.s32 $0x1  }
0xc3: {  	_ =	sfence.sel $0xFFFF  }
0xc4: {  	[dreg:$0x0] =	wrdreg $0xFFFFFFFF;
	(pc) =	sbr.abs _section_cstart, $3  }
0xc5: {  	[dreg:$0x1] =	wrdreg $0xFFFFFFFF  }
0xc6: {  	_ =	task.clear_ibuf [dreg:s10], $0x2FFFF;
	_ =	strace $0x9FFFFFFF  }
0xc7: {  	(tm) =	ssettm $0x7FFFFFFF  }
tec
execute0_lowered:
.L_overlay_start_1:
0x0: {  	(tag) =	ssettag $0x1  }
0x1: {  	s0 =	rddreg [dreg:$0x1]  }
0x2: {  	s3 =	rddreg [dreg:$0x2];
	s1 =	srdreg.scid  }
0x3: {  	s4 =	stileid.u32;
	s2 =	rddreg [dreg:$0x3];
	s13 =	simm.s32 $0x1200  }
0x4: {  	s14 =	simm.s32 $0x5200;
	s15 =	simm.s32 $0x9200;
	s16 =	simm.s32 $0xD200  }
0x5: {  	s17 =	simm.s32 $0x1;
	s1 =	sand.u32 $0x1, s1;
	s5 =	sshll.u32 s4, $0x1  }
0x6: {  	s18 =	simm.s32 $0x11200;
	s19 =	simm.s32 $0x2;
	s7 =	sor.u32 s1, s5  }
0x7: {  	s28 =	simm.s32 $0x6;
	s29 =	simm.s32 $0xA;
	s6 =	sshll.u32 s7, $0xB  }
0x8: {  	s4 =	simm.s32 $0x0;
	s5 =	sadd.s32 s2, s6;
	s6 =	sadd.s32 s0, s6  }
0x9: {  	s30 =	simm.s32 $0x7;
	[smem:$0x7FF] =	sst s4;
	s21 =	sadd.s32 $0x10000, s6  }
0xa: {  	_ =	strace $0x80000047;
	s20 =	sadd.s32 $0x10000, s5;
	[dreg:$0x8] =	wrdreg s21  }
0xb: {  	s31 =	simm.s32 $0xB;
	s23 =	sadd.s32 $0x20000, s6;
	[dreg:$0x5] =	wrdreg s20  }
0xc: {  	s1 =	ssub.s32 $0x2, s1;
	s22 =	sadd.s32 $0x20000, s5;
	[dreg:$0x9] =	wrdreg s23  }
0xd: {  	v0 =	vlaneseq.u32;
	s8 =	sshrl.u32 s1, $0x1;
	s25 =	sadd.s32 $0x30000, s6;
	[dreg:$0x6] =	wrdreg s22  }
0xe: {  	v0 =	vmul.u32 $0x81, v0;
	s1 =	ssub.s32 s1, s8;
	s24 =	sadd.s32 $0x30000, s5;
	[dreg:$0xa] =	wrdreg s25  }
0xf: {  	v2 =	vimm.s32 $0xFFFFFFFF;
	s2 =	simm.s32 $0x0;
	s26 =	smax.u32 s1, $0x1;
	[dreg:$0x7] =	wrdreg s24  }
0x10: {  	v3 =	vimm.f32 $0.0e+00;
	v1 =	vmov s7;
	v4 =	vadd.s32 $0x810, v0;
	s1 =	simm.s32 $0x1080;
	[dreg:$0xb] =	wrdreg s26;
	s20 =	simm.s32 $0x15200  }
0x11: {  	v5 =	vadd.s32 $0x1020, v0;
	v6 =	vadd.s32 $0x1830, v0;
	v7 =	vadd.s32 $0x2040, v0;
	s21 =	simm.s32 $0x3;
	s22 =	simm.s32 $0x19200;
	s23 =	simm.s32 $0x4  }
0x12: {  	v8 =	vadd.s32 $0x2850, v0;
	v9 =	vadd.s32 $0x3060, v0;
	v10 =	vadd.s32 $0x3870, v0;
	s24 =	simm.s32 $0x8;
	s25 =	simm.s32 $0x5;
	s26 =	simm.s32 $0x9  }
.LBB2_1:
0x13: {  	[dreg:$0xc] =	wrdreg s2  }
0x14: {  	s0 =	rddreg [dreg:$0x0];
	s12 =	simm.s32 $0xF  }
0x15: {  	[tilespmem:s4], [sflag:$0xF] =	stream.linear.gather [hbm4b:s0+s4], $0x1000, $0x38;
	[tilespmem:$0x1D200] =	vst v63  }
0x16: {  	_ =	swait.ge [sflag:s12], $0x1000  }
0x17: {  	[sflag:s12] =	ssyncset.done $0x0  }
0x18: {  	[sflag:s12] =	ssyncadd.s32 $0xFFFFF000  }
0x19: {  	[tilespmem:$0x1080] =	vst v2  }
0x1a: {  	[tilespmem:$0x1090] =	vst v2  }
0x1b: {  	[tilespmem:$0x10A0] =	vst v2  }
0x1c: {  	[tilespmem:$0x10B0] =	vst v2  }
0x1d: {  	[tilespmem:$0x10C0] =	vst v2  }
0x1e: {  	[tilespmem:$0x10D0] =	vst v2  }
0x1f: {  	[tilespmem:$0x10E0] =	vst v2  }
0x20: {  	[tilespmem:$0x10F0] =	vst v2  }
0x21: {  	[tilespmem:$0x1100] =	vst v2  }
0x22: {  	[tilespmem:$0x1110] =	vst v2  }
0x23: {  	[tilespmem:$0x1120] =	vst v2  }
0x24: {  	[tilespmem:$0x1130] =	vst v2  }
.Ltmp0:
0x25: {  	[tilespmem:$0x1140] =	vst v2;
	(pc) =	sbr.rel .LBB2_2-.Ltmp0, $4  }
0x26: {  	[tilespmem:$0x1150] =	vst v2  }
0x27: {  	[tilespmem:$0x1160] =	vst v2  }
0x28: {  	[tilespmem:$0x1170] =	vst v2  }
0x29: {  	s0 =	simm.s32 $0x0;
	[tilespmem:$0x1180] =	vst v2  }
.LBB2_4:
0x2a: {  	s0 =	sadd.s32 $0x1, s0  }
0x2b: {  	p0 =	sne.s32 s0, $0x100  }
.Ltmp1:
0x2c: {  	_ = 	snop;
	(pc) =	sbr.rel @!p0 .LBB2_5-.Ltmp1, $1  }
0x2d: {  	_ =	sdelay $0x3  }
.LBB2_2:
0x2e: {  	s2 =	sshll.u32 s0, $0x4  }
0x2f: {  	v11 =	vld [tilespmem:s2+$0x0];
	_ =	sdelay $0x4  }
0x30: {  	v12 =	vand.u32 $0x1F, v11  }
0x31: {  	vm0 =	veq.s32 v12, v1  }
0x32: {  	v13 =	vsel vm0, $0x3F800000, v3  }
0x33: {  	(xrf0) =	vmax.scan.msk.f32 $0xffff, v13;
	_ =	sdelay $0x5  }
0x34: {  	v13, _, _ =	vpop (xrf0)  }
0x35: {  	(v2sf) =	vpush v13, $0xF;
	_ =	sdelay $0xe  }
0x36: {  	s8 =	spop (v2sf)  }
0x37: {  	p0 =	sgt.f32 s8, $0.0e+00;
	_ =	sdelay $0x1  }
0x38: {  	vm1 =	veq.s32 @p0 v12, v1  }
0x39: {  	v11 =	vshrl.u32 @p0 v11, $0x5;
	_ =	sdelay $0x2  }
0x3a: {  	v12 =	vlaneseq.u32 @p0  }
0x3b: {  	v12 =	vor.u32 @p0 s2, v12;
	s2 =	simm.s32 @p0 $0x1080  }
0x3c: {  	[tilespmem:v11+s2+$0x0] =	vst.idx.msk @p0 vm1, v12  }
0x3d: {  	v13 =	vld.idx.msk @p0 [tilespmem:v11+s2+$0x0], vm1;
	_ =	sdelay $0x4  }
0x3e: {  	vm2 =	vgt.s32 @p0 v12, v13  }
0x3f: {  	v13 =	vimm.f32 @p0 $0.0e+00;
	vm1 =	vmand @p0 vm1, vm2  }
0x40: {  	v13 =	vsel @p0 vm1, $0x3F800000, v13  }
0x41: {  	(xrf0) =	vmax.scan.msk.f32 @p0 $0xffff, v13;
	_ =	sdelay $0x5  }
0x42: {  	v13, _, _ =	vpop @p0 (xrf0)  }
0x43: {  	(v2sf) =	vpush @p0 v13, $0xF;
	_ =	sdelay $0xe  }
0x44: {  	s2 =	spop @p0 (v2sf)  }
0x45: {  	p1 =	sgt.f32 @p0 s2, $0.0e+00;
	_ =	sdelay $0x1  }
0x46: {  	p0 =	por !p0, !p1  }
.Ltmp2:
0x47: {  	_ = 	snop;
	(pc) =	sbr.rel @p0 .LBB2_4-.Ltmp2, $1  }
0x48: {  	_ =	sdelay $0x3  }
.LBB2_3:
0x49: {  	[tilespmem:v11+s1+$0x0] =	vst.idx.msk vm1, v12  }
0x4a: {  	v13 =	vld.idx.msk [tilespmem:v11+s1+$0x0], vm0;
	_ =	sdelay $0x4  }
0x4b: {  	vm1 =	vgt.s32 v12, v13  }
0x4c: {  	vm1 =	vmand vm0, vm1  }
0x4d: {  	v13 =	vsel vm1, $0x3F800000, v3  }
0x4e: {  	(xrf0) =	vmax.scan.msk.f32 $0xffff, v13;
	_ =	sdelay $0x5  }
0x4f: {  	v13, _, _ =	vpop (xrf0)  }
0x50: {  	(v2sf) =	vpush v13, $0xF;
	_ =	sdelay $0xe  }
0x51: {  	s2 =	spop (v2sf)  }
0x52: {  	p0 =	sgt.f32 s2, $0.0e+00  }
.Ltmp3:
0x53: {  	_ = 	snop;
	(pc) =	sbr.rel @p0 .LBB2_3-.Ltmp3, $1  }
0x54: {  	_ =	sdelay $0x3  }
.Ltmp4:
0x55: {  	_ = 	snop;
	(pc) =	sbr.rel .LBB2_4-.Ltmp4, $1  }
0x56: {  	_ =	sdelay $0x3  }
.LBB2_5:
0x57: {  	s2 =	simm.s32 $0x100  }
0x58: {  	v11 =	vld.msk [tilespmem:$0x117F ss:$0x0], $0xffff;
	s0 =	simm.s32 $0x101;
	v12 =	vmov s2  }
.LBB2_6:
0x59: {  	p0 =	sne.s32 s0, $0x109  }
.Ltmp5:
0x5a: {  	_ = 	snop;
	(pc) =	sbr.rel @p0 .LBB2_6-.Ltmp5, $3  }
0x5b: {  	_ =	sdelay $0x1  }
0x5c: {  	[tilespmem:v12+s1+$0x0] =	vst.idx.msk $0x1, v11;
	s2 =	smov.u32 s0;
	s0 =	sadd.s32 $0x1, s0  }
0x5d: {  	v12 =	vmov s2  }
0x5e: {  	_ =	sdelay $0x3  }
0x5f: {  	[tilespmem:v12+s1+$0x0] =	vst.idx.msk $0x1, v11  }
0x60: {  	v11 =	vld [tilespmem:$0x1080];
	_ =	sdelay $0x4  }
0x61: {  	(v2sf) =	vpush v11, $0x0;
	_ =	sdelay $0xe  }
0x62: {  	s0 =	spop (v2sf)  }
0x63: {  	s2 =	sshll.u32 s0, $0xB  }
0x64: {  	s2 =	sand.u32 $0x1FFFF800, s2  }
0x65: {  	p0 =	slt.s32 s0, $0x0;
	s2 =	sadd.s32 s3, s2  }
0x66: {  	s0 =	simm.s32 $0x0;
	s2 =	smov.u32 @p0 s6  }
0x67: {  	[tilespmem:s13], [sflag:$0x1] =	stream.linear.gather [hbm4b:s2+s0], $0x4000, $0x38;
	[tilespmem:$0x1D200] =	vst v63  }
0x68: {  	v11 =	vld [tilespmem:$0x1081];
	_ =	sdelay $0x4  }
0x69: {  	(v2sf) =	vpush v11, $0x0;
	_ =	sdelay $0xe  }
0x6a: {  	s11 =	spop (v2sf)  }
0x6b: {  	s8 =	sshll.u32 s11, $0xB  }
0x6c: {  	s8 =	sand.u32 $0x1FFFF800, s8  }
0x6d: {  	s1 =	rddreg [dreg:$0x8];
	p0 =	slt.s32 s11, $0x0;
	s8 =	sadd.s32 s3, s8  }
0x6e: {  	s8 =	smov.u32 @p0 s1  }
0x6f: {  	[tilespmem:s14], [sflag:$0x2] =	stream.linear.gather [hbm4b:s8+s0], $0x4000, $0x38;
	[tilespmem:$0x1D200] =	vst v63  }
0x70: {  	v11 =	vld [tilespmem:$0x1082];
	_ =	sdelay $0x4  }
0x71: {  	(v2sf) =	vpush v11, $0x0;
	_ =	sdelay $0xe  }
0x72: {  	s12 =	spop (v2sf)  }
0x73: {  	s1 =	sshll.u32 s12, $0xB  }
0x74: {  	s8 =	sand.u32 $0x1FFFF800, s1  }
0x75: {  	p0 =	slt.s32 s12, $0x0;
	s1 =	rddreg [dreg:$0x9];
	s8 =	sadd.s32 s3, s8  }
0x76: {  	s8 =	smov.u32 @p0 s1  }
0x77: {  	[tilespmem:s15], [sflag:$0x3] =	stream.linear.gather [hbm4b:s8+s0], $0x4000, $0x38;
	[tilespmem:$0x1D200] =	vst v63  }
0x78: {  	v11 =	vld [tilespmem:$0x1083];
	_ =	sdelay $0x4  }
0x79: {  	(v2sf) =	vpush v11, $0x0;
	_ =	sdelay $0xe  }
0x7a: {  	s7 =	spop (v2sf)  }
0x7b: {  	s9 =	sshll.u32 s7, $0xB  }
0x7c: {  	s8 =	sand.u32 $0x1FFFF800, s9  }
0x7d: {  	s1 =	rddreg [dreg:$0xa];
	p0 =	slt.s32 s7, $0x0;
	s8 =	sadd.s32 s3, s8  }
0x7e: {  	s8 =	smov.u32 @p0 s1  }
0x7f: {  	[tilespmem:s16], [sflag:$0x4] =	stream.linear.gather [hbm4b:s8+s0], $0x4000, $0x38;
	[tilespmem:$0x1D200] =	vst v63  }
0x80: {  	_ =	swait.ge [sflag:s17], $0x4000  }
0x81: {  	[sflag:s17] =	ssyncset.done $0x0  }
0x82: {  	[sflag:s17] =	ssyncadd.s32 $0xFFFFC000  }
0x83: {  	[tilespmem:v0+s13+$0x0] =	vst.idx.msk $0xffff, v3  }
0x84: {  	[tilespmem:v4+s13+$0x0] =	vst.idx.msk $0xffff, v3  }
0x85: {  	[tilespmem:v5+s13+$0x0] =	vst.idx.msk $0xffff, v3  }
0x86: {  	[tilespmem:v6+s13+$0x0] =	vst.idx.msk $0xffff, v3  }
0x87: {  	[tilespmem:v7+s13+$0x0] =	vst.idx.msk $0xffff, v3  }
0x88: {  	s10 =	smin.u32 s0, $0xFF;
	[tilespmem:v8+s13+$0x0] =	vst.idx.msk $0xffff, v3  }
0x89: {  	s2 =	sshll.u32 s10, $0x10;
	p0 =	por $0x1, $0x1;
	[tilespmem:v9+s13+$0x0] =	vst.idx.msk $0xffff, v3  }
0x8a: {  	s2 =	sadd.s32 s2, s5;
	s9 =	simm.s32 @!p0 $0xC;
	[tilespmem:v10+s13+$0x0] =	vst.idx.msk $0xffff, v3  }
0x8b: {  	[hbm4b:s2+s4] =	stream.linear.scatter [tilespmem:s13], [sflag:$0x8], $0x4000, $0x38;
	[tilespmem:$0x1D200] =	vst v63  }
0x8c: {  	_ =	swait.ge @!p0 [sflag:s9], $0x4000  }
0x8d: {  	[sflag:s9] =	ssyncset.done @!p0 $0x0  }
0x8e: {  	s8 =	simm.s32 $0x1085;
	[sflag:s9] =	ssyncadd.s32 @!p0 $0xFFFFC000  }
0x8f: {  	v11 =	vld [tilespmem:s8+$0xFFFFFFFF];
	_ =	sdelay $0x4  }
0x90: {  	(v2sf) =	vpush v11, $0x0;
	_ =	sdelay $0xe  }
0x91: {  	s9 =	spop (v2sf)  }
0x92: {  	s2 =	simm.s32 $0x4;
	p1 =	slt.s32 s9, $0x0  }
0x93: {  	s10 =	smin.u32 @p1 s2, $0xFF;
	s9 =	sshll.u32 @!p1 s9, $0xB  }
0x94: {  	s10 =	sshll.u32 @p1 s10, $0x10;
	s9 =	sand.u32 @!p1 $0x1FFFF800, s9  }
0x95: {  	s10 =	sadd.s32 @p1 s10, s6;
	s9 =	sadd.s32 @!p1 s3, s9  }
0x96: {  	s9 =	smov.u32 @p1 s10  }
0x97: {  	[tilespmem:s18], [sflag:$0x5] =	stream.linear.gather [hbm4b:s9+s4], $0x4000, $0x38;
	[tilespmem:$0x1D200] =	vst v63  }
0x98: {  	_ =	swait.ge [sflag:s19], $0x4000  }
0x99: {  	[sflag:s19] =	ssyncset.done $0x0  }
0x9a: {  	[sflag:s19] =	ssyncadd.s32 $0xFFFFC000  }
0x9b: {  	[tilespmem:v0+s14+$0x0] =	vst.idx.msk $0xffff, v3  }
0x9c: {  	[tilespmem:v4+s14+$0x0] =	vst.idx.msk $0xffff, v3  }
0x9d: {  	[tilespmem:v5+s14+$0x0] =	vst.idx.msk $0xffff, v3  }
0x9e: {  	[tilespmem:v6+s14+$0x0] =	vst.idx.msk $0xffff, v3  }
0x9f: {  	[tilespmem:v7+s14+$0x0] =	vst.idx.msk $0xffff, v3  }
0xa0: {  	s12 =	smin.u32 s0, $0xFE;
	[tilespmem:v8+s14+$0x0] =	vst.idx.msk $0xffff, v3  }
0xa1: {  	s10 =	sshll.u32 s12, $0x10;
	s11 =	rddreg [dreg:$0x5];
	[tilespmem:v9+s14+$0x0] =	vst.idx.msk $0xffff, v3  }
0xa2: {  	s9 =	sadd.s32 s10, s11;
	s10 =	simm.s32 @!p0 $0xD;
	[tilespmem:v10+s14+$0x0] =	vst.idx.msk $0xffff, v3  }
0xa3: {  	[hbm4b:s9+s4] =	stream.linear.scatter [tilespmem:s14], [sflag:$0x9], $0x4000, $0x38;
	[tilespmem:$0x1D200] =	vst v63  }
0xa4: {  	_ =	swait.ge @!p0 [sflag:s10], $0x4000  }
0xa5: {  	[sflag:s10] =	ssyncset.done @!p0 $0x0  }
0xa6: {  	[sflag:s10] =	ssyncadd.s32 @!p0 $0xFFFFC000  }
0xa7: {  	v11 =	vld [tilespmem:s8+$0x0];
	_ =	sdelay $0x4  }
0xa8: {  	(v2sf) =	vpush v11, $0x0;
	_ =	sdelay $0xe  }
0xa9: {  	s9 =	spop (v2sf)  }
0xaa: {  	s10 =	simm.s32 $0x5;
	p1 =	slt.s32 s9, $0x0  }
0xab: {  	s11 =	smin.u32 @p1 s10, $0xFF;
	s9 =	sshll.u32 @!p1 s9, $0xB  }
0xac: {  	s11 =	sshll.u32 @p1 s11, $0x10;
	s9 =	sand.u32 @!p1 $0x1FFFF800, s9  }
0xad: {  	s11 =	sadd.s32 @p1 s11, s6;
	s9 =	sadd.s32 @!p1 s3, s9  }
0xae: {  	s9 =	smov.u32 @p1 s11  }
0xaf: {  	[tilespmem:s20], [sflag:$0x6] =	stream.linear.gather [hbm4b:s9+s4], $0x4000, $0x38;
	[tilespmem:$0x1D200] =	vst v63  }
0xb0: {  	_ =	swait.ge [sflag:s21], $0x4000  }
0xb1: {  	[sflag:s21] =	ssyncset.done $0x0  }
0xb2: {  	[sflag:s21] =	ssyncadd.s32 $0xFFFFC000  }
0xb3: {  	[tilespmem:v0+s15+$0x0] =	vst.idx.msk $0xffff, v3  }
0xb4: {  	[tilespmem:v4+s15+$0x0] =	vst.idx.msk $0xffff, v3  }
0xb5: {  	[tilespmem:v5+s15+$0x0] =	vst.idx.msk $0xffff, v3  }
0xb6: {  	[tilespmem:v6+s15+$0x0] =	vst.idx.msk $0xffff, v3  }
0xb7: {  	[tilespmem:v7+s15+$0x0] =	vst.idx.msk $0xffff, v3  }
0xb8: {  	s7 =	smin.u32 s0, $0xFD;
	[tilespmem:v8+s15+$0x0] =	vst.idx.msk $0xffff, v3  }
0xb9: {  	s11 =	sshll.u32 s7, $0x10;
	s1 =	rddreg [dreg:$0x6];
	[tilespmem:v9+s15+$0x0] =	vst.idx.msk $0xffff, v3  }
0xba: {  	s9 =	sadd.s32 s11, s1;
	s11 =	simm.s32 @!p0 $0xE;
	[tilespmem:v10+s15+$0x0] =	vst.idx.msk $0xffff, v3  }
0xbb: {  	[hbm4b:s9+s4] =	stream.linear.scatter [tilespmem:s15], [sflag:$0xA], $0x4000, $0x38;
	[tilespmem:$0x1D200] =	vst v63  }
0xbc: {  	_ =	swait.ge @!p0 [sflag:s11], $0x4000  }
0xbd: {  	[sflag:s11] =	ssyncset.done @!p0 $0x0  }
0xbe: {  	[sflag:s11] =	ssyncadd.s32 @!p0 $0xFFFFC000  }
0xbf: {  	v11 =	vld [tilespmem:s8+$0x1];
	_ =	sdelay $0x4  }
0xc0: {  	(v2sf) =	vpush v11, $0x0;
	_ =	sdelay $0xe  }
0xc1: {  	s9 =	spop (v2sf)  }
0xc2: {  	s11 =	simm.s32 $0x6;
	p0 =	slt.s32 s9, $0x0  }
0xc3: {  	s1 =	smin.u32 @p0 s11, $0xFF;
	s9 =	sshll.u32 @!p0 s9, $0xB  }
0xc4: {  	s1 =	sshll.u32 @p0 s1, $0x10;
	s9 =	sand.u32 @!p0 $0x1FFFF800, s9  }
0xc5: {  	s1 =	sadd.s32 @p0 s1, s6;
	s9 =	sadd.s32 @!p0 s3, s9  }
0xc6: {  	s9 =	smov.u32 @p0 s1  }
0xc7: {  	[tilespmem:s22], [sflag:$0x7] =	stream.linear.gather [hbm4b:s9+s4], $0x4000, $0x38;
	[tilespmem:$0x1D200] =	vst v63  }
0xc8: {  	_ =	swait.ge [sflag:s23], $0x4000  }
0xc9: {  	[sflag:s23] =	ssyncset.done $0x0  }
0xca: {  	[sflag:s23] =	ssyncadd.s32 $0xFFFFC000  }
0xcb: {  	[tilespmem:v0+s16+$0x0] =	vst.idx.msk $0xffff, v3  }
0xcc: {  	[tilespmem:v4+s16+$0x0] =	vst.idx.msk $0xffff, v3  }
0xcd: {  	[tilespmem:v5+s16+$0x0] =	vst.idx.msk $0xffff, v3  }
0xce: {  	[tilespmem:v6+s16+$0x0] =	vst.idx.msk $0xffff, v3  }
0xcf: {  	[tilespmem:v7+s16+$0x0] =	vst.idx.msk $0xffff, v3  }
0xd0: {  	s0 =	smin.u32 s0, $0xFC;
	[tilespmem:v8+s16+$0x0] =	vst.idx.msk $0xffff, v3  }
0xd1: {  	s0 =	sshll.u32 s0, $0x10;
	s12 =	rddreg [dreg:$0x7];
	[tilespmem:v9+s16+$0x0] =	vst.idx.msk $0xffff, v3  }
0xd2: {  	s0 =	sadd.s32 s0, s12;
	[tilespmem:v10+s16+$0x0] =	vst.idx.msk $0xffff, v3  }
0xd3: {  	[hbm4b:s0+s4] =	stream.linear.scatter [tilespmem:s16], [sflag:$0xB], $0x4000, $0x38;
	[tilespmem:$0x1D200] =	vst v63  }
0xd4: {  	_ =	swait.ge [sflag:s24], $0x4000  }
0xd5: {  	[sflag:s24] =	ssyncset.done $0x0  }
0xd6: {  	[sflag:s24] =	ssyncadd.s32 $0xFFFFC000  }
0xd7: {  	v11 =	vld [tilespmem:s8+$0x2];
	_ =	sdelay $0x4  }
0xd8: {  	(v2sf) =	vpush v11, $0x0;
	_ =	sdelay $0xe  }
0xd9: {  	s0 =	spop (v2sf)  }
0xda: {  	s9 =	simm.s32 $0x7;
	p0 =	slt.s32 s0, $0x0  }
0xdb: {  	s1 =	smin.u32 @p0 s9, $0xFF;
	s0 =	sshll.u32 @!p0 s0, $0xB  }
0xdc: {  	s1 =	sshll.u32 @p0 s1, $0x10;
	s0 =	sand.u32 @!p0 $0x1FFFF800, s0  }
0xdd: {  	s1 =	sadd.s32 @p0 s1, s6;
	s0 =	sadd.s32 @!p0 s3, s0  }
0xde: {  	s0 =	smov.u32 @p0 s1  }
0xdf: {  	[tilespmem:s13], [sflag:$0x1] =	stream.linear.gather [hbm4b:s0+s4], $0x4000, $0x38;
	[tilespmem:$0x1D200] =	vst v63  }
0xe0: {  	_ =	swait.ge [sflag:s25], $0x4000  }
0xe1: {  	[sflag:s25] =	ssyncset.done $0x0  }
0xe2: {  	[sflag:s25] =	ssyncadd.s32 $0xFFFFC000  }
0xe3: {  	[tilespmem:v0+s18+$0x0] =	vst.idx.msk $0xffff, v3  }
0xe4: {  	[tilespmem:v4+s18+$0x0] =	vst.idx.msk $0xffff, v3  }
0xe5: {  	[tilespmem:v5+s18+$0x0] =	vst.idx.msk $0xffff, v3  }
0xe6: {  	[tilespmem:v6+s18+$0x0] =	vst.idx.msk $0xffff, v3  }
0xe7: {  	[tilespmem:v7+s18+$0x0] =	vst.idx.msk $0xffff, v3  }
0xe8: {  	s7 =	smin.u32 s2, $0xFF;
	[tilespmem:v8+s18+$0x0] =	vst.idx.msk $0xffff, v3  }
0xe9: {  	s0 =	sshll.u32 s7, $0x10;
	[tilespmem:v9+s18+$0x0] =	vst.idx.msk $0xffff, v3  }
0xea: {  	s0 =	sadd.s32 s0, s5;
	[tilespmem:v10+s18+$0x0] =	vst.idx.msk $0xffff, v3  }
0xeb: {  	[hbm4b:s0+s4] =	stream.linear.scatter [tilespmem:s18], [sflag:$0xC], $0x4000, $0x38;
	[tilespmem:$0x1D200] =	vst v63  }
0xec: {  	_ =	swait.ge [sflag:s26], $0x4000  }
0xed: {  	[sflag:s26] =	ssyncset.done $0x0  }
0xee: {  	[sflag:s26] =	ssyncadd.s32 $0xFFFFC000  }
0xef: {  	v11 =	vld [tilespmem:s8+$0x3];
	_ =	sdelay $0x4  }
0xf0: {  	(v2sf) =	vpush v11, $0x0;
	_ =	sdelay $0xe  }
0xf1: {  	s0 =	spop (v2sf)  }
0xf2: {  	s1 =	simm.s32 $0x8;
	p0 =	slt.s32 s0, $0x0  }
0xf3: {  	s1 =	smin.u32 @p0 s1, $0xFF;
	s0 =	sshll.u32 @!p0 s0, $0xB  }
0xf4: {  	s1 =	sshll.u32 @p0 s1, $0x10;
	s0 =	sand.u32 @!p0 $0x1FFFF800, s0  }
0xf5: {  	s1 =	sadd.s32 @p0 s1, s6;
	s0 =	sadd.s32 @!p0 s3, s0  }
0xf6: {  	s0 =	smov.u32 @p0 s1  }
0xf7: {  	[tilespmem:s14], [sflag:$0x2] =	stream.linear.gather [hbm4b:s0+s4], $0x4000, $0x38;
	[tilespmem:$0x1D200] =	vst v63  }
0xf8: {  	_ =	swait.ge [sflag:s28], $0x4000  }
0xf9: {  	[sflag:s28] =	ssyncset.done $0x0  }
0xfa: {  	[sflag:s28] =	ssyncadd.s32 $0xFFFFC000  }
0xfb: {  	[tilespmem:v0+s20+$0x0] =	vst.idx.msk $0xffff, v3  }
0xfc: {  	[tilespmem:v4+s20+$0x0] =	vst.idx.msk $0xffff, v3  }
0xfd: {  	[tilespmem:v5+s20+$0x0] =	vst.idx.msk $0xffff, v3  }
0xfe: {  	[tilespmem:v6+s20+$0x0] =	vst.idx.msk $0xffff, v3  }
0xff: {  	[tilespmem:v7+s20+$0x0] =	vst.idx.msk $0xffff, v3  }
0x100: {  	s10 =	smin.u32 s10, $0xFF;
	[tilespmem:v8+s20+$0x0] =	vst.idx.msk $0xffff, v3  }
0x101: {  	s0 =	sshll.u32 s10, $0x10;
	[tilespmem:v9+s20+$0x0] =	vst.idx.msk $0xffff, v3  }
0x102: {  	s0 =	sadd.s32 s0, s5;
	[tilespmem:v10+s20+$0x0] =	vst.idx.msk $0xffff, v3  }
0x103: {  	[hbm4b:s0+s4] =	stream.linear.scatter [tilespmem:s20], [sflag:$0xD], $0x4000, $0x38;
	[tilespmem:$0x1D200] =	vst v63  }
0x104: {  	_ =	swait.ge [sflag:s29], $0x4000  }
0x105: {  	[sflag:s29] =	ssyncset.done $0x0  }
0x106: {  	[sflag:s29] =	ssyncadd.s32 $0xFFFFC000  }
0x107: {  	v11 =	vld [tilespmem:s8+$0x4];
	_ =	sdelay $0x4  }
0x108: {  	(v2sf) =	vpush v11, $0x0;
	_ =	sdelay $0xe  }
0x109: {  	s0 =	spop (v2sf)  }
0x10a: {  	s1 =	simm.s32 $0x9;
	p0 =	slt.s32 s0, $0x0  }
0x10b: {  	s1 =	smin.u32 @p0 s1, $0xFF;
	s0 =	sshll.u32 @!p0 s0, $0xB  }
0x10c: {  	s1 =	sshll.u32 @p0 s1, $0x10;
	s0 =	sand.u32 @!p0 $0x1FFFF800, s0  }
0x10d: {  	s1 =	sadd.s32 @p0 s1, s6;
	s0 =	sadd.s32 @!p0 s3, s0  }
0x10e: {  	s0 =	smov.u32 @p0 s1  }
0x10f: {  	[tilespmem:s15], [sflag:$0x3] =	stream.linear.gather [hbm4b:s0+s4], $0x4000, $0x38;
	[tilespmem:$0x1D200] =	vst v63  }
0x110: {  	_ =	swait.ge [sflag:s30], $0x4000  }
0x111: {  	[sflag:s30] =	ssyncset.done $0x0  }
0x112: {  	[sflag:s30] =	ssyncadd.s32 $0xFFFFC000  }
0x113: {  	[tilespmem:v0+s22+$0x0] =	vst.idx.msk $0xffff, v3  }
0x114: {  	[tilespmem:v4+s22+$0x0] =	vst.idx.msk $0xffff, v3  }
0x115: {  	[tilespmem:v5+s22+$0x0] =	vst.idx.msk $0xffff, v3  }
0x116: {  	[tilespmem:v6+s22+$0x0] =	vst.idx.msk $0xffff, v3  }
0x117: {  	[tilespmem:v7+s22+$0x0] =	vst.idx.msk $0xffff, v3  }
0x118: {  	s12 =	smin.u32 s11, $0xFF;
	[tilespmem:v8+s22+$0x0] =	vst.idx.msk $0xffff, v3  }
0x119: {  	s0 =	sshll.u32 s12, $0x10;
	[tilespmem:v9+s22+$0x0] =	vst.idx.msk $0xffff, v3  }
0x11a: {  	s0 =	sadd.s32 s0, s5;
	[tilespmem:v10+s22+$0x0] =	vst.idx.msk $0xffff, v3  }
0x11b: {  	[hbm4b:s0+s4] =	stream.linear.scatter [tilespmem:s22], [sflag:$0xE], $0x4000, $0x38;
	[tilespmem:$0x1D200] =	vst v63  }
0x11c: {  	_ =	swait.ge [sflag:s31], $0x4000  }
0x11d: {  	[sflag:s31] =	ssyncset.done $0x0  }
0x11e: {  	[sflag:s31] =	ssyncadd.s32 $0xFFFFC000  }
0x11f: {  	v11 =	vld [tilespmem:s8+$0x5];
	_ =	sdelay $0x4  }
0x120: {  	(v2sf) =	vpush v11, $0x0;
	_ =	sdelay $0xe  }
0x121: {  	s0 =	spop (v2sf)  }
0x122: {  	s1 =	simm.s32 $0xA;
	p1 =	slt.s32 s0, $0x0  }
0x123: {  	s1 =	smin.u32 @p1 s1, $0xFF;
	s0 =	sshll.u32 @!p1 s0, $0xB  }
0x124: {  	s1 =	sshll.u32 @p1 s1, $0x10;
	s0 =	sand.u32 @!p1 $0x1FFFF800, s0  }
0x125: {  	s2 =	sadd.s32 @p1 s1, s6;
	s0 =	sadd.s32 @!p1 s3, s0  }
.LBB2_8:
0x126: {  	s0 =	smov.u32 @p1 s2  }
0x127: {  	[tilespmem:s16], [sflag:$0x4] =	stream.linear.gather [hbm4b:s0+s4], $0x4000, $0x38;
	[tilespmem:$0x1D200] =	vst v63  }
0x128: {  	_ =	swait.ge [sflag:s17], $0x4000  }
0x129: {  	[sflag:s17] =	ssyncset.done $0x0  }
0x12a: {  	[sflag:s17] =	ssyncadd.s32 $0xFFFFC000  }
0x12b: {  	[tilespmem:v0+s13+$0x0] =	vst.idx.msk $0xffff, v3  }
0x12c: {  	[tilespmem:v4+s13+$0x0] =	vst.idx.msk $0xffff, v3  }
0x12d: {  	[tilespmem:v5+s13+$0x0] =	vst.idx.msk $0xffff, v3  }
0x12e: {  	[tilespmem:v6+s13+$0x0] =	vst.idx.msk $0xffff, v3  }
0x12f: {  	s10 =	smov.u32 s9;
	[tilespmem:v7+s13+$0x0] =	vst.idx.msk $0xffff, v3  }
0x130: {  	s7 =	smin.u32 s10, $0xFF;
	[tilespmem:v8+s13+$0x0] =	vst.idx.msk $0xffff, v3  }
0x131: {  	p1 =	seq.s32 s10, $0x0;
	s0 =	sshll.u32 s7, $0x10;
	[tilespmem:v9+s13+$0x0] =	vst.idx.msk $0xffff, v3  }
0x132: {  	s1 =	simm.s32 @!p1 $0xC;
	s0 =	sadd.s32 s0, s5;
	[tilespmem:v10+s13+$0x0] =	vst.idx.msk $0xffff, v3  }
0x133: {  	[hbm4b:s0+s4] =	stream.linear.scatter [tilespmem:s13], [sflag:$0x8], $0x4000, $0x38;
	[tilespmem:$0x1D200] =	vst v63  }
0x134: {  	_ =	swait.ge @!p1 [sflag:s1], $0x4000  }
0x135: {  	[sflag:s1] =	ssyncset.done @!p1 $0x0  }
0x136: {  	s8 =	sadd.s32 $0x7, s8;
	[sflag:s1] =	ssyncadd.s32 @!p1 $0xFFFFC000  }
0x137: {  	v11 =	vld [tilespmem:s8+$0xFFFFFFFF];
	_ =	sdelay $0x4  }
0x138: {  	(v2sf) =	vpush v11, $0x0;
	_ =	sdelay $0xe  }
0x139: {  	s1 =	spop (v2sf)  }
0x13a: {  	s0 =	sadd.s32 $0x4, s10;
	p2 =	slt.s32 s1, $0x0  }
0x13b: {  	s11 =	smin.u32 s0, $0xFF;
	s0 =	smin.u32 @p2 s0, $0xFF;
	s1 =	sshll.u32 @!p2 s1, $0xB  }
0x13c: {  	s0 =	sshll.u32 @p2 s0, $0x10;
	s1 =	sand.u32 @!p2 $0x1FFFF800, s1  }
0x13d: {  	s0 =	sadd.s32 @p2 s0, s6;
	s1 =	sadd.s32 @!p2 s3, s1  }
0x13e: {  	s1 =	smov.u32 @p2 s0  }
0x13f: {  	[tilespmem:s18], [sflag:$0x5] =	stream.linear.gather [hbm4b:s1+s4], $0x4000, $0x38;
	[tilespmem:$0x1D200] =	vst v63  }
0x140: {  	_ =	swait.ge [sflag:s19], $0x4000  }
0x141: {  	[sflag:s19] =	ssyncset.done $0x0  }
0x142: {  	[sflag:s19] =	ssyncadd.s32 $0xFFFFC000  }
0x143: {  	[tilespmem:v0+s14+$0x0] =	vst.idx.msk $0xffff, v3  }
0x144: {  	[tilespmem:v4+s14+$0x0] =	vst.idx.msk $0xffff, v3  }
0x145: {  	[tilespmem:v5+s14+$0x0] =	vst.idx.msk $0xffff, v3  }
0x146: {  	[tilespmem:v6+s14+$0x0] =	vst.idx.msk $0xffff, v3  }
0x147: {  	[tilespmem:v7+s14+$0x0] =	vst.idx.msk $0xffff, v3  }
0x148: {  	s2 =	smin.u32 s10, $0xFE;
	[tilespmem:v8+s14+$0x0] =	vst.idx.msk $0xffff, v3  }
0x149: {  	s1 =	sshll.u32 s2, $0x10;
	s12 =	rddreg [dreg:$0x5];
	[tilespmem:v9+s14+$0x0] =	vst.idx.msk $0xffff, v3  }
0x14a: {  	s0 =	sadd.s32 s1, s12;
	s1 =	simm.s32 @!p1 $0xD;
	[tilespmem:v10+s14+$0x0] =	vst.idx.msk $0xffff, v3  }
0x14b: {  	[hbm4b:s0+s4] =	stream.linear.scatter [tilespmem:s14], [sflag:$0x9], $0x4000, $0x38;
	[tilespmem:$0x1D200] =	vst v63  }
0x14c: {  	_ =	swait.ge @!p1 [sflag:s1], $0x4000  }
0x14d: {  	[sflag:s1] =	ssyncset.done @!p1 $0x0  }
0x14e: {  	[sflag:s1] =	ssyncadd.s32 @!p1 $0xFFFFC000  }
0x14f: {  	v11 =	vld [tilespmem:s8+$0x0];
	_ =	sdelay $0x4  }
0x150: {  	(v2sf) =	vpush v11, $0x0;
	_ =	sdelay $0xe  }
0x151: {  	s1 =	spop (v2sf)  }
0x152: {  	s0 =	sadd.s32 $0x5, s10;
	p2 =	slt.s32 s1, $0x0  }
0x153: {  	s7 =	smin.u32 s0, $0xFF;
	s0 =	smin.u32 @p2 s0, $0xFF;
	s1 =	sshll.u32 @!p2 s1, $0xB  }
0x154: {  	s0 =	sshll.u32 @p2 s0, $0x10;
	s1 =	sand.u32 @!p2 $0x1FFFF800, s1  }
0x155: {  	s0 =	sadd.s32 @p2 s0, s6;
	s1 =	sadd.s32 @!p2 s3, s1  }
0x156: {  	s1 =	smov.u32 @p2 s0  }
0x157: {  	[tilespmem:s20], [sflag:$0x6] =	stream.linear.gather [hbm4b:s1+s4], $0x4000, $0x38;
	[tilespmem:$0x1D200] =	vst v63  }
0x158: {  	_ =	swait.ge [sflag:s21], $0x4000  }
0x159: {  	[sflag:s21] =	ssyncset.done $0x0  }
0x15a: {  	[sflag:s21] =	ssyncadd.s32 $0xFFFFC000  }
0x15b: {  	[tilespmem:v0+s15+$0x0] =	vst.idx.msk $0xffff, v3  }
0x15c: {  	[tilespmem:v4+s15+$0x0] =	vst.idx.msk $0xffff, v3  }
0x15d: {  	[tilespmem:v5+s15+$0x0] =	vst.idx.msk $0xffff, v3  }
0x15e: {  	[tilespmem:v6+s15+$0x0] =	vst.idx.msk $0xffff, v3  }
0x15f: {  	[tilespmem:v7+s15+$0x0] =	vst.idx.msk $0xffff, v3  }
0x160: {  	s2 =	sshll.u32 s7, $0x10;
	s7 =	smin.u32 s10, $0xFD;
	[tilespmem:v8+s15+$0x0] =	vst.idx.msk $0xffff, v3  }
0x161: {  	s1 =	sshll.u32 s7, $0x10;
	s12 =	rddreg [dreg:$0x6];
	[tilespmem:v9+s15+$0x0] =	vst.idx.msk $0xffff, v3  }
0x162: {  	s0 =	sadd.s32 s1, s12;
	s1 =	simm.s32 @!p1 $0xE;
	[tilespmem:v10+s15+$0x0] =	vst.idx.msk $0xffff, v3  }
0x163: {  	[hbm4b:s0+s4] =	stream.linear.scatter [tilespmem:s15], [sflag:$0xA], $0x4000, $0x38;
	[tilespmem:$0x1D200] =	vst v63  }
0x164: {  	_ =	swait.ge @!p1 [sflag:s1], $0x4000  }
0x165: {  	[sflag:s1] =	ssyncset.done @!p1 $0x0  }
0x166: {  	[sflag:s1] =	ssyncadd.s32 @!p1 $0xFFFFC000  }
0x167: {  	v11 =	vld [tilespmem:s8+$0x1];
	_ =	sdelay $0x4  }
0x168: {  	(v2sf) =	vpush v11, $0x0;
	_ =	sdelay $0xe  }
0x169: {  	s1 =	spop (v2sf)  }
0x16a: {  	s0 =	sadd.s32 $0x6, s10;
	p1 =	slt.s32 s1, $0x0  }
0x16b: {  	s7 =	smin.u32 s0, $0xFF;
	s12 =	smin.u32 @p1 s0, $0xFF;
	s1 =	sshll.u32 @!p1 s1, $0xB  }
0x16c: {  	s0 =	sshll.u32 s7, $0x10;
	s7 =	sshll.u32 @p1 s12, $0x10;
	s1 =	sand.u32 @!p1 $0x1FFFF800, s1  }
0x16d: {  	s7 =	sadd.s32 @p1 s7, s6;
	s1 =	sadd.s32 @!p1 s3, s1  }
0x16e: {  	s1 =	smov.u32 @p1 s7  }
0x16f: {  	[tilespmem:s22], [sflag:$0x7] =	stream.linear.gather [hbm4b:s1+s4], $0x4000, $0x38;
	[tilespmem:$0x1D200] =	vst v63  }
0x170: {  	_ =	swait.ge [sflag:s23], $0x4000  }
0x171: {  	[sflag:s23] =	ssyncset.done $0x0  }
0x172: {  	[sflag:s23] =	ssyncadd.s32 $0xFFFFC000  }
0x173: {  	[tilespmem:v0+s16+$0x0] =	vst.idx.msk $0xffff, v3  }
0x174: {  	[tilespmem:v4+s16+$0x0] =	vst.idx.msk $0xffff, v3  }
0x175: {  	[tilespmem:v5+s16+$0x0] =	vst.idx.msk $0xffff, v3  }
0x176: {  	[tilespmem:v6+s16+$0x0] =	vst.idx.msk $0xffff, v3  }
0x177: {  	[tilespmem:v7+s16+$0x0] =	vst.idx.msk $0xffff, v3  }
0x178: {  	s12 =	smin.u32 s10, $0xFC;
	[tilespmem:v8+s16+$0x0] =	vst.idx.msk $0xffff, v3  }
0x179: {  	s7 =	sshll.u32 s12, $0x10;
	s1 =	rddreg [dreg:$0x7];
	[tilespmem:v9+s16+$0x0] =	vst.idx.msk $0xffff, v3  }
0x17a: {  	s1 =	sadd.s32 s7, s1;
	[tilespmem:v10+s16+$0x0] =	vst.idx.msk $0xffff, v3  }
0x17b: {  	[hbm4b:s1+s4] =	stream.linear.scatter [tilespmem:s16], [sflag:$0xB], $0x4000, $0x38;
	[tilespmem:$0x1D200] =	vst v63  }
0x17c: {  	_ =	swait.ge [sflag:s24], $0x4000  }
0x17d: {  	[sflag:s24] =	ssyncset.done $0x0  }
0x17e: {  	[sflag:s24] =	ssyncadd.s32 $0xFFFFC000  }
0x17f: {  	v11 =	vld [tilespmem:s8+$0x2];
	_ =	sdelay $0x4  }
0x180: {  	(v2sf) =	vpush v11, $0x0;
	_ =	sdelay $0xe  }
0x181: {  	s1 =	spop (v2sf)  }
0x182: {  	s9 =	sadd.s32 $0x7, s9;
	p1 =	slt.s32 s1, $0x0  }
0x183: {  	s7 =	smin.u32 @p1 s9, $0xFF;
	s1 =	sshll.u32 @!p1 s1, $0xB  }
0x184: {  	s7 =	sshll.u32 @p1 s7, $0x10;
	s1 =	sand.u32 @!p1 $0x1FFFF800, s1  }
0x185: {  	s7 =	sadd.s32 @p1 s7, s6;
	s1 =	sadd.s32 @!p1 s3, s1  }
0x186: {  	s1 =	smov.u32 @p1 s7  }
0x187: {  	[tilespmem:s13], [sflag:$0x1] =	stream.linear.gather [hbm4b:s1+s4], $0x4000, $0x38;
	[tilespmem:$0x1D200] =	vst v63  }
0x188: {  	_ =	swait.ge [sflag:s25], $0x4000  }
0x189: {  	[sflag:s25] =	ssyncset.done $0x0  }
0x18a: {  	[sflag:s25] =	ssyncadd.s32 $0xFFFFC000  }
0x18b: {  	[tilespmem:v0+s18+$0x0] =	vst.idx.msk $0xffff, v3  }
0x18c: {  	[tilespmem:v4+s18+$0x0] =	vst.idx.msk $0xffff, v3  }
0x18d: {  	[tilespmem:v5+s18+$0x0] =	vst.idx.msk $0xffff, v3  }
0x18e: {  	[tilespmem:v6+s18+$0x0] =	vst.idx.msk $0xffff, v3  }
0x18f: {  	[tilespmem:v7+s18+$0x0] =	vst.idx.msk $0xffff, v3  }
0x190: {  	[tilespmem:v8+s18+$0x0] =	vst.idx.msk $0xffff, v3  }
0x191: {  	s11 =	sshll.u32 s11, $0x10;
	[tilespmem:v9+s18+$0x0] =	vst.idx.msk $0xffff, v3  }
0x192: {  	s11 =	sadd.s32 s11, s5;
	[tilespmem:v10+s18+$0x0] =	vst.idx.msk $0xffff, v3  }
0x193: {  	[hbm4b:s11+s4] =	stream.linear.scatter [tilespmem:s18], [sflag:$0xC], $0x4000, $0x38;
	[tilespmem:$0x1D200] =	vst v63  }
0x194: {  	_ =	swait.ge [sflag:s26], $0x4000  }
0x195: {  	[sflag:s26] =	ssyncset.done $0x0  }
0x196: {  	[sflag:s26] =	ssyncadd.s32 $0xFFFFC000  }
0x197: {  	v11 =	vld [tilespmem:s8+$0x3];
	_ =	sdelay $0x4  }
0x198: {  	(v2sf) =	vpush v11, $0x0;
	_ =	sdelay $0xe  }
0x199: {  	s7 =	spop (v2sf)  }
0x19a: {  	s1 =	sadd.s32 $0x8, s10;
	p1 =	slt.s32 s7, $0x0  }
0x19b: {  	s1 =	smin.u32 @p1 s1, $0xFF;
	s7 =	sshll.u32 @!p1 s7, $0xB  }
0x19c: {  	s1 =	sshll.u32 @p1 s1, $0x10;
	s7 =	sand.u32 @!p1 $0x1FFFF800, s7  }
0x19d: {  	s1 =	sadd.s32 @p1 s1, s6;
	s7 =	sadd.s32 @!p1 s3, s7  }
0x19e: {  	s7 =	smov.u32 @p1 s1  }
0x19f: {  	[tilespmem:s14], [sflag:$0x2] =	stream.linear.gather [hbm4b:s7+s4], $0x4000, $0x38;
	[tilespmem:$0x1D200] =	vst v63  }
0x1a0: {  	_ =	swait.ge [sflag:s28], $0x4000  }
0x1a1: {  	[sflag:s28] =	ssyncset.done $0x0  }
0x1a2: {  	[sflag:s28] =	ssyncadd.s32 $0xFFFFC000  }
0x1a3: {  	[tilespmem:v0+s20+$0x0] =	vst.idx.msk $0xffff, v3  }
0x1a4: {  	[tilespmem:v4+s20+$0x0] =	vst.idx.msk $0xffff, v3  }
0x1a5: {  	[tilespmem:v5+s20+$0x0] =	vst.idx.msk $0xffff, v3  }
0x1a6: {  	[tilespmem:v6+s20+$0x0] =	vst.idx.msk $0xffff, v3  }
0x1a7: {  	[tilespmem:v7+s20+$0x0] =	vst.idx.msk $0xffff, v3  }
0x1a8: {  	[tilespmem:v8+s20+$0x0] =	vst.idx.msk $0xffff, v3  }
0x1a9: {  	[tilespmem:v9+s20+$0x0] =	vst.idx.msk $0xffff, v3  }
0x1aa: {  	s12 =	sadd.s32 s2, s5;
	[tilespmem:v10+s20+$0x0] =	vst.idx.msk $0xffff, v3  }
0x1ab: {  	[hbm4b:s12+s4] =	stream.linear.scatter [tilespmem:s20], [sflag:$0xD], $0x4000, $0x38;
	[tilespmem:$0x1D200] =	vst v63  }
0x1ac: {  	_ =	swait.ge [sflag:s29], $0x4000  }
0x1ad: {  	[sflag:s29] =	ssyncset.done $0x0  }
0x1ae: {  	[sflag:s29] =	ssyncadd.s32 $0xFFFFC000  }
0x1af: {  	v11 =	vld [tilespmem:s8+$0x4];
	_ =	sdelay $0x4  }
0x1b0: {  	(v2sf) =	vpush v11, $0x0;
	_ =	sdelay $0xe  }
0x1b1: {  	s2 =	spop (v2sf)  }
0x1b2: {  	s1 =	sadd.s32 $0x9, s10;
	p1 =	slt.s32 s2, $0x0  }
0x1b3: {  	s1 =	smin.u32 @p1 s1, $0xFF;
	s2 =	sshll.u32 @!p1 s2, $0xB  }
0x1b4: {  	s1 =	sshll.u32 @p1 s1, $0x10;
	s2 =	sand.u32 @!p1 $0x1FFFF800, s2  }
0x1b5: {  	s1 =	sadd.s32 @p1 s1, s6;
	s2 =	sadd.s32 @!p1 s3, s2  }
0x1b6: {  	s2 =	smov.u32 @p1 s1  }
0x1b7: {  	[tilespmem:s15], [sflag:$0x3] =	stream.linear.gather [hbm4b:s2+s4], $0x4000, $0x38;
	[tilespmem:$0x1D200] =	vst v63  }
0x1b8: {  	_ =	swait.ge [sflag:s30], $0x4000  }
0x1b9: {  	[sflag:s30] =	ssyncset.done $0x0  }
0x1ba: {  	[sflag:s30] =	ssyncadd.s32 $0xFFFFC000  }
0x1bb: {  	[tilespmem:v0+s22+$0x0] =	vst.idx.msk $0xffff, v3  }
0x1bc: {  	[tilespmem:v4+s22+$0x0] =	vst.idx.msk $0xffff, v3  }
0x1bd: {  	[tilespmem:v5+s22+$0x0] =	vst.idx.msk $0xffff, v3  }
0x1be: {  	[tilespmem:v6+s22+$0x0] =	vst.idx.msk $0xffff, v3  }
0x1bf: {  	[tilespmem:v7+s22+$0x0] =	vst.idx.msk $0xffff, v3  }
0x1c0: {  	[tilespmem:v8+s22+$0x0] =	vst.idx.msk $0xffff, v3  }
0x1c1: {  	[tilespmem:v9+s22+$0x0] =	vst.idx.msk $0xffff, v3  }
0x1c2: {  	s0 =	sadd.s32 s0, s5;
	[tilespmem:v10+s22+$0x0] =	vst.idx.msk $0xffff, v3  }
0x1c3: {  	[hbm4b:s0+s4] =	stream.linear.scatter [tilespmem:s22], [sflag:$0xE], $0x4000, $0x38;
	[tilespmem:$0x1D200] =	vst v63  }
0x1c4: {  	_ =	swait.ge [sflag:s31], $0x4000  }
0x1c5: {  	[sflag:s31] =	ssyncset.done $0x0  }
0x1c6: {  	[sflag:s31] =	ssyncadd.s32 $0xFFFFC000  }
0x1c7: {  	v11 =	vld [tilespmem:s8+$0x5];
	_ =	sdelay $0x4  }
0x1c8: {  	(v2sf) =	vpush v11, $0x0;
	_ =	sdelay $0xd  }
0x1c9: {  	p0 =	sne.s32 s9, $0x10A  }
.Ltmp6:
0x1ca: {  	s1 =	spop (v2sf);
	(pc) =	sbr.rel @p0 .LBB2_8-.Ltmp6, $4  }
0x1cb: {  	s0 =	sadd.s32 $0xA, s10;
	p1 =	slt.s32 s1, $0x0  }
0x1cc: {  	s0 =	smin.u32 @p1 s0, $0xFF;
	s1 =	sshll.u32 @!p1 s1, $0xB  }
0x1cd: {  	s0 =	sshll.u32 @p1 s0, $0x10;
	s1 =	sand.u32 @!p1 $0x1FFFF800, s1  }
0x1ce: {  	s2 =	sadd.s32 @p1 s0, s6;
	s0 =	sadd.s32 @!p1 s3, s1  }
0x1cf: {  	s0 =	smov.u32 @p1 s2;
	s8 =	simm.s32 $0xC  }
0x1d0: {  	[tilespmem:s16], [sflag:$0x4] =	stream.linear.gather [hbm4b:s0+s4], $0x4000, $0x38;
	[tilespmem:$0x1D200] =	vst v63  }
0x1d1: {  	_ =	swait.ge [sflag:s8], $0x4000  }
0x1d2: {  	[sflag:s8] =	ssyncset.done $0x0  }
0x1d3: {  	s9 =	simm.s32 $0xD;
	[sflag:s8] =	ssyncadd.s32 $0xFFFFC000  }
0x1d4: {  	_ =	swait.ge [sflag:s9], $0x4000  }
0x1d5: {  	[sflag:s9] =	ssyncset.done $0x0  }
0x1d6: {  	s10 =	simm.s32 $0xE;
	[sflag:s9] =	ssyncadd.s32 $0xFFFFC000  }
0x1d7: {  	_ =	swait.ge [sflag:s10], $0x4000  }
0x1d8: {  	[sflag:s10] =	ssyncset.done $0x0  }
0x1d9: {  	[sflag:s10] =	ssyncadd.s32 $0xFFFFC000  }
0x1da: {  	_ =	swait.ge [sflag:s17], $0x4000  }
0x1db: {  	[sflag:s17] =	ssyncset.done $0x0  }
0x1dc: {  	[sflag:s17] =	ssyncadd.s32 $0xFFFFC000  }
0x1dd: {  	_ =	swait.ge [sflag:s19], $0x4000  }
0x1de: {  	[sflag:s19] =	ssyncset.done $0x0  }
0x1df: {  	[sflag:s19] =	ssyncadd.s32 $0xFFFFC000  }
0x1e0: {  	_ =	swait.ge [sflag:s21], $0x4000  }
0x1e1: {  	[sflag:s21] =	ssyncset.done $0x0  }
0x1e2: {  	[sflag:s21] =	ssyncadd.s32 $0xFFFFC000  }
0x1e3: {  	_ =	swait.ge [sflag:s23], $0x4000  }
0x1e4: {  	s11 =	rddreg [dreg:$0xc]  }
0x1e5: {  	s12 =	rddreg [dreg:$0xb];
	s2 =	sadd.s32 $0x1, s11  }
0x1e6: {  	p0 =	sne.s32 s2, s12  }
.Ltmp7:
0x1e7: {  	_ = 	snop;
	(pc) =	sbr.rel @p0 .LBB2_1-.Ltmp7, $3  }
0x1e8: {  	_ =	sdelay $0x1  }
0x1e9: {  	[sflag:s23] =	ssyncset.done $0x0  }
0x1ea: {  	s1 =	simm.s32 $0x1080;
	[sflag:s23] =	ssyncadd.s32 $0xFFFFC000  }
0x1eb: {  	_ =	sfence.sel $0x180000  }
0x1ec: {  	[bflag:$0x0] =	sbarrier.arrive $0xFFFF  }
0x1ed: {  	_ =	strace $0x90000047  }
0x1ee: {  	s0 =	stileid.u32;
	[bflag:$0x2] =	sbarrier.arrive $0xFFFF  }
0x1ef: {  	p0 =	sne.s32 s0, $0x0;
	s0 =	rddreg [dreg:$0x4]  }
0x1f0: {  	s0 =	sadd.s32 @!p0 $0x100000, s0  }
0x1f1: {  	[sflag:s0] =	ssyncadd.tile.s32 @!p0 $0x1;
	_ =	shalt  }
.Lfunc_end2:
_tile_overlayer_lowered:
.L_overlay_start_2:
0x1f2: {  	(tag) =	ssettag $0x2  }
0x1f3: {  	s0 =	rddreg [dreg:$0x0];
	s2 =	stileid.u32  }
0x1f4: {  	s1 =	rddreg [dreg:$0x1];
	p0 =	sne.s32 s2, $0x0  }
0x1f5: {  	s3 =	rddreg [dreg:$0x2];
	[bflag:$0x3] =	sbarrier.arrive $0xFFFF;
	s2 =	simm.s32 @!p0 $0x1C0F  }
0x1f6: {  	[timem:s3], [sflag:s2] =	dma.local @!p0 [hbm:s0], s1  }
0x1f7: {  	s0 =	simm.s32 @!p0 $0xF  }
0x1f8: {  	_ =	swait.ge @!p0 [sflag:s0], s1  }
0x1f9: {  	s1 =	ssub.s32 @!p0 $0x0, s1;
	[sflag:s0] =	ssyncset.done @!p0 $0x0  }
0x1fa: {  	[sflag:s0] =	ssyncadd.s32 @!p0 s1  }
0x1fb: {  	[bflag:$0x3] =	sbarrier.arrive $0xFFFF  }
0x1fc: {  	_ =	shalt  }

</sc_bundles>
